<compile_context>
chip_gen: v7x
topology: tpu7x:2x2x1
jax: 0.10.2.dev20260603
libtpu: 0.0.44.dev20260713+nightly
codegen_flags: <defaults>
</compile_context>

<pallas_src>
import functools

import jax
import jax.numpy as jnp
from jax import lax
from jax.experimental import pallas as pl
from jax.experimental.pallas import tpu as pltpu
from jax.experimental.pallas import tpu_sc as plsc

NC = 2
NS = 16
NW = NC * NS
CH = 128
LANES = 16


def _sc_mesh():
    return plsc.VectorSubcoreMesh(
        core_axis_name="c", subcore_axis_name="s",
        num_cores=NC, num_subcores=NS)


def _zero_vmem_2d(ref, rows, cols):
    def fill(r, _):
        for k in range(cols // LANES):
            ref[r, pl.ds(k * LANES, LANES)] = jnp.zeros((LANES,), jnp.float32)
        return 0
    lax.fori_loop(0, rows, fill, 0)


def _zero_vmem_1d(ref, n):
    def fill(r, _):
        ref[pl.ds(r * LANES, LANES)] = jnp.zeros((LANES,), jnp.float32)
        return 0
    lax.fori_loop(0, n // LANES, fill, 0)


def _sc_degree(dstp, n_pad, n_chunks):
    rpt = n_pad // NS

    @functools.partial(
        pl.kernel,
        out_type=jax.ShapeDtypeStruct((NC * n_pad,), jnp.float32),
        mesh=_sc_mesh(),
        scratch_types=[
            pltpu.VMEM_SHARED((n_pad,), jnp.float32),
            pltpu.VMEM((n_chunks, CH), jnp.int32),
            pltpu.VMEM((CH,), jnp.float32),
            pltpu.VMEM((rpt,), jnp.float32),
            pltpu.SemaphoreType.DMA,
        ],
    )
    def k(dst_hbm, out_hbm, acc_sh, dst_v, ones_v, buf_v, sem):
        c = lax.axis_index("c")
        s = lax.axis_index("s")
        w = c * NS + s
        pltpu.sync_copy(dst_hbm.at[w], dst_v)

        def fill_ones(r, _):
            ones_v[pl.ds(r * LANES, LANES)] = jnp.ones((LANES,), jnp.float32)
            return 0
        lax.fori_loop(0, CH // LANES, fill_ones, 0)
        _zero_vmem_1d(buf_v, rpt)
        pltpu.sync_copy(buf_v, acc_sh.at[pl.ds(s * rpt, rpt)])
        plsc.subcore_barrier()

        depth = 4

        def fire(j, _):
            @pl.when(j >= depth)
            def _():
                pltpu.make_async_copy(ones_v, acc_sh.at[dst_v.at[j - depth]],
                                      sem).wait()
            pltpu.async_copy(ones_v, acc_sh.at[dst_v.at[j]], sem, add=True)
            return 0
        lax.fori_loop(0, n_chunks, fire, 0)

        def drain(j, _):
            pltpu.make_async_copy(ones_v, acc_sh.at[dst_v.at[j]], sem).wait()
            return 0
        lax.fori_loop(n_chunks - depth, n_chunks, drain, 0)
        plsc.subcore_barrier()
        pltpu.sync_copy(acc_sh.at[pl.ds(s * rpt, rpt)],
                        out_hbm.at[pl.ds(c * n_pad + s * rpt, rpt)])

    return k(dstp)


def _sc_edge_agg(g1s, srcp, dstp, n_pad, n_chunks):
    dh = g1s.shape[1]
    rpt = n_pad // NS
    tch = n_chunks * NC
    hblk = tch // 4
    nbuf = 2

    @functools.partial(
        pl.kernel,
        out_type=jax.ShapeDtypeStruct((NC * n_pad, dh), jnp.float32),
        mesh=_sc_mesh(),
        compiler_params=pltpu.CompilerParams(use_tc_tiling_on_sc=False),
        scratch_types=[
            pltpu.VMEM_SHARED((n_pad, dh), jnp.float32),
            pltpu.VMEM_SHARED((n_pad, dh), jnp.float32),
            pltpu.VMEM((hblk, CH), jnp.int32),
            pltpu.VMEM((hblk, CH), jnp.int32),
            pltpu.VMEM((nbuf, CH, dh), jnp.float32),
            [pltpu.SemaphoreType.DMA] * nbuf,
        ],
    )
    def k(g1s_hbm, src_hbm, dst_hbm, out_hbm, acc_sh, tab_sh, src_v, dst_v,
          rows_v, gsems):
        c = lax.axis_index("c")
        s = lax.axis_index("s")
        pltpu.sync_copy(g1s_hbm.at[pl.ds(c * n_pad + s * rpt, rpt)],
                        tab_sh.at[pl.ds(s * rpt, rpt)])
        _zero_vmem_2d(rows_v.at[0], CH, dh)
        for i in range(rpt // CH):
            pltpu.sync_copy(rows_v.at[0],
                            acc_sh.at[pl.ds(s * rpt + i * CH, CH)])
        plsc.subcore_barrier()

        def gfire(b, j):
            pltpu.async_copy(tab_sh.at[src_v.at[j]], rows_v.at[b], gsems[b])

        def gwait(b, j):
            pltpu.make_async_copy(
                tab_sh.at[src_v.at[j]], rows_v.at[b], gsems[b]).wait()

        def sadd(b, j):
            pltpu.sync_copy(rows_v.at[b], acc_sh.at[dst_v.at[j]], add=True)

        for half in range(tch // hblk):
            pltpu.sync_copy(src_hbm.at[s * (tch // hblk) + half], src_v)
            pltpu.sync_copy(dst_hbm.at[s * (tch // hblk) + half], dst_v)
            gfire(0, 0)

            def body(kk, _):
                j0 = kk * 2
                gwait(0, j0)
                gfire(1, j0 + 1)
                sadd(0, j0)
                gwait(1, j0 + 1)
                @pl.when(j0 + 2 < hblk)
                def _fire():
                    gfire(0, j0 + 2)
                sadd(1, j0 + 1)
                return 0
            lax.fori_loop(0, hblk // 2, body, 0)
        plsc.subcore_barrier()
        pltpu.sync_copy(acc_sh.at[pl.ds(s * rpt, rpt)],
                        out_hbm.at[pl.ds(c * n_pad + s * rpt, rpt)])

    nblk2 = tch // hblk
    return k(g1s, srcp.reshape(NS * nblk2, hblk, CH),
             dstp.reshape(NS * nblk2, hblk, CH))


def _sc_edge_agg_scalar(g2, srcp, dstp, n_pad, n_chunks):
    rpt = n_pad // NS

    nbuf = 2
    assert n_chunks % nbuf == 0

    @functools.partial(
        pl.kernel,
        out_type=jax.ShapeDtypeStruct((NC * n_pad,), jnp.float32),
        mesh=_sc_mesh(),
        scratch_types=[
            pltpu.VMEM_SHARED((n_pad,), jnp.float32),
            pltpu.VMEM_SHARED((n_pad,), jnp.float32),
            pltpu.VMEM((n_chunks, CH), jnp.int32),
            pltpu.VMEM((n_chunks, CH), jnp.int32),
            pltpu.VMEM((nbuf, CH), jnp.float32),
            pltpu.VMEM((rpt,), jnp.float32),
            [pltpu.SemaphoreType.DMA] * nbuf,
            [pltpu.SemaphoreType.DMA] * nbuf,
        ],
    )
    def k(g2_hbm, src_hbm, dst_hbm, out_hbm, acc_sh, tab_sh, src_v, dst_v,
          vals_v, buf_v, gsems, ssems):
        c = lax.axis_index("c")
        s = lax.axis_index("s")
        w = c * NS + s
        pltpu.sync_copy(src_hbm.at[w], src_v)
        pltpu.sync_copy(dst_hbm.at[w], dst_v)
        @pl.when(s == 0)
        def _():
            pltpu.sync_copy(g2_hbm, tab_sh)
        _zero_vmem_1d(buf_v, rpt)
        pltpu.sync_copy(buf_v, acc_sh.at[pl.ds(s * rpt, rpt)])
        plsc.subcore_barrier()

        def gfire(b, j):
            pltpu.async_copy(tab_sh.at[src_v.at[j]], vals_v.at[b], gsems[b])

        def gwait(b, j):
            pltpu.make_async_copy(
                tab_sh.at[src_v.at[j]], vals_v.at[b], gsems[b]).wait()

        def sfire(b, j):
            pltpu.async_copy(vals_v.at[b], acc_sh.at[dst_v.at[j]], ssems[b],
                             add=True)

        def swait(b, j):
            pltpu.make_async_copy(
                vals_v.at[b], acc_sh.at[dst_v.at[j]], ssems[b]).wait()

        for b in range(nbuf):
            gfire(b, b)

        def body(kk, _):
            j0 = kk * nbuf
            for b in range(nbuf):
                gwait(b, j0 + b)
                sfire(b, j0 + b)
            for b in range(nbuf):
                jn = j0 + b + nbuf
                swait(b, j0 + b)
                @pl.when(jn < n_chunks)
                def _fire(b=b, jn=jn):
                    gfire(b, jn)
            return 0
        lax.fori_loop(0, n_chunks // nbuf, body, 0)
        plsc.subcore_barrier()
        pltpu.sync_copy(acc_sh.at[pl.ds(s * rpt, rpt)],
                        out_hbm.at[pl.ds(c * n_pad + s * rpt, rpt)])

    return k(g2, srcp, dstp)


def _tc_prescale(x_pad, w1, degp):
    np_, dx = x_pad.shape
    h = w1.shape[1]
    blk = 1280
    grid = np_ // blk

    hh = h // 2

    def body(x_ref, w_ref, degp_ref, g1s_ref, dinv_ref):
        deg = 1.0 + degp_ref[0] + degp_ref[1]
        dinv = lax.rsqrt(deg)
        hb = jnp.dot(x_ref[...], w_ref[...],
                     preferred_element_type=jnp.float32) * dinv
        g1s_ref[0] = hb[:, :hh]
        g1s_ref[1] = hb[:, hh:]
        dinv_ref[...] = dinv

    return pl.pallas_call(
        body,
        grid=(grid,),
        in_specs=[
            pl.BlockSpec((blk, dx), lambda i: (i, 0)),
            pl.BlockSpec((dx, h), lambda i: (0, 0)),
            pl.BlockSpec((2, blk, 1), lambda i: (0, i, 0)),
        ],
        out_specs=[
            pl.BlockSpec((2, blk, hh), lambda i: (0, i, 0)),
            pl.BlockSpec((blk, 1), lambda i: (i, 0)),
        ],
        out_shape=[
            jax.ShapeDtypeStruct((2, np_, hh), jnp.float32),
            jax.ShapeDtypeStruct((np_, 1), jnp.float32),
        ],
    )(x_pad, w1, degp.reshape(2, np_, 1))


def _tc_layer2(agg1s, g1s, dinv, b1, w2):
    _, np_, hh = g1s.shape
    h = 2 * hh
    blk = 1280
    grid = np_ // blk

    def body(aggs_ref, g1s_ref, dinv_ref, b1_ref, w2_ref, g2_ref):
        dinv = dinv_ref[...]
        w2 = w2_ref[...]
        h2 = jnp.zeros((blk, 1), jnp.float32)
        for hf in range(2):
            a = (aggs_ref[hf] + g1s_ref[hf]) * dinv
            z = jnp.maximum(a + b1_ref[hf][None, :], 0.0)
            h2 = h2 + jnp.dot(z, w2[hf * hh:(hf + 1) * hh],
                              preferred_element_type=jnp.float32)
        g2_ref[...] = h2 * dinv

    return pl.pallas_call(
        body,
        grid=(grid,),
        in_specs=[
            pl.BlockSpec((2, blk, hh), lambda i: (0, i, 0)),
            pl.BlockSpec((2, blk, hh), lambda i: (0, i, 0)),
            pl.BlockSpec((blk, 1), lambda i: (i, 0)),
            pl.BlockSpec((2, hh), lambda i: (0, 0)),
            pl.BlockSpec((h, 1), lambda i: (0, 0)),
        ],
        out_specs=pl.BlockSpec((blk, 1), lambda i: (i, 0)),
        out_shape=jax.ShapeDtypeStruct((np_, 1), jnp.float32),
    )(agg1s, g1s, dinv, b1.reshape(2, hh), w2)


def _tc_final(agg2p, g2r, dinvr, b2):
    r, c = g2r.shape

    def body(aggp_ref, g2_ref, dinv_ref, b2_ref, out_ref):
        out_ref[...] = ((aggp_ref[0] + aggp_ref[1] + g2_ref[...])
                        * dinv_ref[...] + b2_ref[...])

    return pl.pallas_call(
        body,
        in_specs=[
            pl.BlockSpec((2, r, c), lambda: (0, 0, 0)),
            pl.BlockSpec((r, c), lambda: (0, 0)),
            pl.BlockSpec((r, c), lambda: (0, 0)),
            pl.BlockSpec((1, 1), lambda: (0, 0)),
        ],
        out_specs=pl.BlockSpec((r, c), lambda: (0, 0)),
        out_shape=jax.ShapeDtypeStruct((r, c), jnp.float32),
    )(agg2p, g2r, dinvr, b2.reshape(1, 1))


def kernel(x, edge_index, W1, b1, W2, b2):
    n, d = x.shape
    e = edge_index.shape[1]
    np_ = ((n + NW * LANES - 1) // (NW * LANES)) * (NW * LANES)
    n_chunks = (e + NW * CH - 1) // (NW * CH)
    n_chunks = ((n_chunks + 3) // 4) * 4
    e_pad = NW * n_chunks * CH
    pad_idx = np_ - 1

    src = edge_index[0]
    dst = edge_index[1]
    fill = jnp.full((e_pad - e,), pad_idx, jnp.int32)
    srcp = jnp.concatenate([src, fill]).reshape(NW, n_chunks, CH)
    dstp = jnp.concatenate([dst, fill]).reshape(NW, n_chunks, CH)
    x_pad = jnp.pad(x, ((0, np_ - n), (0, 0)))

    degp = _sc_degree(dstp, np_, n_chunks)
    g1s, dinv = _tc_prescale(x_pad, W1, degp)
    agg1s = _sc_edge_agg(g1s.reshape(2 * np_, -1), srcp, dstp, np_,
                         n_chunks)
    g2 = _tc_layer2(agg1s.reshape(2, np_, -1), g1s, dinv, b1, W2)
    agg2p = _sc_edge_agg_scalar(g2.reshape(np_), srcp, dstp, np_, n_chunks)
    out = _tc_final(agg2p.reshape(2, np_ // 128, 128),
                    g2.reshape(np_ // 128, 128),
                    dinv.reshape(np_ // 128, 128), b2)
    return out.reshape(np_)[:n]

# --- scband reference (transcript-rebuilt; emitter-appended) ---
"""Pipeline reference for scband-gnnmodel-3573412790951 (READ-ONLY COPY).

The authoritative reference and input builder live on the scoring server;
editing this copy changes nothing except your own understanding.
"""

import jax, jax.numpy as jnp
import numpy as np

N = 10000
E = 320000
D = 128
H = 128


def _gcn_conv(x, edge_index, W, b):
    # PyG-style GCNConv: linear transform, add self-loops, symmetric normalization,
    # scatter-add aggregation, then bias.
    n = x.shape[0]
    src = edge_index[0]
    dst = edge_index[1]
    loop = jnp.arange(n, dtype=src.dtype)
    src = jnp.concatenate([src, loop], axis=0)
    dst = jnp.concatenate([dst, loop], axis=0)
    ones = jnp.ones(src.shape[0], dtype=x.dtype)
    deg = jax.ops.segment_sum(ones, dst, num_segments=n)
    deg_inv_sqrt = jnp.where(deg > 0, 1.0 / jnp.sqrt(deg), 0.0)
    norm = deg_inv_sqrt[src] * deg_inv_sqrt[dst]
    h = x @ W
    msgs = h[src] * norm[:, None]
    out = jax.ops.segment_sum(msgs, dst, num_segments=n)
    return out + b


def setup_inputs(seed: int = 0) -> dict:
    key = jax.random.key(seed)
    k1, k2, k3, k4 = jax.random.split(key, 4)
    x = jax.random.normal(k1, (N, D), dtype=jnp.float32)
    edge_index = jax.random.randint(k2, (2, E), 0, N, dtype=jnp.int32)
    W1 = jax.random.normal(k3, (D, H), dtype=jnp.float32) * (1.0 / np.sqrt(D))
    b1 = jnp.zeros((H,), dtype=jnp.float32)
    W2 = jax.random.normal(k4, (H, 1), dtype=jnp.float32) * (1.0 / np.sqrt(H))
    b2 = jnp.zeros((1,), dtype=jnp.float32)
    return {"x": x, "edge_index": edge_index, "W1": W1, "b1": b1, "W2": W2, "b2": b2}


def reference(x, edge_index, W1, b1, W2, b2):
    h = jax.nn.relu(_gcn_conv(x, edge_index, W1, b1))
    out = _gcn_conv(h, edge_index, W2, b2)
    return jnp.squeeze(out, axis=-1)

if __name__ == "__main__":
    import jax
    _d = setup_inputs()
    print(jax.jit(kernel)(*tuple(_d.values())))

</pallas_src>

<mosaic_0001>
#map = affine_map<(d0, d1) -> (0, 0, 0)>
#map1 = affine_map<(d0, d1) -> (0)>
module attributes {stable_mosaic.version = 14 : i64} {
  func.func @k(%arg0: i32, %arg1: i32, %arg2: memref<32x80x128xi32, #tpu.memory_space<hbm>>, %arg3: memref<20480xf32, #tpu.memory_space<hbm>>, %arg4: memref<10240xf32, #tpu.memory_space<vmem_shared>>, %arg5: memref<80x128xi32, #tpu.memory_space<vmem>>, %arg6: memref<128xf32, #tpu.memory_space<vmem>>, %arg7: memref<640xf32, #tpu.memory_space<vmem>>, %arg8: memref<!tpu.dma_semaphore, #tpu.memory_space<semaphore_mem>>) attributes {dimension_semantics = [#tpu.dimension_semantics<core_parallel>, #tpu.dimension_semantics<subcore_parallel>], iteration_bounds = array<i64: 2, 16>, scalar_prefetch = 0 : i64, scratch_operands = 5 : i64, tpu.core_type = #tpu.core_type<sc_vector_subcore>, window_params = [{transform_indices = #map}, {transform_indices = #map1}]} {
    %mul3A = arith.constant 16 : i32
    %mul3A_0 = arith.muli %arg0, %mul3A : i32
    %add3A = arith.addi %mul3A_0, %arg1 : i32
    "tpu.region"() ({
      %run_scoped3A = tpu.sem_alloc : memref<!tpu.dma_semaphore, #tpu.memory_space<semaphore_mem>>
      %dma_start3A = arith.constant 0 : i32
      %dma_start3A_38 = arith.constant 0 : i32
      %dma_start3A_39 = tpu.memref_slice %arg2[%add3A, %dma_start3A, %dma_start3A_38] : memref<32x80x128xi32, #tpu.memory_space<hbm>> -> memref<1x80x128xi32, #tpu.memory_space<hbm>>
      %dma_start3A_40 = tpu.memref_squeeze %dma_start3A_39 : memref<1x80x128xi32, #tpu.memory_space<hbm>> -> memref<80x128xi32, #tpu.memory_space<hbm>>
      %dma_start3A_41 = arith.constant 0 : i32
      %dma_start3A_42 = arith.constant 0 : i32
      %dma_start3A_43 = tpu.memref_slice %arg2[%add3A, %dma_start3A_41, %dma_start3A_42] : memref<32x80x128xi32, #tpu.memory_space<hbm>> -> memref<1x80x128xi32, #tpu.memory_space<hbm>>
      %dma_start3A_44 = tpu.memref_squeeze %dma_start3A_43 : memref<1x80x128xi32, #tpu.memory_space<hbm>> -> memref<80x128xi32, #tpu.memory_space<hbm>>
      tpu.enqueue_dma source(%dma_start3A_44 : memref<80x128xi32, #tpu.memory_space<hbm>>) target(%arg5 : memref<80x128xi32, #tpu.memory_space<vmem>>) target_semaphore(%run_scoped3A : memref<!tpu.dma_semaphore, #tpu.memory_space<semaphore_mem>>)
      %dma_wait3A = arith.constant 0 : i32
      %dma_wait3A_45 = arith.constant 0 : i32
      %dma_wait3A_46 = tpu.memref_slice %arg2[%add3A, %dma_wait3A, %dma_wait3A_45] : memref<32x80x128xi32, #tpu.memory_space<hbm>> -> memref<1x80x128xi32, #tpu.memory_space<hbm>>
      %dma_wait3A_47 = tpu.memref_squeeze %dma_wait3A_46 : memref<1x80x128xi32, #tpu.memory_space<hbm>> -> memref<80x128xi32, #tpu.memory_space<hbm>>
      %dma_wait3A_48 = arith.constant 0 : i32
      %dma_wait3A_49 = arith.constant 0 : i32
      %dma_wait3A_50 = tpu.memref_slice %arg2[%add3A, %dma_wait3A_48, %dma_wait3A_49] : memref<32x80x128xi32, #tpu.memory_space<hbm>> -> memref<1x80x128xi32, #tpu.memory_space<hbm>>
      %dma_wait3A_51 = tpu.memref_squeeze %dma_wait3A_50 : memref<1x80x128xi32, #tpu.memory_space<hbm>> -> memref<80x128xi32, #tpu.memory_space<hbm>>
      tpu.wait_dma2 semaphore(%run_scoped3A : memref<!tpu.dma_semaphore, #tpu.memory_space<semaphore_mem>>) src(%dma_wait3A_51 : memref<80x128xi32, #tpu.memory_space<hbm>>) dst(%arg5 : memref<80x128xi32, #tpu.memory_space<vmem>>)
      tpu.yield
    }) : () -> ()
    %scan3A = arith.constant 0 : i32
    %scan3A_1 = arith.constant 0 : i32
    %scan3A_2 = arith.constant 8 : i32
    %scan3A_3 = arith.addi %scan3A_1, %scan3A_2 : i32
    %scan3A_4 = arith.constant 1 : i32
    %scan3A_5 = scf.for %scan3A_38 = %scan3A_1 to %scan3A_3 step %scan3A_4 iter_args(%scan3A_39 = %scan3A) -> (i32)  : i32 {
      %broadcast_in_dim3A = arith.constant 1.000000e+00 : f32
      %broadcast_in_dim3A_40 = vector.broadcast %broadcast_in_dim3A : f32 to vector<16xf32>
      %mul3A_41 = arith.constant 16 : i32
      %mul3A_42 = arith.muli %scan3A_38, %mul3A_41 : i32
      %swap3A = arith.index_cast %mul3A_42 : i32 to index
      %swap3A_43 = tpu.vector_load %arg6[%swap3A] {strides = array<i32>} : memref<128xf32, #tpu.memory_space<vmem>>, vector<16xf32>,
      %swap3A_44 = vector.shape_cast %swap3A_43 : vector<16xf32> to vector<16xf32>
      %swap3A_45 = vector.shape_cast %broadcast_in_dim3A_40 : vector<16xf32> to vector<16xf32>
      tpu.vector_store %arg6[%swap3A], %swap3A_45 {strides = array<i32>} : memref<128xf32, #tpu.memory_space<vmem>>, vector<16xf32>,
      %scan3A_46 = arith.constant 0 : i32
      scf.yield %scan3A_46 : i32
    }
    %scan3A_6 = arith.constant 8 : i32
    %scan3A_7 = arith.constant 0 : i32
    %scan3A_8 = arith.constant 0 : i32
    %scan3A_9 = arith.constant 40 : i32
    %scan3A_10 = arith.addi %scan3A_8, %scan3A_9 : i32
    %scan3A_11 = arith.constant 1 : i32
    %scan3A_12 = scf.for %scan3A_38 = %scan3A_8 to %scan3A_10 step %scan3A_11 iter_args(%scan3A_39 = %scan3A_7) -> (i32)  : i32 {
      %broadcast_in_dim3A = arith.constant 0.000000e+00 : f32
      %broadcast_in_dim3A_40 = vector.broadcast %broadcast_in_dim3A : f32 to vector<16xf32>
      %mul3A_41 = arith.constant 16 : i32
      %mul3A_42 = arith.muli %scan3A_38, %mul3A_41 : i32
      %swap3A = arith.index_cast %mul3A_42 : i32 to index
      %swap3A_43 = tpu.vector_load %arg7[%swap3A] {strides = array<i32>} : memref<640xf32, #tpu.memory_space<vmem>>, vector<16xf32>,
      %swap3A_44 = vector.shape_cast %swap3A_43 : vector<16xf32> to vector<16xf32>
      %swap3A_45 = vector.shape_cast %broadcast_in_dim3A_40 : vector<16xf32> to vector<16xf32>
      tpu.vector_store %arg7[%swap3A], %swap3A_45 {strides = array<i32>} : memref<640xf32, #tpu.memory_space<vmem>>, vector<16xf32>,
      %scan3A_46 = arith.constant 0 : i32
      scf.yield %scan3A_46 : i32
    }
    %scan3A_13 = arith.constant 40 : i32
    %mul3A_14 = arith.constant 640 : i32
    %mul3A_15 = arith.muli %arg1, %mul3A_14 : i32
    "tpu.region"() ({
      %run_scoped3A = tpu.sem_alloc : memref<!tpu.dma_semaphore, #tpu.memory_space<semaphore_mem>>
      %dma_start3A = tpu.memref_slice %arg4[%mul3A_15] : memref<10240xf32, #tpu.memory_space<vmem_shared>> -> memref<640xf32, #tpu.memory_space<vmem_shared>>
      %dma_start3A_38 = tpu.memref_slice %arg4[%mul3A_15] : memref<10240xf32, #tpu.memory_space<vmem_shared>> -> memref<640xf32, #tpu.memory_space<vmem_shared>>
      tpu.enqueue_dma source(%arg7 : memref<640xf32, #tpu.memory_space<vmem>>) target(%dma_start3A_38 : memref<640xf32, #tpu.memory_space<vmem_shared>>) target_semaphore(%run_scoped3A : memref<!tpu.dma_semaphore, #tpu.memory_space<semaphore_mem>>)
      %dma_wait3A = tpu.memref_slice %arg4[%mul3A_15] : memref<10240xf32, #tpu.memory_space<vmem_shared>> -> memref<640xf32, #tpu.memory_space<vmem_shared>>
      %dma_wait3A_39 = tpu.memref_slice %arg4[%mul3A_15] : memref<10240xf32, #tpu.memory_space<vmem_shared>> -> memref<640xf32, #tpu.memory_space<vmem_shared>>
      tpu.wait_dma2 semaphore(%run_scoped3A : memref<!tpu.dma_semaphore, #tpu.memory_space<semaphore_mem>>) src(%arg7 : memref<640xf32, #tpu.memory_space<vmem>>) dst(%dma_wait3A_39 : memref<640xf32, #tpu.memory_space<vmem_shared>>)
      tpu.yield
    }) : () -> ()
    %barrier3A = arith.constant 0 : index
    tpu.barrier barrier_id(%barrier3A)
    %scan3A_16 = arith.constant 0 : i32
    %scan3A_17 = arith.constant 0 : i32
    %scan3A_18 = arith.constant 80 : i32
    %scan3A_19 = arith.addi %scan3A_17, %scan3A_18 : i32
    %scan3A_20 = arith.constant 1 : i32
    %scan3A_21 = scf.for %scan3A_38 = %scan3A_17 to %scan3A_19 step %scan3A_20 iter_args(%scan3A_39 = %scan3A_16) -> (i32)  : i32 {
      %ge3A = arith.constant 4 : i32
      %ge3A_40 = arith.cmpi sge, %scan3A_38, %ge3A : i32
      %convert_element_type3A = arith.extui %ge3A_40 : i1 to i32
      %cond3A = arith.constant 0 : i32
      %cond3A_41 = arith.cmpi ne, %convert_element_type3A, %cond3A : i32
      scf.if %cond3A_41 {
        %sub3A = arith.constant 4 : i32
        %sub3A_47 = arith.subi %scan3A_38, %sub3A : i32
        %dma_wait3A = arith.constant 0 : i32
        %dma_wait3A_48 = tpu.memref_slice %arg5[%sub3A_47, %dma_wait3A] : memref<80x128xi32, #tpu.memory_space<vmem>> -> memref<1x128xi32, #tpu.memory_space<vmem>>
        %dma_wait3A_49 = tpu.memref_squeeze %dma_wait3A_48 : memref<1x128xi32, #tpu.memory_space<vmem>> -> memref<128xi32, #tpu.memory_space<vmem>>
        %dma_wait3A_50 = arith.constant 0 : i32
        %dma_wait3A_51 = tpu.memref_slice %arg4[%dma_wait3A_50] : memref<10240xf32, #tpu.memory_space<vmem_shared>> -> memref<10240xf32, #tpu.memory_space<vmem_shared>>
        tpu.wait_indirect_dma semaphore(%arg8 : memref<!tpu.dma_semaphore, #tpu.memory_space<semaphore_mem>>) src(%arg6 : memref<128xf32, #tpu.memory_space<vmem>>) dst(%dma_wait3A_51 : memref<10240xf32, #tpu.memory_space<vmem_shared>>)
      } else {
      }
      %dma_start3A = arith.constant 0 : i32
      %dma_start3A_42 = tpu.memref_slice %arg5[%scan3A_38, %dma_start3A] : memref<80x128xi32, #tpu.memory_space<vmem>> -> memref<1x128xi32, #tpu.memory_space<vmem>>
      %dma_start3A_43 = tpu.memref_squeeze %dma_start3A_42 : memref<1x128xi32, #tpu.memory_space<vmem>> -> memref<128xi32, #tpu.memory_space<vmem>>
      %dma_start3A_44 = arith.constant 0 : i32
      %dma_start3A_45 = tpu.memref_slice %arg4[%dma_start3A_44] : memref<10240xf32, #tpu.memory_space<vmem_shared>> -> memref<10240xf32, #tpu.memory_space<vmem_shared>>
      tpu.enqueue_indirect_dma source(%arg6 : memref<128xf32, #tpu.memory_space<vmem>>) target(%dma_start3A_45 : memref<10240xf32, #tpu.memory_space<vmem_shared>>) offsets(%dma_start3A_43 : memref<128xi32, #tpu.memory_space<vmem>>) semaphore(%arg8 : memref<!tpu.dma_semaphore, #tpu.memory_space<semaphore_mem>>) {add = true}
      %scan3A_46 = arith.constant 0 : i32
      scf.yield %scan3A_46 : i32
    }
    %scan3A_22 = arith.constant 80 : i32
    %scan3A_23 = arith.constant 0 : i32
    %scan3A_24 = arith.constant 76 : i32
    %scan3A_25 = arith.constant 4 : i32
    %scan3A_26 = arith.addi %scan3A_24, %scan3A_25 : i32
    %scan3A_27 = arith.constant 1 : i32
    %scan3A_28 = scf.for %scan3A_38 = %scan3A_24 to %scan3A_26 step %scan3A_27 iter_args(%scan3A_39 = %scan3A_23) -> (i32)  : i32 {
      %dma_wait3A = arith.constant 0 : i32
      %dma_wait3A_40 = tpu.memref_slice %arg5[%scan3A_38, %dma_wait3A] : memref<80x128xi32, #tpu.memory_space<vmem>> -> memref<1x128xi32, #tpu.memory_space<vmem>>
      %dma_wait3A_41 = tpu.memref_squeeze %dma_wait3A_40 : memref<1x128xi32, #tpu.memory_space<vmem>> -> memref<128xi32, #tpu.memory_space<vmem>>
      %dma_wait3A_42 = arith.constant 0 : i32
      %dma_wait3A_43 = tpu.memref_slice %arg4[%dma_wait3A_42] : memref<10240xf32, #tpu.memory_space<vmem_shared>> -> memref<10240xf32, #tpu.memory_space<vmem_shared>>
      tpu.wait_indirect_dma semaphore(%arg8 : memref<!tpu.dma_semaphore, #tpu.memory_space<semaphore_mem>>) src(%arg6 : memref<128xf32, #tpu.memory_space<vmem>>) dst(%dma_wait3A_43 : memref<10240xf32, #tpu.memory_space<vmem_shared>>)
      %scan3A_44 = arith.constant 0 : i32
      scf.yield %scan3A_44 : i32
    }
    %scan3A_29 = arith.constant 4 : i32
    %barrier3A_30 = arith.constant 0 : index
    tpu.barrier barrier_id(%barrier3A_30)
    %mul3A_31 = arith.constant 640 : i32
    %mul3A_32 = arith.muli %arg1, %mul3A_31 : i32
    %mul3A_33 = arith.constant 10240 : i32
    %mul3A_34 = arith.muli %arg0, %mul3A_33 : i32
    %mul3A_35 = arith.constant 640 : i32
    %mul3A_36 = arith.muli %arg1, %mul3A_35 : i32
    %add3A_37 = arith.addi %mul3A_34, %mul3A_36 : i32
    "tpu.region"() ({
      %run_scoped3A = tpu.sem_alloc : memref<!tpu.dma_semaphore, #tpu.memory_space<semaphore_mem>>
      %dma_start3A = tpu.memref_slice %arg3[%add3A_37] : memref<20480xf32, #tpu.memory_space<hbm>> -> memref<640xf32, #tpu.memory_space<hbm>>
      %dma_start3A_38 = tpu.memref_slice %arg4[%mul3A_32] : memref<10240xf32, #tpu.memory_space<vmem_shared>> -> memref<640xf32, #tpu.memory_space<vmem_shared>>
      tpu.enqueue_dma source(%dma_start3A_38 : memref<640xf32, #tpu.memory_space<vmem_shared>>) target(%dma_start3A : memref<640xf32, #tpu.memory_space<hbm>>) target_semaphore(%run_scoped3A : memref<!tpu.dma_semaphore, #tpu.memory_space<semaphore_mem>>)
      %dma_wait3A = tpu.memref_slice %arg3[%add3A_37] : memref<20480xf32, #tpu.memory_space<hbm>> -> memref<640xf32, #tpu.memory_space<hbm>>
      %dma_wait3A_39 = tpu.memref_slice %arg4[%mul3A_32] : memref<10240xf32, #tpu.memory_space<vmem_shared>> -> memref<640xf32, #tpu.memory_space<vmem_shared>>
      tpu.wait_dma2 semaphore(%run_scoped3A : memref<!tpu.dma_semaphore, #tpu.memory_space<semaphore_mem>>) src(%dma_wait3A_39 : memref<640xf32, #tpu.memory_space<vmem_shared>>) dst(%dma_wait3A : memref<640xf32, #tpu.memory_space<hbm>>)
      tpu.yield
    }) : () -> ()
    return
  }
}

#map = affine_map<(d0, d1) -> (0)>
#map1 = affine_map<(d0, d1) -> (0, 0, 0)>
module attributes {stable_mosaic.version = 14 : i64} {
  func.func @k(%arg0: i32, %arg1: i32, %arg2: memref<10240xf32, #tpu.memory_space<hbm>>, %arg3: memref<32x80x128xi32, #tpu.memory_space<hbm>>, %arg4: memref<32x80x128xi32, #tpu.memory_space<hbm>>, %arg5: memref<20480xf32, #tpu.memory_space<hbm>>, %arg6: memref<10240xf32, #tpu.memory_space<vmem_shared>>, %arg7: memref<10240xf32, #tpu.memory_space<vmem_shared>>, %arg8: memref<80x128xi32, #tpu.memory_space<vmem>>, %arg9: memref<80x128xi32, #tpu.memory_space<vmem>>, %arg10: memref<2x128xf32, #tpu.memory_space<vmem>>, %arg11: memref<640xf32, #tpu.memory_space<vmem>>, %arg12: memref<!tpu.dma_semaphore, #tpu.memory_space<semaphore_mem>>, %arg13: memref<!tpu.dma_semaphore, #tpu.memory_space<semaphore_mem>>, %arg14: memref<!tpu.dma_semaphore, #tpu.memory_space<semaphore_mem>>, %arg15: memref<!tpu.dma_semaphore, #tpu.memory_space<semaphore_mem>>) attributes {dimension_semantics = [#tpu.dimension_semantics<core_parallel>, #tpu.dimension_semantics<subcore_parallel>], iteration_bounds = array<i64: 2, 16>, scalar_prefetch = 0 : i64, scratch_operands = 10 : i64, tpu.core_type = #tpu.core_type<sc_vector_subcore>, window_params = [{transform_indices = #map}, {transform_indices = #map1}, {transform_indices = #map1}, {transform_indices = #map}]} {
    %mul3A = arith.constant 16 : i32
    %mul3A_0 = arith.muli %arg0, %mul3A : i32
    %add3A = arith.addi %mul3A_0, %arg1 : i32
    "tpu.region"() ({
      %run_scoped3A = tpu.sem_alloc : memref<!tpu.dma_semaphore, #tpu.memory_space<semaphore_mem>>
      %dma_start3A_45 = arith.constant 0 : i32
      %dma_start3A_46 = arith.constant 0 : i32
      %dma_start3A_47 = tpu.memref_slice %arg3[%add3A, %dma_start3A_45, %dma_start3A_46] : memref<32x80x128xi32, #tpu.memory_space<hbm>> -> memref<1x80x128xi32, #tpu.memory_space<hbm>>
      %dma_start3A_48 = tpu.memref_squeeze %dma_start3A_47 : memref<1x80x128xi32, #tpu.memory_space<hbm>> -> memref<80x128xi32, #tpu.memory_space<hbm>>
      %dma_start3A_49 = arith.constant 0 : i32
      %dma_start3A_50 = arith.constant 0 : i32
      %dma_start3A_51 = tpu.memref_slice %arg3[%add3A, %dma_start3A_49, %dma_start3A_50] : memref<32x80x128xi32, #tpu.memory_space<hbm>> -> memref<1x80x128xi32, #tpu.memory_space<hbm>>
      %dma_start3A_52 = tpu.memref_squeeze %dma_start3A_51 : memref<1x80x128xi32, #tpu.memory_space<hbm>> -> memref<80x128xi32, #tpu.memory_space<hbm>>
      tpu.enqueue_dma source(%dma_start3A_52 : memref<80x128xi32, #tpu.memory_space<hbm>>) target(%arg8 : memref<80x128xi32, #tpu.memory_space<vmem>>) target_semaphore(%run_scoped3A : memref<!tpu.dma_semaphore, #tpu.memory_space<semaphore_mem>>)
      %dma_wait3A = arith.constant 0 : i32
      %dma_wait3A_53 = arith.constant 0 : i32
      %dma_wait3A_54 = tpu.memref_slice %arg3[%add3A, %dma_wait3A, %dma_wait3A_53] : memref<32x80x128xi32, #tpu.memory_space<hbm>> -> memref<1x80x128xi32, #tpu.memory_space<hbm>>
      %dma_wait3A_55 = tpu.memref_squeeze %dma_wait3A_54 : memref<1x80x128xi32, #tpu.memory_space<hbm>> -> memref<80x128xi32, #tpu.memory_space<hbm>>
      %dma_wait3A_56 = arith.constant 0 : i32
      %dma_wait3A_57 = arith.constant 0 : i32
      %dma_wait3A_58 = tpu.memref_slice %arg3[%add3A, %dma_wait3A_56, %dma_wait3A_57] : memref<32x80x128xi32, #tpu.memory_space<hbm>> -> memref<1x80x128xi32, #tpu.memory_space<hbm>>
      %dma_wait3A_59 = tpu.memref_squeeze %dma_wait3A_58 : memref<1x80x128xi32, #tpu.memory_space<hbm>> -> memref<80x128xi32, #tpu.memory_space<hbm>>
      tpu.wait_dma2 semaphore(%run_scoped3A : memref<!tpu.dma_semaphore, #tpu.memory_space<semaphore_mem>>) src(%dma_wait3A_59 : memref<80x128xi32, #tpu.memory_space<hbm>>) dst(%arg8 : memref<80x128xi32, #tpu.memory_space<vmem>>)
      tpu.yield
    }) : () -> ()
    "tpu.region"() ({
      %run_scoped3A = tpu.sem_alloc : memref<!tpu.dma_semaphore, #tpu.memory_space<semaphore_mem>>
      %dma_start3A_45 = arith.constant 0 : i32
      %dma_start3A_46 = arith.constant 0 : i32
      %dma_start3A_47 = tpu.memref_slice %arg4[%add3A, %dma_start3A_45, %dma_start3A_46] : memref<32x80x128xi32, #tpu.memory_space<hbm>> -> memref<1x80x128xi32, #tpu.memory_space<hbm>>
      %dma_start3A_48 = tpu.memref_squeeze %dma_start3A_47 : memref<1x80x128xi32, #tpu.memory_space<hbm>> -> memref<80x128xi32, #tpu.memory_space<hbm>>
      %dma_start3A_49 = arith.constant 0 : i32
      %dma_start3A_50 = arith.constant 0 : i32
      %dma_start3A_51 = tpu.memref_slice %arg4[%add3A, %dma_start3A_49, %dma_start3A_50] : memref<32x80x128xi32, #tpu.memory_space<hbm>> -> memref<1x80x128xi32, #tpu.memory_space<hbm>>
      %dma_start3A_52 = tpu.memref_squeeze %dma_start3A_51 : memref<1x80x128xi32, #tpu.memory_space<hbm>> -> memref<80x128xi32, #tpu.memory_space<hbm>>
      tpu.enqueue_dma source(%dma_start3A_52 : memref<80x128xi32, #tpu.memory_space<hbm>>) target(%arg9 : memref<80x128xi32, #tpu.memory_space<vmem>>) target_semaphore(%run_scoped3A : memref<!tpu.dma_semaphore, #tpu.memory_space<semaphore_mem>>)
      %dma_wait3A = arith.constant 0 : i32
      %dma_wait3A_53 = arith.constant 0 : i32
      %dma_wait3A_54 = tpu.memref_slice %arg4[%add3A, %dma_wait3A, %dma_wait3A_53] : memref<32x80x128xi32, #tpu.memory_space<hbm>> -> memref<1x80x128xi32, #tpu.memory_space<hbm>>
      %dma_wait3A_55 = tpu.memref_squeeze %dma_wait3A_54 : memref<1x80x128xi32, #tpu.memory_space<hbm>> -> memref<80x128xi32, #tpu.memory_space<hbm>>
      %dma_wait3A_56 = arith.constant 0 : i32
      %dma_wait3A_57 = arith.constant 0 : i32
      %dma_wait3A_58 = tpu.memref_slice %arg4[%add3A, %dma_wait3A_56, %dma_wait3A_57] : memref<32x80x128xi32, #tpu.memory_space<hbm>> -> memref<1x80x128xi32, #tpu.memory_space<hbm>>
      %dma_wait3A_59 = tpu.memref_squeeze %dma_wait3A_58 : memref<1x80x128xi32, #tpu.memory_space<hbm>> -> memref<80x128xi32, #tpu.memory_space<hbm>>
      tpu.wait_dma2 semaphore(%run_scoped3A : memref<!tpu.dma_semaphore, #tpu.memory_space<semaphore_mem>>) src(%dma_wait3A_59 : memref<80x128xi32, #tpu.memory_space<hbm>>) dst(%arg9 : memref<80x128xi32, #tpu.memory_space<vmem>>)
      tpu.yield
    }) : () -> ()
    %eq3A = arith.constant 0 : i32
    %eq3A_1 = arith.cmpi eq, %arg1, %eq3A : i32
    %convert_element_type3A = arith.extui %eq3A_1 : i1 to i32
    %cond3A = arith.constant 0 : i32
    %cond3A_2 = arith.cmpi ne, %convert_element_type3A, %cond3A : i32
    scf.if %cond3A_2 {
      "tpu.region"() ({
        %run_scoped3A = tpu.sem_alloc : memref<!tpu.dma_semaphore, #tpu.memory_space<semaphore_mem>>
        tpu.enqueue_dma source(%arg2 : memref<10240xf32, #tpu.memory_space<hbm>>) target(%arg7 : memref<10240xf32, #tpu.memory_space<vmem_shared>>) target_semaphore(%run_scoped3A : memref<!tpu.dma_semaphore, #tpu.memory_space<semaphore_mem>>)
        tpu.wait_dma2 semaphore(%run_scoped3A : memref<!tpu.dma_semaphore, #tpu.memory_space<semaphore_mem>>) src(%arg2 : memref<10240xf32, #tpu.memory_space<hbm>>) dst(%arg7 : memref<10240xf32, #tpu.memory_space<vmem_shared>>)
        tpu.yield
      }) : () -> ()
    } else {
    }
    %scan3A = arith.constant 0 : i32
    %scan3A_3 = arith.constant 0 : i32
    %scan3A_4 = arith.constant 40 : i32
    %scan3A_5 = arith.addi %scan3A_3, %scan3A_4 : i32
    %scan3A_6 = arith.constant 1 : i32
    %scan3A_7 = scf.for %scan3A_45 = %scan3A_3 to %scan3A_5 step %scan3A_6 iter_args(%scan3A_46 = %scan3A) -> (i32)  : i32 {
      %broadcast_in_dim3A = arith.constant 0.000000e+00 : f32
      %broadcast_in_dim3A_47 = vector.broadcast %broadcast_in_dim3A : f32 to vector<16xf32>
      %mul3A_48 = arith.constant 16 : i32
      %mul3A_49 = arith.muli %scan3A_45, %mul3A_48 : i32
      %swap3A = arith.index_cast %mul3A_49 : i32 to index
      %swap3A_50 = tpu.vector_load %arg11[%swap3A] {strides = array<i32>} : memref<640xf32, #tpu.memory_space<vmem>>, vector<16xf32>,
      %swap3A_51 = vector.shape_cast %swap3A_50 : vector<16xf32> to vector<16xf32>
      %swap3A_52 = vector.shape_cast %broadcast_in_dim3A_47 : vector<16xf32> to vector<16xf32>
      tpu.vector_store %arg11[%swap3A], %swap3A_52 {strides = array<i32>} : memref<640xf32, #tpu.memory_space<vmem>>, vector<16xf32>,
      %scan3A_53 = arith.constant 0 : i32
      scf.yield %scan3A_53 : i32
    }
    %scan3A_8 = arith.constant 40 : i32
    %mul3A_9 = arith.constant 640 : i32
    %mul3A_10 = arith.muli %arg1, %mul3A_9 : i32
    "tpu.region"() ({
      %run_scoped3A = tpu.sem_alloc : memref<!tpu.dma_semaphore, #tpu.memory_space<semaphore_mem>>
      %dma_start3A_45 = tpu.memref_slice %arg6[%mul3A_10] : memref<10240xf32, #tpu.memory_space<vmem_shared>> -> memref<640xf32, #tpu.memory_space<vmem_shared>>
      %dma_start3A_46 = tpu.memref_slice %arg6[%mul3A_10] : memref<10240xf32, #tpu.memory_space<vmem_shared>> -> memref<640xf32, #tpu.memory_space<vmem_shared>>
      tpu.enqueue_dma source(%arg11 : memref<640xf32, #tpu.memory_space<vmem>>) target(%dma_start3A_46 : memref<640xf32, #tpu.memory_space<vmem_shared>>) target_semaphore(%run_scoped3A : memref<!tpu.dma_semaphore, #tpu.memory_space<semaphore_mem>>)
      %dma_wait3A = tpu.memref_slice %arg6[%mul3A_10] : memref<10240xf32, #tpu.memory_space<vmem_shared>> -> memref<640xf32, #tpu.memory_space<vmem_shared>>
      %dma_wait3A_47 = tpu.memref_slice %arg6[%mul3A_10] : memref<10240xf32, #tpu.memory_space<vmem_shared>> -> memref<640xf32, #tpu.memory_space<vmem_shared>>
      tpu.wait_dma2 semaphore(%run_scoped3A : memref<!tpu.dma_semaphore, #tpu.memory_space<semaphore_mem>>) src(%arg11 : memref<640xf32, #tpu.memory_space<vmem>>) dst(%dma_wait3A_47 : memref<640xf32, #tpu.memory_space<vmem_shared>>)
      tpu.yield
    }) : () -> ()
    %barrier3A = arith.constant 0 : index
    tpu.barrier barrier_id(%barrier3A)
    %dma_start3A = arith.constant 0 : i32
    %dma_start3A_11 = arith.constant 0 : i32
    %dma_start3A_12 = arith.constant 0 : i32
    %dma_start3A_13 = tpu.memref_slice %arg10[%dma_start3A_11, %dma_start3A_12] : memref<2x128xf32, #tpu.memory_space<vmem>> -> memref<1x128xf32, #tpu.memory_space<vmem>>
    %dma_start3A_14 = tpu.memref_squeeze %dma_start3A_13 : memref<1x128xf32, #tpu.memory_space<vmem>> -> memref<128xf32, #tpu.memory_space<vmem>>
    %dma_start3A_15 = arith.constant 0 : i32
    %dma_start3A_16 = tpu.memref_slice %arg8[%dma_start3A, %dma_start3A_15] : memref<80x128xi32, #tpu.memory_space<vmem>> -> memref<1x128xi32, #tpu.memory_space<vmem>>
    %dma_start3A_17 = tpu.memref_squeeze %dma_start3A_16 : memref<1x128xi32, #tpu.memory_space<vmem>> -> memref<128xi32, #tpu.memory_space<vmem>>
    %dma_start3A_18 = arith.constant 0 : i32
    %dma_start3A_19 = tpu.memref_slice %arg7[%dma_start3A_18] : memref<10240xf32, #tpu.memory_space<vmem_shared>> -> memref<10240xf32, #tpu.memory_space<vmem_shared>>
    tpu.enqueue_indirect_dma source(%dma_start3A_19 : memref<10240xf32, #tpu.memory_space<vmem_shared>>) target(%dma_start3A_14 : memref<128xf32, #tpu.memory_space<vmem>>) offsets(%dma_start3A_17 : memref<128xi32, #tpu.memory_space<vmem>>) semaphore(%arg12 : memref<!tpu.dma_semaphore, #tpu.memory_space<semaphore_mem>>)
    %dma_start3A_20 = arith.constant 1 : i32
    %dma_start3A_21 = arith.constant 1 : i32
    %dma_start3A_22 = arith.constant 0 : i32
    %dma_start3A_23 = tpu.memref_slice %arg10[%dma_start3A_21, %dma_start3A_22] : memref<2x128xf32, #tpu.memory_space<vmem>> -> memref<1x128xf32, #tpu.memory_space<vmem>>
    %dma_start3A_24 = tpu.memref_squeeze %dma_start3A_23 : memref<1x128xf32, #tpu.memory_space<vmem>> -> memref<128xf32, #tpu.memory_space<vmem>>
    %dma_start3A_25 = arith.constant 0 : i32
    %dma_start3A_26 = tpu.memref_slice %arg8[%dma_start3A_20, %dma_start3A_25] : memref<80x128xi32, #tpu.memory_space<vmem>> -> memref<1x128xi32, #tpu.memory_space<vmem>>
    %dma_start3A_27 = tpu.memref_squeeze %dma_start3A_26 : memref<1x128xi32, #tpu.memory_space<vmem>> -> memref<128xi32, #tpu.memory_space<vmem>>
    %dma_start3A_28 = arith.constant 0 : i32
    %dma_start3A_29 = tpu.memref_slice %arg7[%dma_start3A_28] : memref<10240xf32, #tpu.memory_space<vmem_shared>> -> memref<10240xf32, #tpu.memory_space<vmem_shared>>
    tpu.enqueue_indirect_dma source(%dma_start3A_29 : memref<10240xf32, #tpu.memory_space<vmem_shared>>) target(%dma_start3A_24 : memref<128xf32, #tpu.memory_space<vmem>>) offsets(%dma_start3A_27 : memref<128xi32, #tpu.memory_space<vmem>>) semaphore(%arg13 : memref<!tpu.dma_semaphore, #tpu.memory_space<semaphore_mem>>)
    %scan3A_30 = arith.constant 0 : i32
    %scan3A_31 = arith.constant 0 : i32
    %scan3A_32 = arith.constant 40 : i32
    %scan3A_33 = arith.addi %scan3A_31, %scan3A_32 : i32
    %scan3A_34 = arith.constant 1 : i32
    %scan3A_35 = scf.for %scan3A_45 = %scan3A_31 to %scan3A_33 step %scan3A_34 iter_args(%scan3A_46 = %scan3A_30) -> (i32)  : i32 {
      %mul3A_47 = arith.constant 2 : i32
      %mul3A_48 = arith.muli %scan3A_45, %mul3A_47 : i32
      %add3A_49 = arith.constant 0 : i32
      %add3A_50 = arith.addi %mul3A_48, %add3A_49 : i32
      %dma_wait3A = arith.constant 0 : i32
      %dma_wait3A_51 = arith.constant 0 : i32
      %dma_wait3A_52 = tpu.memref_slice %arg10[%dma_wait3A, %dma_wait3A_51] : memref<2x128xf32, #tpu.memory_space<vmem>> -> memref<1x128xf32, #tpu.memory_space<vmem>>
      %dma_wait3A_53 = tpu.memref_squeeze %dma_wait3A_52 : memref<1x128xf32, #tpu.memory_space<vmem>> -> memref<128xf32, #tpu.memory_space<vmem>>
      %dma_wait3A_54 = arith.constant 0 : i32
      %dma_wait3A_55 = tpu.memref_slice %arg8[%add3A_50, %dma_wait3A_54] : memref<80x128xi32, #tpu.memory_space<vmem>> -> memref<1x128xi32, #tpu.memory_space<vmem>>
      %dma_wait3A_56 = tpu.memref_squeeze %dma_wait3A_55 : memref<1x128xi32, #tpu.memory_space<vmem>> -> memref<128xi32, #tpu.memory_space<vmem>>
      %dma_wait3A_57 = arith.constant 0 : i32
      %dma_wait3A_58 = tpu.memref_slice %arg7[%dma_wait3A_57] : memref<10240xf32, #tpu.memory_space<vmem_shared>> -> memref<10240xf32, #tpu.memory_space<vmem_shared>>
      tpu.wait_indirect_dma semaphore(%arg12 : memref<!tpu.dma_semaphore, #tpu.memory_space<semaphore_mem>>) src(%dma_wait3A_58 : memref<10240xf32, #tpu.memory_space<vmem_shared>>) dst(%dma_wait3A_53 : memref<128xf32, #tpu.memory_space<vmem>>)
      %add3A_59 = arith.constant 0 : i32
      %add3A_60 = arith.addi %mul3A_48, %add3A_59 : i32
      %dma_start3A_61 = arith.constant 0 : i32
      %dma_start3A_62 = arith.constant 0 : i32
      %dma_start3A_63 = tpu.memref_slice %arg10[%dma_start3A_61, %dma_start3A_62] : memref<2x128xf32, #tpu.memory_space<vmem>> -> memref<1x128xf32, #tpu.memory_space<vmem>>
      %dma_start3A_64 = tpu.memref_squeeze %dma_start3A_63 : memref<1x128xf32, #tpu.memory_space<vmem>> -> memref<128xf32, #tpu.memory_space<vmem>>
      %dma_start3A_65 = arith.constant 0 : i32
      %dma_start3A_66 = tpu.memref_slice %arg9[%add3A_60, %dma_start3A_65] : memref<80x128xi32, #tpu.memory_space<vmem>> -> memref<1x128xi32, #tpu.memory_space<vmem>>
      %dma_start3A_67 = tpu.memref_squeeze %dma_start3A_66 : memref<1x128xi32, #tpu.memory_space<vmem>> -> memref<128xi32, #tpu.memory_space<vmem>>
      %dma_start3A_68 = arith.constant 0 : i32
      %dma_start3A_69 = tpu.memref_slice %arg6[%dma_start3A_68] : memref<10240xf32, #tpu.memory_space<vmem_shared>> -> memref<10240xf32, #tpu.memory_space<vmem_shared>>
      tpu.enqueue_indirect_dma source(%dma_start3A_64 : memref<128xf32, #tpu.memory_space<vmem>>) target(%dma_start3A_69 : memref<10240xf32, #tpu.memory_space<vmem_shared>>) offsets(%dma_start3A_67 : memref<128xi32, #tpu.memory_space<vmem>>) semaphore(%arg14 : memref<!tpu.dma_semaphore, #tpu.memory_space<semaphore_mem>>) {add = true}
      %add3A_70 = arith.constant 1 : i32
      %add3A_71 = arith.addi %mul3A_48, %add3A_70 : i32
      %dma_wait3A_72 = arith.constant 1 : i32
      %dma_wait3A_73 = arith.constant 0 : i32
      %dma_wait3A_74 = tpu.memref_slice %arg10[%dma_wait3A_72, %dma_wait3A_73] : memref<2x128xf32, #tpu.memory_space<vmem>> -> memref<1x128xf32, #tpu.memory_space<vmem>>
      %dma_wait3A_75 = tpu.memref_squeeze %dma_wait3A_74 : memref<1x128xf32, #tpu.memory_space<vmem>> -> memref<128xf32, #tpu.memory_space<vmem>>
      %dma_wait3A_76 = arith.constant 0 : i32
      %dma_wait3A_77 = tpu.memref_slice %arg8[%add3A_71, %dma_wait3A_76] : memref<80x128xi32, #tpu.memory_space<vmem>> -> memref<1x128xi32, #tpu.memory_space<vmem>>
      %dma_wait3A_78 = tpu.memref_squeeze %dma_wait3A_77 : memref<1x128xi32, #tpu.memory_space<vmem>> -> memref<128xi32, #tpu.memory_space<vmem>>
      %dma_wait3A_79 = arith.constant 0 : i32
      %dma_wait3A_80 = tpu.memref_slice %arg7[%dma_wait3A_79] : memref<10240xf32, #tpu.memory_space<vmem_shared>> -> memref<10240xf32, #tpu.memory_space<vmem_shared>>
      tpu.wait_indirect_dma semaphore(%arg13 : memref<!tpu.dma_semaphore, #tpu.memory_space<semaphore_mem>>) src(%dma_wait3A_80 : memref<10240xf32, #tpu.memory_space<vmem_shared>>) dst(%dma_wait3A_75 : memref<128xf32, #tpu.memory_space<vmem>>)
      %add3A_81 = arith.constant 1 : i32
      %add3A_82 = arith.addi %mul3A_48, %add3A_81 : i32
      %dma_start3A_83 = arith.constant 1 : i32
      %dma_start3A_84 = arith.constant 0 : i32
      %dma_start3A_85 = tpu.memref_slice %arg10[%dma_start3A_83, %dma_start3A_84] : memref<2x128xf32, #tpu.memory_space<vmem>> -> memref<1x128xf32, #tpu.memory_space<vmem>>
      %dma_start3A_86 = tpu.memref_squeeze %dma_start3A_85 : memref<1x128xf32, #tpu.memory_space<vmem>> -> memref<128xf32, #tpu.memory_space<vmem>>
      %dma_start3A_87 = arith.constant 0 : i32
      %dma_start3A_88 = tpu.memref_slice %arg9[%add3A_82, %dma_start3A_87] : memref<80x128xi32, #tpu.memory_space<vmem>> -> memref<1x128xi32, #tpu.memory_space<vmem>>
      %dma_start3A_89 = tpu.memref_squeeze %dma_start3A_88 : memref<1x128xi32, #tpu.memory_space<vmem>> -> memref<128xi32, #tpu.memory_space<vmem>>
      %dma_start3A_90 = arith.constant 0 : i32
      %dma_start3A_91 = tpu.memref_slice %arg6[%dma_start3A_90] : memref<10240xf32, #tpu.memory_space<vmem_shared>> -> memref<10240xf32, #tpu.memory_space<vmem_shared>>
      tpu.enqueue_indirect_dma source(%dma_start3A_86 : memref<128xf32, #tpu.memory_space<vmem>>) target(%dma_start3A_91 : memref<10240xf32, #tpu.memory_space<vmem_shared>>) offsets(%dma_start3A_89 : memref<128xi32, #tpu.memory_space<vmem>>) semaphore(%arg15 : memref<!tpu.dma_semaphore, #tpu.memory_space<semaphore_mem>>) {add = true}
      %add3A_92 = arith.constant 0 : i32
      %add3A_93 = arith.addi %mul3A_48, %add3A_92 : i32
      %add3A_94 = arith.constant 2 : i32
      %add3A_95 = arith.addi %add3A_93, %add3A_94 : i32
      %add3A_96 = arith.constant 0 : i32
      %add3A_97 = arith.addi %mul3A_48, %add3A_96 : i32
      %dma_wait3A_98 = arith.constant 0 : i32
      %dma_wait3A_99 = arith.constant 0 : i32
      %dma_wait3A_100 = tpu.memref_slice %arg10[%dma_wait3A_98, %dma_wait3A_99] : memref<2x128xf32, #tpu.memory_space<vmem>> -> memref<1x128xf32, #tpu.memory_space<vmem>>
      %dma_wait3A_101 = tpu.memref_squeeze %dma_wait3A_100 : memref<1x128xf32, #tpu.memory_space<vmem>> -> memref<128xf32, #tpu.memory_space<vmem>>
      %dma_wait3A_102 = arith.constant 0 : i32
      %dma_wait3A_103 = tpu.memref_slice %arg9[%add3A_97, %dma_wait3A_102] : memref<80x128xi32, #tpu.memory_space<vmem>> -> memref<1x128xi32, #tpu.memory_space<vmem>>
      %dma_wait3A_104 = tpu.memref_squeeze %dma_wait3A_103 : memref<1x128xi32, #tpu.memory_space<vmem>> -> memref<128xi32, #tpu.memory_space<vmem>>
      %dma_wait3A_105 = arith.constant 0 : i32
      %dma_wait3A_106 = tpu.memref_slice %arg6[%dma_wait3A_105] : memref<10240xf32, #tpu.memory_space<vmem_shared>> -> memref<10240xf32, #tpu.memory_space<vmem_shared>>
      tpu.wait_indirect_dma semaphore(%arg14 : memref<!tpu.dma_semaphore, #tpu.memory_space<semaphore_mem>>) src(%dma_wait3A_101 : memref<128xf32, #tpu.memory_space<vmem>>) dst(%dma_wait3A_106 : memref<10240xf32, #tpu.memory_space<vmem_shared>>)
      %lt3A = arith.constant 80 : i32
      %lt3A_107 = arith.cmpi slt, %add3A_95, %lt3A : i32
      %convert_element_type3A_108 = arith.extui %lt3A_107 : i1 to i32
      %cond3A_109 = arith.constant 0 : i32
      %cond3A_110 = arith.cmpi ne, %convert_element_type3A_108, %cond3A_109 : i32
      scf.if %cond3A_110 {
        %dma_start3A_132 = arith.constant 0 : i32
        %dma_start3A_133 = arith.constant 0 : i32
        %dma_start3A_134 = tpu.memref_slice %arg10[%dma_start3A_132, %dma_start3A_133] : memref<2x128xf32, #tpu.memory_space<vmem>> -> memref<1x128xf32, #tpu.memory_space<vmem>>
        %dma_start3A_135 = tpu.memref_squeeze %dma_start3A_134 : memref<1x128xf32, #tpu.memory_space<vmem>> -> memref<128xf32, #tpu.memory_space<vmem>>
        %dma_start3A_136 = arith.constant 0 : i32
        %dma_start3A_137 = tpu.memref_slice %arg8[%add3A_95, %dma_start3A_136] : memref<80x128xi32, #tpu.memory_space<vmem>> -> memref<1x128xi32, #tpu.memory_space<vmem>>
        %dma_start3A_138 = tpu.memref_squeeze %dma_start3A_137 : memref<1x128xi32, #tpu.memory_space<vmem>> -> memref<128xi32, #tpu.memory_space<vmem>>
        %dma_start3A_139 = arith.constant 0 : i32
        %dma_start3A_140 = tpu.memref_slice %arg7[%dma_start3A_139] : memref<10240xf32, #tpu.memory_space<vmem_shared>> -> memref<10240xf32, #tpu.memory_space<vmem_shared>>
        tpu.enqueue_indirect_dma source(%dma_start3A_140 : memref<10240xf32, #tpu.memory_space<vmem_shared>>) target(%dma_start3A_135 : memref<128xf32, #tpu.memory_space<vmem>>) offsets(%dma_start3A_138 : memref<128xi32, #tpu.memory_space<vmem>>) semaphore(%arg12 : memref<!tpu.dma_semaphore, #tpu.memory_space<semaphore_mem>>)
      } else {
      }
      %add3A_111 = arith.constant 1 : i32
      %add3A_112 = arith.addi %mul3A_48, %add3A_111 : i32
      %add3A_113 = arith.constant 2 : i32
      %add3A_114 = arith.addi %add3A_112, %add3A_113 : i32
      %add3A_115 = arith.constant 1 : i32
      %add3A_116 = arith.addi %mul3A_48, %add3A_115 : i32
      %dma_wait3A_117 = arith.constant 1 : i32
      %dma_wait3A_118 = arith.constant 0 : i32
      %dma_wait3A_119 = tpu.memref_slice %arg10[%dma_wait3A_117, %dma_wait3A_118] : memref<2x128xf32, #tpu.memory_space<vmem>> -> memref<1x128xf32, #tpu.memory_space<vmem>>
      %dma_wait3A_120 = tpu.memref_squeeze %dma_wait3A_119 : memref<1x128xf32, #tpu.memory_space<vmem>> -> memref<128xf32, #tpu.memory_space<vmem>>
      %dma_wait3A_121 = arith.constant 0 : i32
      %dma_wait3A_122 = tpu.memref_slice %arg9[%add3A_116, %dma_wait3A_121] : memref<80x128xi32, #tpu.memory_space<vmem>> -> memref<1x128xi32, #tpu.memory_space<vmem>>
      %dma_wait3A_123 = tpu.memref_squeeze %dma_wait3A_122 : memref<1x128xi32, #tpu.memory_space<vmem>> -> memref<128xi32, #tpu.memory_space<vmem>>
      %dma_wait3A_124 = arith.constant 0 : i32
      %dma_wait3A_125 = tpu.memref_slice %arg6[%dma_wait3A_124] : memref<10240xf32, #tpu.memory_space<vmem_shared>> -> memref<10240xf32, #tpu.memory_space<vmem_shared>>
      tpu.wait_indirect_dma semaphore(%arg15 : memref<!tpu.dma_semaphore, #tpu.memory_space<semaphore_mem>>) src(%dma_wait3A_120 : memref<128xf32, #tpu.memory_space<vmem>>) dst(%dma_wait3A_125 : memref<10240xf32, #tpu.memory_space<vmem_shared>>)
      %lt3A_126 = arith.constant 80 : i32
      %lt3A_127 = arith.cmpi slt, %add3A_114, %lt3A_126 : i32
      %convert_element_type3A_128 = arith.extui %lt3A_127 : i1 to i32
      %cond3A_129 = arith.constant 0 : i32
      %cond3A_130 = arith.cmpi ne, %convert_element_type3A_128, %cond3A_129 : i32
      scf.if %cond3A_130 {
        %dma_start3A_132 = arith.constant 1 : i32
        %dma_start3A_133 = arith.constant 0 : i32
        %dma_start3A_134 = tpu.memref_slice %arg10[%dma_start3A_132, %dma_start3A_133] : memref<2x128xf32, #tpu.memory_space<vmem>> -> memref<1x128xf32, #tpu.memory_space<vmem>>
        %dma_start3A_135 = tpu.memref_squeeze %dma_start3A_134 : memref<1x128xf32, #tpu.memory_space<vmem>> -> memref<128xf32, #tpu.memory_space<vmem>>
        %dma_start3A_136 = arith.constant 0 : i32
        %dma_start3A_137 = tpu.memref_slice %arg8[%add3A_114, %dma_start3A_136] : memref<80x128xi32, #tpu.memory_space<vmem>> -> memref<1x128xi32, #tpu.memory_space<vmem>>
        %dma_start3A_138 = tpu.memref_squeeze %dma_start3A_137 : memref<1x128xi32, #tpu.memory_space<vmem>> -> memref<128xi32, #tpu.memory_space<vmem>>
        %dma_start3A_139 = arith.constant 0 : i32
        %dma_start3A_140 = tpu.memref_slice %arg7[%dma_start3A_139] : memref<10240xf32, #tpu.memory_space<vmem_shared>> -> memref<10240xf32, #tpu.memory_space<vmem_shared>>
        tpu.enqueue_indirect_dma source(%dma_start3A_140 : memref<10240xf32, #tpu.memory_space<vmem_shared>>) target(%dma_start3A_135 : memref<128xf32, #tpu.memory_space<vmem>>) offsets(%dma_start3A_138 : memref<128xi32, #tpu.memory_space<vmem>>) semaphore(%arg13 : memref<!tpu.dma_semaphore, #tpu.memory_space<semaphore_mem>>)
      } else {
      }
      %scan3A_131 = arith.constant 0 : i32
      scf.yield %scan3A_131 : i32
    }
    %scan3A_36 = arith.constant 40 : i32
    %barrier3A_37 = arith.constant 0 : index
    tpu.barrier barrier_id(%barrier3A_37)
    %mul3A_38 = arith.constant 640 : i32
    %mul3A_39 = arith.muli %arg1, %mul3A_38 : i32
    %mul3A_40 = arith.constant 10240 : i32
    %mul3A_41 = arith.muli %arg0, %mul3A_40 : i32
    %mul3A_42 = arith.constant 640 : i32
    %mul3A_43 = arith.muli %arg1, %mul3A_42 : i32
    %add3A_44 = arith.addi %mul3A_41, %mul3A_43 : i32
    "tpu.region"() ({
      %run_scoped3A = tpu.sem_alloc : memref<!tpu.dma_semaphore, #tpu.memory_space<semaphore_mem>>
      %dma_start3A_45 = tpu.memref_slice %arg5[%add3A_44] : memref<20480xf32, #tpu.memory_space<hbm>> -> memref<640xf32, #tpu.memory_space<hbm>>
      %dma_start3A_46 = tpu.memref_slice %arg6[%mul3A_39] : memref<10240xf32, #tpu.memory_space<vmem_shared>> -> memref<640xf32, #tpu.memory_space<vmem_shared>>
      tpu.enqueue_dma source(%dma_start3A_46 : memref<640xf32, #tpu.memory_space<vmem_shared>>) target(%dma_start3A_45 : memref<640xf32, #tpu.memory_space<hbm>>) target_semaphore(%run_scoped3A : memref<!tpu.dma_semaphore, #tpu.memory_space<semaphore_mem>>)
      %dma_wait3A = tpu.memref_slice %arg5[%add3A_44] : memref<20480xf32, #tpu.memory_space<hbm>> -> memref<640xf32, #tpu.memory_space<hbm>>
      %dma_wait3A_47 = tpu.memref_slice %arg6[%mul3A_39] : memref<10240xf32, #tpu.memory_space<vmem_shared>> -> memref<640xf32, #tpu.memory_space<vmem_shared>>
      tpu.wait_dma2 semaphore(%run_scoped3A : memref<!tpu.dma_semaphore, #tpu.memory_space<semaphore_mem>>) src(%dma_wait3A_47 : memref<640xf32, #tpu.memory_space<vmem_shared>>) dst(%dma_wait3A : memref<640xf32, #tpu.memory_space<hbm>>)
      tpu.yield
    }) : () -> ()
    return
  }
}

#map = affine_map<(d0, d1) -> (0, 0)>
#map1 = affine_map<(d0, d1) -> (0, 0, 0)>
module attributes {stable_mosaic.version = 14 : i64} {
  func.func @k(%arg0: i32, %arg1: i32, %arg2: memref<20480x64xf32, #tpu.memory_space<hbm>>, %arg3: memref<64x40x128xi32, #tpu.memory_space<hbm>>, %arg4: memref<64x40x128xi32, #tpu.memory_space<hbm>>, %arg5: memref<20480x64xf32, #tpu.memory_space<hbm>>, %arg6: memref<10240x64xf32, #tpu.memory_space<vmem_shared>>, %arg7: memref<10240x64xf32, #tpu.memory_space<vmem_shared>>, %arg8: memref<40x128xi32, #tpu.memory_space<vmem>>, %arg9: memref<40x128xi32, #tpu.memory_space<vmem>>, %arg10: memref<2x128x64xf32, #tpu.memory_space<vmem>>, %arg11: memref<!tpu.dma_semaphore, #tpu.memory_space<semaphore_mem>>, %arg12: memref<!tpu.dma_semaphore, #tpu.memory_space<semaphore_mem>>) attributes {dimension_semantics = [#tpu.dimension_semantics<core_parallel>, #tpu.dimension_semantics<subcore_parallel>], iteration_bounds = array<i64: 2, 16>, scalar_prefetch = 0 : i64, scratch_operands = 7 : i64, tpu.core_type = #tpu.core_type<sc_vector_subcore>, window_params = [{transform_indices = #map}, {transform_indices = #map1}, {transform_indices = #map1}, {transform_indices = #map}]} {
    %mul3A = arith.constant 10240 : i32
    %mul3A_0 = arith.muli %arg0, %mul3A : i32
    %mul3A_1 = arith.constant 640 : i32
    %mul3A_2 = arith.muli %arg1, %mul3A_1 : i32
    %add3A = arith.addi %mul3A_0, %mul3A_2 : i32
    %mul3A_3 = arith.constant 640 : i32
    %mul3A_4 = arith.muli %arg1, %mul3A_3 : i32
    "tpu.region"() ({
      %run_scoped3A_151 = tpu.sem_alloc : memref<!tpu.dma_semaphore, #tpu.memory_space<semaphore_mem>>
      %dma_start3A_152 = arith.constant 0 : i32
      %dma_start3A_153 = tpu.memref_slice %arg7[%mul3A_4, %dma_start3A_152] : memref<10240x64xf32, #tpu.memory_space<vmem_shared>> -> memref<640x64xf32, #tpu.memory_space<vmem_shared>>
      %dma_start3A_154 = arith.constant 0 : i32
      %dma_start3A_155 = tpu.memref_slice %arg2[%add3A, %dma_start3A_154] : memref<20480x64xf32, #tpu.memory_space<hbm>> -> memref<640x64xf32, #tpu.memory_space<hbm>>
      tpu.enqueue_dma source(%dma_start3A_155 : memref<640x64xf32, #tpu.memory_space<hbm>>) target(%dma_start3A_153 : memref<640x64xf32, #tpu.memory_space<vmem_shared>>) target_semaphore(%run_scoped3A_151 : memref<!tpu.dma_semaphore, #tpu.memory_space<semaphore_mem>>)
      %dma_wait3A = arith.constant 0 : i32
      %dma_wait3A_156 = tpu.memref_slice %arg7[%mul3A_4, %dma_wait3A] : memref<10240x64xf32, #tpu.memory_space<vmem_shared>> -> memref<640x64xf32, #tpu.memory_space<vmem_shared>>
      %dma_wait3A_157 = arith.constant 0 : i32
      %dma_wait3A_158 = tpu.memref_slice %arg2[%add3A, %dma_wait3A_157] : memref<20480x64xf32, #tpu.memory_space<hbm>> -> memref<640x64xf32, #tpu.memory_space<hbm>>
      tpu.wait_dma2 semaphore(%run_scoped3A_151 : memref<!tpu.dma_semaphore, #tpu.memory_space<semaphore_mem>>) src(%dma_wait3A_158 : memref<640x64xf32, #tpu.memory_space<hbm>>) dst(%dma_wait3A_156 : memref<640x64xf32, #tpu.memory_space<vmem_shared>>)
      tpu.yield
    }) : () -> ()
    %scan3A = arith.constant 0 : i32
    %scan3A_5 = arith.constant 0 : i32
    %scan3A_6 = arith.constant 0 : i32
    %scan3A_7 = arith.constant 128 : i32
    %scan3A_8 = arith.addi %scan3A_6, %scan3A_7 : i32
    %scan3A_9 = arith.constant 1 : i32
    %scan3A_10 = scf.for %scan3A_151 = %scan3A_6 to %scan3A_8 step %scan3A_9 iter_args(%scan3A_152 = %scan3A_5) -> (i32)  : i32 {
      %broadcast_in_dim3A = arith.constant 0.000000e+00 : f32
      %broadcast_in_dim3A_153 = vector.broadcast %broadcast_in_dim3A : f32 to vector<16xf32>
      %swap3A = arith.constant 0 : i32
      %swap3A_154 = arith.constant 0 : i32
      %swap3A_155 = tpu.memref_slice %arg10[%scan3A, %swap3A, %swap3A_154] : memref<2x128x64xf32, #tpu.memory_space<vmem>> -> memref<1x128x64xf32, #tpu.memory_space<vmem>>
      %swap3A_156 = tpu.memref_squeeze %swap3A_155 : memref<1x128x64xf32, #tpu.memory_space<vmem>> -> memref<128x64xf32, #tpu.memory_space<vmem>>
      %swap3A_157 = arith.index_cast %scan3A_151 : i32 to index
      %swap3A_158 = arith.constant 0 : index
      %swap3A_159 = tpu.vector_load %swap3A_156[%swap3A_157, %swap3A_158] {strides = array<i32>} : memref<128x64xf32, #tpu.memory_space<vmem>>, vector<1x16xf32>,
      %swap3A_160 = vector.shape_cast %swap3A_159 : vector<1x16xf32> to vector<16xf32>
      %swap3A_161 = vector.shape_cast %broadcast_in_dim3A_153 : vector<16xf32> to vector<1x16xf32>
      tpu.vector_store %swap3A_156[%swap3A_157, %swap3A_158], %swap3A_161 {strides = array<i32>} : memref<128x64xf32, #tpu.memory_space<vmem>>, vector<1x16xf32>,
      %broadcast_in_dim3A_162 = arith.constant 0.000000e+00 : f32
      %broadcast_in_dim3A_163 = vector.broadcast %broadcast_in_dim3A_162 : f32 to vector<16xf32>
      %swap3A_164 = arith.constant 0 : i32
      %swap3A_165 = arith.constant 0 : i32
      %swap3A_166 = tpu.memref_slice %arg10[%scan3A, %swap3A_164, %swap3A_165] : memref<2x128x64xf32, #tpu.memory_space<vmem>> -> memref<1x128x64xf32, #tpu.memory_space<vmem>>
      %swap3A_167 = tpu.memref_squeeze %swap3A_166 : memref<1x128x64xf32, #tpu.memory_space<vmem>> -> memref<128x64xf32, #tpu.memory_space<vmem>>
      %swap3A_168 = arith.index_cast %scan3A_151 : i32 to index
      %swap3A_169 = arith.constant 16 : index
      %swap3A_170 = tpu.vector_load %swap3A_167[%swap3A_168, %swap3A_169] {strides = array<i32>} : memref<128x64xf32, #tpu.memory_space<vmem>>, vector<1x16xf32>,
      %swap3A_171 = vector.shape_cast %swap3A_170 : vector<1x16xf32> to vector<16xf32>
      %swap3A_172 = vector.shape_cast %broadcast_in_dim3A_163 : vector<16xf32> to vector<1x16xf32>
      tpu.vector_store %swap3A_167[%swap3A_168, %swap3A_169], %swap3A_172 {strides = array<i32>} : memref<128x64xf32, #tpu.memory_space<vmem>>, vector<1x16xf32>,
      %broadcast_in_dim3A_173 = arith.constant 0.000000e+00 : f32
      %broadcast_in_dim3A_174 = vector.broadcast %broadcast_in_dim3A_173 : f32 to vector<16xf32>
      %swap3A_175 = arith.constant 0 : i32
      %swap3A_176 = arith.constant 0 : i32
      %swap3A_177 = tpu.memref_slice %arg10[%scan3A, %swap3A_175, %swap3A_176] : memref<2x128x64xf32, #tpu.memory_space<vmem>> -> memref<1x128x64xf32, #tpu.memory_space<vmem>>
      %swap3A_178 = tpu.memref_squeeze %swap3A_177 : memref<1x128x64xf32, #tpu.memory_space<vmem>> -> memref<128x64xf32, #tpu.memory_space<vmem>>
      %swap3A_179 = arith.index_cast %scan3A_151 : i32 to index
      %swap3A_180 = arith.constant 32 : index
      %swap3A_181 = tpu.vector_load %swap3A_178[%swap3A_179, %swap3A_180] {strides = array<i32>} : memref<128x64xf32, #tpu.memory_space<vmem>>, vector<1x16xf32>,
      %swap3A_182 = vector.shape_cast %swap3A_181 : vector<1x16xf32> to vector<16xf32>
      %swap3A_183 = vector.shape_cast %broadcast_in_dim3A_174 : vector<16xf32> to vector<1x16xf32>
      tpu.vector_store %swap3A_178[%swap3A_179, %swap3A_180], %swap3A_183 {strides = array<i32>} : memref<128x64xf32, #tpu.memory_space<vmem>>, vector<1x16xf32>,
      %broadcast_in_dim3A_184 = arith.constant 0.000000e+00 : f32
      %broadcast_in_dim3A_185 = vector.broadcast %broadcast_in_dim3A_184 : f32 to vector<16xf32>
      %swap3A_186 = arith.constant 0 : i32
      %swap3A_187 = arith.constant 0 : i32
      %swap3A_188 = tpu.memref_slice %arg10[%scan3A, %swap3A_186, %swap3A_187] : memref<2x128x64xf32, #tpu.memory_space<vmem>> -> memref<1x128x64xf32, #tpu.memory_space<vmem>>
      %swap3A_189 = tpu.memref_squeeze %swap3A_188 : memref<1x128x64xf32, #tpu.memory_space<vmem>> -> memref<128x64xf32, #tpu.memory_space<vmem>>
      %swap3A_190 = arith.index_cast %scan3A_151 : i32 to index
      %swap3A_191 = arith.constant 48 : index
      %swap3A_192 = tpu.vector_load %swap3A_189[%swap3A_190, %swap3A_191] {strides = array<i32>} : memref<128x64xf32, #tpu.memory_space<vmem>>, vector<1x16xf32>,
      %swap3A_193 = vector.shape_cast %swap3A_192 : vector<1x16xf32> to vector<16xf32>
      %swap3A_194 = vector.shape_cast %broadcast_in_dim3A_185 : vector<16xf32> to vector<1x16xf32>
      tpu.vector_store %swap3A_189[%swap3A_190, %swap3A_191], %swap3A_194 {strides = array<i32>} : memref<128x64xf32, #tpu.memory_space<vmem>>, vector<1x16xf32>,
      %scan3A_195 = arith.constant 0 : i32
      scf.yield %scan3A_195 : i32
    }
    %scan3A_11 = arith.constant 128 : i32
    %mul3A_12 = arith.constant 640 : i32
    %mul3A_13 = arith.muli %arg1, %mul3A_12 : i32
    %add3A_14 = arith.constant 0 : i32
    %add3A_15 = arith.addi %mul3A_13, %add3A_14 : i32
    %run_scoped3A = arith.constant 0 : i32
    "tpu.region"() ({
      %run_scoped3A_151 = tpu.sem_alloc : memref<!tpu.dma_semaphore, #tpu.memory_space<semaphore_mem>>
      %dma_start3A_152 = arith.constant 0 : i32
      %dma_start3A_153 = arith.constant 0 : i32
      %dma_start3A_154 = tpu.memref_slice %arg10[%run_scoped3A, %dma_start3A_152, %dma_start3A_153] : memref<2x128x64xf32, #tpu.memory_space<vmem>> -> memref<1x128x64xf32, #tpu.memory_space<vmem>>
      %dma_start3A_155 = tpu.memref_squeeze %dma_start3A_154 : memref<1x128x64xf32, #tpu.memory_space<vmem>> -> memref<128x64xf32, #tpu.memory_space<vmem>>
      %dma_start3A_156 = arith.constant 0 : i32
      %dma_start3A_157 = tpu.memref_slice %arg6[%add3A_15, %dma_start3A_156] : memref<10240x64xf32, #tpu.memory_space<vmem_shared>> -> memref<128x64xf32, #tpu.memory_space<vmem_shared>>
      %dma_start3A_158 = arith.constant 0 : i32
      %dma_start3A_159 = tpu.memref_slice %arg6[%add3A_15, %dma_start3A_158] : memref<10240x64xf32, #tpu.memory_space<vmem_shared>> -> memref<128x64xf32, #tpu.memory_space<vmem_shared>>
      %dma_start3A_160 = arith.constant 0 : i32
      %dma_start3A_161 = arith.constant 0 : i32
      %dma_start3A_162 = tpu.memref_slice %arg10[%run_scoped3A, %dma_start3A_160, %dma_start3A_161] : memref<2x128x64xf32, #tpu.memory_space<vmem>> -> memref<1x128x64xf32, #tpu.memory_space<vmem>>
      %dma_start3A_163 = tpu.memref_squeeze %dma_start3A_162 : memref<1x128x64xf32, #tpu.memory_space<vmem>> -> memref<128x64xf32, #tpu.memory_space<vmem>>
      tpu.enqueue_dma source(%dma_start3A_163 : memref<128x64xf32, #tpu.memory_space<vmem>>) target(%dma_start3A_159 : memref<128x64xf32, #tpu.memory_space<vmem_shared>>) target_semaphore(%run_scoped3A_151 : memref<!tpu.dma_semaphore, #tpu.memory_space<semaphore_mem>>)
      %dma_wait3A = arith.constant 0 : i32
      %dma_wait3A_164 = arith.constant 0 : i32
      %dma_wait3A_165 = tpu.memref_slice %arg10[%run_scoped3A, %dma_wait3A, %dma_wait3A_164] : memref<2x128x64xf32, #tpu.memory_space<vmem>> -> memref<1x128x64xf32, #tpu.memory_space<vmem>>
      %dma_wait3A_166 = tpu.memref_squeeze %dma_wait3A_165 : memref<1x128x64xf32, #tpu.memory_space<vmem>> -> memref<128x64xf32, #tpu.memory_space<vmem>>
      %dma_wait3A_167 = arith.constant 0 : i32
      %dma_wait3A_168 = tpu.memref_slice %arg6[%add3A_15, %dma_wait3A_167] : memref<10240x64xf32, #tpu.memory_space<vmem_shared>> -> memref<128x64xf32, #tpu.memory_space<vmem_shared>>
      %dma_wait3A_169 = arith.constant 0 : i32
      %dma_wait3A_170 = tpu.memref_slice %arg6[%add3A_15, %dma_wait3A_169] : memref<10240x64xf32, #tpu.memory_space<vmem_shared>> -> memref<128x64xf32, #tpu.memory_space<vmem_shared>>
      %dma_wait3A_171 = arith.constant 0 : i32
      %dma_wait3A_172 = arith.constant 0 : i32
      %dma_wait3A_173 = tpu.memref_slice %arg10[%run_scoped3A, %dma_wait3A_171, %dma_wait3A_172] : memref<2x128x64xf32, #tpu.memory_space<vmem>> -> memref<1x128x64xf32, #tpu.memory_space<vmem>>
      %dma_wait3A_174 = tpu.memref_squeeze %dma_wait3A_173 : memref<1x128x64xf32, #tpu.memory_space<vmem>> -> memref<128x64xf32, #tpu.memory_space<vmem>>
      tpu.wait_dma2 semaphore(%run_scoped3A_151 : memref<!tpu.dma_semaphore, #tpu.memory_space<semaphore_mem>>) src(%dma_wait3A_174 : memref<128x64xf32, #tpu.memory_space<vmem>>) dst(%dma_wait3A_170 : memref<128x64xf32, #tpu.memory_space<vmem_shared>>)
      tpu.yield
    }) : () -> ()
    %mul3A_16 = arith.constant 640 : i32
    %mul3A_17 = arith.muli %arg1, %mul3A_16 : i32
    %add3A_18 = arith.constant 128 : i32
    %add3A_19 = arith.addi %mul3A_17, %add3A_18 : i32
    %run_scoped3A_20 = arith.constant 0 : i32
    "tpu.region"() ({
      %run_scoped3A_151 = tpu.sem_alloc : memref<!tpu.dma_semaphore, #tpu.memory_space<semaphore_mem>>
      %dma_start3A_152 = arith.constant 0 : i32
      %dma_start3A_153 = arith.constant 0 : i32
      %dma_start3A_154 = tpu.memref_slice %arg10[%run_scoped3A_20, %dma_start3A_152, %dma_start3A_153] : memref<2x128x64xf32, #tpu.memory_space<vmem>> -> memref<1x128x64xf32, #tpu.memory_space<vmem>>
      %dma_start3A_155 = tpu.memref_squeeze %dma_start3A_154 : memref<1x128x64xf32, #tpu.memory_space<vmem>> -> memref<128x64xf32, #tpu.memory_space<vmem>>
      %dma_start3A_156 = arith.constant 0 : i32
      %dma_start3A_157 = tpu.memref_slice %arg6[%add3A_19, %dma_start3A_156] : memref<10240x64xf32, #tpu.memory_space<vmem_shared>> -> memref<128x64xf32, #tpu.memory_space<vmem_shared>>
      %dma_start3A_158 = arith.constant 0 : i32
      %dma_start3A_159 = tpu.memref_slice %arg6[%add3A_19, %dma_start3A_158] : memref<10240x64xf32, #tpu.memory_space<vmem_shared>> -> memref<128x64xf32, #tpu.memory_space<vmem_shared>>
      %dma_start3A_160 = arith.constant 0 : i32
      %dma_start3A_161 = arith.constant 0 : i32
      %dma_start3A_162 = tpu.memref_slice %arg10[%run_scoped3A_20, %dma_start3A_160, %dma_start3A_161] : memref<2x128x64xf32, #tpu.memory_space<vmem>> -> memref<1x128x64xf32, #tpu.memory_space<vmem>>
      %dma_start3A_163 = tpu.memref_squeeze %dma_start3A_162 : memref<1x128x64xf32, #tpu.memory_space<vmem>> -> memref<128x64xf32, #tpu.memory_space<vmem>>
      tpu.enqueue_dma source(%dma_start3A_163 : memref<128x64xf32, #tpu.memory_space<vmem>>) target(%dma_start3A_159 : memref<128x64xf32, #tpu.memory_space<vmem_shared>>) target_semaphore(%run_scoped3A_151 : memref<!tpu.dma_semaphore, #tpu.memory_space<semaphore_mem>>)
      %dma_wait3A = arith.constant 0 : i32
      %dma_wait3A_164 = arith.constant 0 : i32
      %dma_wait3A_165 = tpu.memref_slice %arg10[%run_scoped3A_20, %dma_wait3A, %dma_wait3A_164] : memref<2x128x64xf32, #tpu.memory_space<vmem>> -> memref<1x128x64xf32, #tpu.memory_space<vmem>>
      %dma_wait3A_166 = tpu.memref_squeeze %dma_wait3A_165 : memref<1x128x64xf32, #tpu.memory_space<vmem>> -> memref<128x64xf32, #tpu.memory_space<vmem>>
      %dma_wait3A_167 = arith.constant 0 : i32
      %dma_wait3A_168 = tpu.memref_slice %arg6[%add3A_19, %dma_wait3A_167] : memref<10240x64xf32, #tpu.memory_space<vmem_shared>> -> memref<128x64xf32, #tpu.memory_space<vmem_shared>>
      %dma_wait3A_169 = arith.constant 0 : i32
      %dma_wait3A_170 = tpu.memref_slice %arg6[%add3A_19, %dma_wait3A_169] : memref<10240x64xf32, #tpu.memory_space<vmem_shared>> -> memref<128x64xf32, #tpu.memory_space<vmem_shared>>
      %dma_wait3A_171 = arith.constant 0 : i32
      %dma_wait3A_172 = arith.constant 0 : i32
      %dma_wait3A_173 = tpu.memref_slice %arg10[%run_scoped3A_20, %dma_wait3A_171, %dma_wait3A_172] : memref<2x128x64xf32, #tpu.memory_space<vmem>> -> memref<1x128x64xf32, #tpu.memory_space<vmem>>
      %dma_wait3A_174 = tpu.memref_squeeze %dma_wait3A_173 : memref<1x128x64xf32, #tpu.memory_space<vmem>> -> memref<128x64xf32, #tpu.memory_space<vmem>>
      tpu.wait_dma2 semaphore(%run_scoped3A_151 : memref<!tpu.dma_semaphore, #tpu.memory_space<semaphore_mem>>) src(%dma_wait3A_174 : memref<128x64xf32, #tpu.memory_space<vmem>>) dst(%dma_wait3A_170 : memref<128x64xf32, #tpu.memory_space<vmem_shared>>)
      tpu.yield
    }) : () -> ()
    %mul3A_21 = arith.constant 640 : i32
    %mul3A_22 = arith.muli %arg1, %mul3A_21 : i32
    %add3A_23 = arith.constant 256 : i32
    %add3A_24 = arith.addi %mul3A_22, %add3A_23 : i32
    %run_scoped3A_25 = arith.constant 0 : i32
    "tpu.region"() ({
      %run_scoped3A_151 = tpu.sem_alloc : memref<!tpu.dma_semaphore, #tpu.memory_space<semaphore_mem>>
      %dma_start3A_152 = arith.constant 0 : i32
      %dma_start3A_153 = arith.constant 0 : i32
      %dma_start3A_154 = tpu.memref_slice %arg10[%run_scoped3A_25, %dma_start3A_152, %dma_start3A_153] : memref<2x128x64xf32, #tpu.memory_space<vmem>> -> memref<1x128x64xf32, #tpu.memory_space<vmem>>
      %dma_start3A_155 = tpu.memref_squeeze %dma_start3A_154 : memref<1x128x64xf32, #tpu.memory_space<vmem>> -> memref<128x64xf32, #tpu.memory_space<vmem>>
      %dma_start3A_156 = arith.constant 0 : i32
      %dma_start3A_157 = tpu.memref_slice %arg6[%add3A_24, %dma_start3A_156] : memref<10240x64xf32, #tpu.memory_space<vmem_shared>> -> memref<128x64xf32, #tpu.memory_space<vmem_shared>>
      %dma_start3A_158 = arith.constant 0 : i32
      %dma_start3A_159 = tpu.memref_slice %arg6[%add3A_24, %dma_start3A_158] : memref<10240x64xf32, #tpu.memory_space<vmem_shared>> -> memref<128x64xf32, #tpu.memory_space<vmem_shared>>
      %dma_start3A_160 = arith.constant 0 : i32
      %dma_start3A_161 = arith.constant 0 : i32
      %dma_start3A_162 = tpu.memref_slice %arg10[%run_scoped3A_25, %dma_start3A_160, %dma_start3A_161] : memref<2x128x64xf32, #tpu.memory_space<vmem>> -> memref<1x128x64xf32, #tpu.memory_space<vmem>>
      %dma_start3A_163 = tpu.memref_squeeze %dma_start3A_162 : memref<1x128x64xf32, #tpu.memory_space<vmem>> -> memref<128x64xf32, #tpu.memory_space<vmem>>
      tpu.enqueue_dma source(%dma_start3A_163 : memref<128x64xf32, #tpu.memory_space<vmem>>) target(%dma_start3A_159 : memref<128x64xf32, #tpu.memory_space<vmem_shared>>) target_semaphore(%run_scoped3A_151 : memref<!tpu.dma_semaphore, #tpu.memory_space<semaphore_mem>>)
      %dma_wait3A = arith.constant 0 : i32
      %dma_wait3A_164 = arith.constant 0 : i32
      %dma_wait3A_165 = tpu.memref_slice %arg10[%run_scoped3A_25, %dma_wait3A, %dma_wait3A_164] : memref<2x128x64xf32, #tpu.memory_space<vmem>> -> memref<1x128x64xf32, #tpu.memory_space<vmem>>
      %dma_wait3A_166 = tpu.memref_squeeze %dma_wait3A_165 : memref<1x128x64xf32, #tpu.memory_space<vmem>> -> memref<128x64xf32, #tpu.memory_space<vmem>>
      %dma_wait3A_167 = arith.constant 0 : i32
      %dma_wait3A_168 = tpu.memref_slice %arg6[%add3A_24, %dma_wait3A_167] : memref<10240x64xf32, #tpu.memory_space<vmem_shared>> -> memref<128x64xf32, #tpu.memory_space<vmem_shared>>
      %dma_wait3A_169 = arith.constant 0 : i32
      %dma_wait3A_170 = tpu.memref_slice %arg6[%add3A_24, %dma_wait3A_169] : memref<10240x64xf32, #tpu.memory_space<vmem_shared>> -> memref<128x64xf32, #tpu.memory_space<vmem_shared>>
      %dma_wait3A_171 = arith.constant 0 : i32
      %dma_wait3A_172 = arith.constant 0 : i32
      %dma_wait3A_173 = tpu.memref_slice %arg10[%run_scoped3A_25, %dma_wait3A_171, %dma_wait3A_172] : memref<2x128x64xf32, #tpu.memory_space<vmem>> -> memref<1x128x64xf32, #tpu.memory_space<vmem>>
      %dma_wait3A_174 = tpu.memref_squeeze %dma_wait3A_173 : memref<1x128x64xf32, #tpu.memory_space<vmem>> -> memref<128x64xf32, #tpu.memory_space<vmem>>
      tpu.wait_dma2 semaphore(%run_scoped3A_151 : memref<!tpu.dma_semaphore, #tpu.memory_space<semaphore_mem>>) src(%dma_wait3A_174 : memref<128x64xf32, #tpu.memory_space<vmem>>) dst(%dma_wait3A_170 : memref<128x64xf32, #tpu.memory_space<vmem_shared>>)
      tpu.yield
    }) : () -> ()
    %mul3A_26 = arith.constant 640 : i32
    %mul3A_27 = arith.muli %arg1, %mul3A_26 : i32
    %add3A_28 = arith.constant 384 : i32
    %add3A_29 = arith.addi %mul3A_27, %add3A_28 : i32
    %run_scoped3A_30 = arith.constant 0 : i32
    "tpu.region"() ({
      %run_scoped3A_151 = tpu.sem_alloc : memref<!tpu.dma_semaphore, #tpu.memory_space<semaphore_mem>>
      %dma_start3A_152 = arith.constant 0 : i32
      %dma_start3A_153 = arith.constant 0 : i32
      %dma_start3A_154 = tpu.memref_slice %arg10[%run_scoped3A_30, %dma_start3A_152, %dma_start3A_153] : memref<2x128x64xf32, #tpu.memory_space<vmem>> -> memref<1x128x64xf32, #tpu.memory_space<vmem>>
      %dma_start3A_155 = tpu.memref_squeeze %dma_start3A_154 : memref<1x128x64xf32, #tpu.memory_space<vmem>> -> memref<128x64xf32, #tpu.memory_space<vmem>>
      %dma_start3A_156 = arith.constant 0 : i32
      %dma_start3A_157 = tpu.memref_slice %arg6[%add3A_29, %dma_start3A_156] : memref<10240x64xf32, #tpu.memory_space<vmem_shared>> -> memref<128x64xf32, #tpu.memory_space<vmem_shared>>
      %dma_start3A_158 = arith.constant 0 : i32
      %dma_start3A_159 = tpu.memref_slice %arg6[%add3A_29, %dma_start3A_158] : memref<10240x64xf32, #tpu.memory_space<vmem_shared>> -> memref<128x64xf32, #tpu.memory_space<vmem_shared>>
      %dma_start3A_160 = arith.constant 0 : i32
      %dma_start3A_161 = arith.constant 0 : i32
      %dma_start3A_162 = tpu.memref_slice %arg10[%run_scoped3A_30, %dma_start3A_160, %dma_start3A_161] : memref<2x128x64xf32, #tpu.memory_space<vmem>> -> memref<1x128x64xf32, #tpu.memory_space<vmem>>
      %dma_start3A_163 = tpu.memref_squeeze %dma_start3A_162 : memref<1x128x64xf32, #tpu.memory_space<vmem>> -> memref<128x64xf32, #tpu.memory_space<vmem>>
      tpu.enqueue_dma source(%dma_start3A_163 : memref<128x64xf32, #tpu.memory_space<vmem>>) target(%dma_start3A_159 : memref<128x64xf32, #tpu.memory_space<vmem_shared>>) target_semaphore(%run_scoped3A_151 : memref<!tpu.dma_semaphore, #tpu.memory_space<semaphore_mem>>)
      %dma_wait3A = arith.constant 0 : i32
      %dma_wait3A_164 = arith.constant 0 : i32
      %dma_wait3A_165 = tpu.memref_slice %arg10[%run_scoped3A_30, %dma_wait3A, %dma_wait3A_164] : memref<2x128x64xf32, #tpu.memory_space<vmem>> -> memref<1x128x64xf32, #tpu.memory_space<vmem>>
      %dma_wait3A_166 = tpu.memref_squeeze %dma_wait3A_165 : memref<1x128x64xf32, #tpu.memory_space<vmem>> -> memref<128x64xf32, #tpu.memory_space<vmem>>
      %dma_wait3A_167 = arith.constant 0 : i32
      %dma_wait3A_168 = tpu.memref_slice %arg6[%add3A_29, %dma_wait3A_167] : memref<10240x64xf32, #tpu.memory_space<vmem_shared>> -> memref<128x64xf32, #tpu.memory_space<vmem_shared>>
      %dma_wait3A_169 = arith.constant 0 : i32
      %dma_wait3A_170 = tpu.memref_slice %arg6[%add3A_29, %dma_wait3A_169] : memref<10240x64xf32, #tpu.memory_space<vmem_shared>> -> memref<128x64xf32, #tpu.memory_space<vmem_shared>>
      %dma_wait3A_171 = arith.constant 0 : i32
      %dma_wait3A_172 = arith.constant 0 : i32
      %dma_wait3A_173 = tpu.memref_slice %arg10[%run_scoped3A_30, %dma_wait3A_171, %dma_wait3A_172] : memref<2x128x64xf32, #tpu.memory_space<vmem>> -> memref<1x128x64xf32, #tpu.memory_space<vmem>>
      %dma_wait3A_174 = tpu.memref_squeeze %dma_wait3A_173 : memref<1x128x64xf32, #tpu.memory_space<vmem>> -> memref<128x64xf32, #tpu.memory_space<vmem>>
      tpu.wait_dma2 semaphore(%run_scoped3A_151 : memref<!tpu.dma_semaphore, #tpu.memory_space<semaphore_mem>>) src(%dma_wait3A_174 : memref<128x64xf32, #tpu.memory_space<vmem>>) dst(%dma_wait3A_170 : memref<128x64xf32, #tpu.memory_space<vmem_shared>>)
      tpu.yield
    }) : () -> ()
    %mul3A_31 = arith.constant 640 : i32
    %mul3A_32 = arith.muli %arg1, %mul3A_31 : i32
    %add3A_33 = arith.constant 512 : i32
    %add3A_34 = arith.addi %mul3A_32, %add3A_33 : i32
    %run_scoped3A_35 = arith.constant 0 : i32
    "tpu.region"() ({
      %run_scoped3A_151 = tpu.sem_alloc : memref<!tpu.dma_semaphore, #tpu.memory_space<semaphore_mem>>
      %dma_start3A_152 = arith.constant 0 : i32
      %dma_start3A_153 = arith.constant 0 : i32
      %dma_start3A_154 = tpu.memref_slice %arg10[%run_scoped3A_35, %dma_start3A_152, %dma_start3A_153] : memref<2x128x64xf32, #tpu.memory_space<vmem>> -> memref<1x128x64xf32, #tpu.memory_space<vmem>>
      %dma_start3A_155 = tpu.memref_squeeze %dma_start3A_154 : memref<1x128x64xf32, #tpu.memory_space<vmem>> -> memref<128x64xf32, #tpu.memory_space<vmem>>
      %dma_start3A_156 = arith.constant 0 : i32
      %dma_start3A_157 = tpu.memref_slice %arg6[%add3A_34, %dma_start3A_156] : memref<10240x64xf32, #tpu.memory_space<vmem_shared>> -> memref<128x64xf32, #tpu.memory_space<vmem_shared>>
      %dma_start3A_158 = arith.constant 0 : i32
      %dma_start3A_159 = tpu.memref_slice %arg6[%add3A_34, %dma_start3A_158] : memref<10240x64xf32, #tpu.memory_space<vmem_shared>> -> memref<128x64xf32, #tpu.memory_space<vmem_shared>>
      %dma_start3A_160 = arith.constant 0 : i32
      %dma_start3A_161 = arith.constant 0 : i32
      %dma_start3A_162 = tpu.memref_slice %arg10[%run_scoped3A_35, %dma_start3A_160, %dma_start3A_161] : memref<2x128x64xf32, #tpu.memory_space<vmem>> -> memref<1x128x64xf32, #tpu.memory_space<vmem>>
      %dma_start3A_163 = tpu.memref_squeeze %dma_start3A_162 : memref<1x128x64xf32, #tpu.memory_space<vmem>> -> memref<128x64xf32, #tpu.memory_space<vmem>>
      tpu.enqueue_dma source(%dma_start3A_163 : memref<128x64xf32, #tpu.memory_space<vmem>>) target(%dma_start3A_159 : memref<128x64xf32, #tpu.memory_space<vmem_shared>>) target_semaphore(%run_scoped3A_151 : memref<!tpu.dma_semaphore, #tpu.memory_space<semaphore_mem>>)
      %dma_wait3A = arith.constant 0 : i32
      %dma_wait3A_164 = arith.constant 0 : i32
      %dma_wait3A_165 = tpu.memref_slice %arg10[%run_scoped3A_35, %dma_wait3A, %dma_wait3A_164] : memref<2x128x64xf32, #tpu.memory_space<vmem>> -> memref<1x128x64xf32, #tpu.memory_space<vmem>>
      %dma_wait3A_166 = tpu.memref_squeeze %dma_wait3A_165 : memref<1x128x64xf32, #tpu.memory_space<vmem>> -> memref<128x64xf32, #tpu.memory_space<vmem>>
      %dma_wait3A_167 = arith.constant 0 : i32
      %dma_wait3A_168 = tpu.memref_slice %arg6[%add3A_34, %dma_wait3A_167] : memref<10240x64xf32, #tpu.memory_space<vmem_shared>> -> memref<128x64xf32, #tpu.memory_space<vmem_shared>>
      %dma_wait3A_169 = arith.constant 0 : i32
      %dma_wait3A_170 = tpu.memref_slice %arg6[%add3A_34, %dma_wait3A_169] : memref<10240x64xf32, #tpu.memory_space<vmem_shared>> -> memref<128x64xf32, #tpu.memory_space<vmem_shared>>
      %dma_wait3A_171 = arith.constant 0 : i32
      %dma_wait3A_172 = arith.constant 0 : i32
      %dma_wait3A_173 = tpu.memref_slice %arg10[%run_scoped3A_35, %dma_wait3A_171, %dma_wait3A_172] : memref<2x128x64xf32, #tpu.memory_space<vmem>> -> memref<1x128x64xf32, #tpu.memory_space<vmem>>
      %dma_wait3A_174 = tpu.memref_squeeze %dma_wait3A_173 : memref<1x128x64xf32, #tpu.memory_space<vmem>> -> memref<128x64xf32, #tpu.memory_space<vmem>>
      tpu.wait_dma2 semaphore(%run_scoped3A_151 : memref<!tpu.dma_semaphore, #tpu.memory_space<semaphore_mem>>) src(%dma_wait3A_174 : memref<128x64xf32, #tpu.memory_space<vmem>>) dst(%dma_wait3A_170 : memref<128x64xf32, #tpu.memory_space<vmem_shared>>)
      tpu.yield
    }) : () -> ()
    %barrier3A = arith.constant 0 : index
    tpu.barrier barrier_id(%barrier3A)
    %mul3A_36 = arith.constant 4 : i32
    %mul3A_37 = arith.muli %arg1, %mul3A_36 : i32
    %add3A_38 = arith.constant 0 : i32
    %add3A_39 = arith.addi %mul3A_37, %add3A_38 : i32
    "tpu.region"() ({
      %run_scoped3A_151 = tpu.sem_alloc : memref<!tpu.dma_semaphore, #tpu.memory_space<semaphore_mem>>
      %dma_start3A_152 = arith.constant 0 : i32
      %dma_start3A_153 = arith.constant 0 : i32
      %dma_start3A_154 = tpu.memref_slice %arg3[%add3A_39, %dma_start3A_152, %dma_start3A_153] : memref<64x40x128xi32, #tpu.memory_space<hbm>> -> memref<1x40x128xi32, #tpu.memory_space<hbm>>
      %dma_start3A_155 = tpu.memref_squeeze %dma_start3A_154 : memref<1x40x128xi32, #tpu.memory_space<hbm>> -> memref<40x128xi32, #tpu.memory_space<hbm>>
      %dma_start3A_156 = arith.constant 0 : i32
      %dma_start3A_157 = arith.constant 0 : i32
      %dma_start3A_158 = tpu.memref_slice %arg3[%add3A_39, %dma_start3A_156, %dma_start3A_157] : memref<64x40x128xi32, #tpu.memory_space<hbm>> -> memref<1x40x128xi32, #tpu.memory_space<hbm>>
      %dma_start3A_159 = tpu.memref_squeeze %dma_start3A_158 : memref<1x40x128xi32, #tpu.memory_space<hbm>> -> memref<40x128xi32, #tpu.memory_space<hbm>>
      tpu.enqueue_dma source(%dma_start3A_159 : memref<40x128xi32, #tpu.memory_space<hbm>>) target(%arg8 : memref<40x128xi32, #tpu.memory_space<vmem>>) target_semaphore(%run_scoped3A_151 : memref<!tpu.dma_semaphore, #tpu.memory_space<semaphore_mem>>)
      %dma_wait3A = arith.constant 0 : i32
      %dma_wait3A_160 = arith.constant 0 : i32
      %dma_wait3A_161 = tpu.memref_slice %arg3[%add3A_39, %dma_wait3A, %dma_wait3A_160] : memref<64x40x128xi32, #tpu.memory_space<hbm>> -> memref<1x40x128xi32, #tpu.memory_space<hbm>>
      %dma_wait3A_162 = tpu.memref_squeeze %dma_wait3A_161 : memref<1x40x128xi32, #tpu.memory_space<hbm>> -> memref<40x128xi32, #tpu.memory_space<hbm>>
      %dma_wait3A_163 = arith.constant 0 : i32
      %dma_wait3A_164 = arith.constant 0 : i32
      %dma_wait3A_165 = tpu.memref_slice %arg3[%add3A_39, %dma_wait3A_163, %dma_wait3A_164] : memref<64x40x128xi32, #tpu.memory_space<hbm>> -> memref<1x40x128xi32, #tpu.memory_space<hbm>>
      %dma_wait3A_166 = tpu.memref_squeeze %dma_wait3A_165 : memref<1x40x128xi32, #tpu.memory_space<hbm>> -> memref<40x128xi32, #tpu.memory_space<hbm>>
      tpu.wait_dma2 semaphore(%run_scoped3A_151 : memref<!tpu.dma_semaphore, #tpu.memory_space<semaphore_mem>>) src(%dma_wait3A_166 : memref<40x128xi32, #tpu.memory_space<hbm>>) dst(%arg8 : memref<40x128xi32, #tpu.memory_space<vmem>>)
      tpu.yield
    }) : () -> ()
    %mul3A_40 = arith.constant 4 : i32
    %mul3A_41 = arith.muli %arg1, %mul3A_40 : i32
    %add3A_42 = arith.constant 0 : i32
    %add3A_43 = arith.addi %mul3A_41, %add3A_42 : i32
    "tpu.region"() ({
      %run_scoped3A_151 = tpu.sem_alloc : memref<!tpu.dma_semaphore, #tpu.memory_space<semaphore_mem>>
      %dma_start3A_152 = arith.constant 0 : i32
      %dma_start3A_153 = arith.constant 0 : i32
      %dma_start3A_154 = tpu.memref_slice %arg4[%add3A_43, %dma_start3A_152, %dma_start3A_153] : memref<64x40x128xi32, #tpu.memory_space<hbm>> -> memref<1x40x128xi32, #tpu.memory_space<hbm>>
      %dma_start3A_155 = tpu.memref_squeeze %dma_start3A_154 : memref<1x40x128xi32, #tpu.memory_space<hbm>> -> memref<40x128xi32, #tpu.memory_space<hbm>>
      %dma_start3A_156 = arith.constant 0 : i32
      %dma_start3A_157 = arith.constant 0 : i32
      %dma_start3A_158 = tpu.memref_slice %arg4[%add3A_43, %dma_start3A_156, %dma_start3A_157] : memref<64x40x128xi32, #tpu.memory_space<hbm>> -> memref<1x40x128xi32, #tpu.memory_space<hbm>>
      %dma_start3A_159 = tpu.memref_squeeze %dma_start3A_158 : memref<1x40x128xi32, #tpu.memory_space<hbm>> -> memref<40x128xi32, #tpu.memory_space<hbm>>
      tpu.enqueue_dma source(%dma_start3A_159 : memref<40x128xi32, #tpu.memory_space<hbm>>) target(%arg9 : memref<40x128xi32, #tpu.memory_space<vmem>>) target_semaphore(%run_scoped3A_151 : memref<!tpu.dma_semaphore, #tpu.memory_space<semaphore_mem>>)
      %dma_wait3A = arith.constant 0 : i32
      %dma_wait3A_160 = arith.constant 0 : i32
      %dma_wait3A_161 = tpu.memref_slice %arg4[%add3A_43, %dma_wait3A, %dma_wait3A_160] : memref<64x40x128xi32, #tpu.memory_space<hbm>> -> memref<1x40x128xi32, #tpu.memory_space<hbm>>
      %dma_wait3A_162 = tpu.memref_squeeze %dma_wait3A_161 : memref<1x40x128xi32, #tpu.memory_space<hbm>> -> memref<40x128xi32, #tpu.memory_space<hbm>>
      %dma_wait3A_163 = arith.constant 0 : i32
      %dma_wait3A_164 = arith.constant 0 : i32
      %dma_wait3A_165 = tpu.memref_slice %arg4[%add3A_43, %dma_wait3A_163, %dma_wait3A_164] : memref<64x40x128xi32, #tpu.memory_space<hbm>> -> memref<1x40x128xi32, #tpu.memory_space<hbm>>
      %dma_wait3A_166 = tpu.memref_squeeze %dma_wait3A_165 : memref<1x40x128xi32, #tpu.memory_space<hbm>> -> memref<40x128xi32, #tpu.memory_space<hbm>>
      tpu.wait_dma2 semaphore(%run_scoped3A_151 : memref<!tpu.dma_semaphore, #tpu.memory_space<semaphore_mem>>) src(%dma_wait3A_166 : memref<40x128xi32, #tpu.memory_space<hbm>>) dst(%arg9 : memref<40x128xi32, #tpu.memory_space<vmem>>)
      tpu.yield
    }) : () -> ()
    %dma_start3A = arith.constant 0 : i32
    %dma_start3A_44 = arith.constant 0 : i32
    %dma_start3A_45 = arith.constant 0 : i32
    %dma_start3A_46 = arith.constant 0 : i32
    %dma_start3A_47 = tpu.memref_slice %arg10[%dma_start3A_44, %dma_start3A_45, %dma_start3A_46] : memref<2x128x64xf32, #tpu.memory_space<vmem>> -> memref<1x128x64xf32, #tpu.memory_space<vmem>>
    %dma_start3A_48 = tpu.memref_squeeze %dma_start3A_47 : memref<1x128x64xf32, #tpu.memory_space<vmem>> -> memref<128x64xf32, #tpu.memory_space<vmem>>
    %dma_start3A_49 = arith.constant 0 : i32
    %dma_start3A_50 = tpu.memref_slice %arg8[%dma_start3A, %dma_start3A_49] : memref<40x128xi32, #tpu.memory_space<vmem>> -> memref<1x128xi32, #tpu.memory_space<vmem>>
    %dma_start3A_51 = tpu.memref_squeeze %dma_start3A_50 : memref<1x128xi32, #tpu.memory_space<vmem>> -> memref<128xi32, #tpu.memory_space<vmem>>
    %dma_start3A_52 = arith.constant 0 : i32
    %dma_start3A_53 = arith.constant 0 : i32
    %dma_start3A_54 = tpu.memref_slice %arg7[%dma_start3A_52, %dma_start3A_53] : memref<10240x64xf32, #tpu.memory_space<vmem_shared>> -> memref<10240x64xf32, #tpu.memory_space<vmem_shared>>
    tpu.enqueue_indirect_dma source(%dma_start3A_54 : memref<10240x64xf32, #tpu.memory_space<vmem_shared>>) target(%dma_start3A_48 : memref<128x64xf32, #tpu.memory_space<vmem>>) offsets(%dma_start3A_51 : memref<128xi32, #tpu.memory_space<vmem>>) semaphore(%arg11 : memref<!tpu.dma_semaphore, #tpu.memory_space<semaphore_mem>>)
    %scan3A_55 = arith.constant 0 : i32
    %scan3A_56 = arith.constant 0 : i32
    %scan3A_57 = arith.constant 20 : i32
    %scan3A_58 = arith.addi %scan3A_56, %scan3A_57 : i32
    %scan3A_59 = arith.constant 1 : i32
    %scan3A_60 = scf.for %scan3A_151 = %scan3A_56 to %scan3A_58 step %scan3A_59 iter_args(%scan3A_152 = %scan3A_55) -> (i32)  : i32 {
      %mul3A_153 = arith.constant 2 : i32
      %mul3A_154 = arith.muli %scan3A_151, %mul3A_153 : i32
      %dma_wait3A = arith.constant 0 : i32
      %dma_wait3A_155 = arith.constant 0 : i32
      %dma_wait3A_156 = arith.constant 0 : i32
      %dma_wait3A_157 = tpu.memref_slice %arg10[%dma_wait3A, %dma_wait3A_155, %dma_wait3A_156] : memref<2x128x64xf32, #tpu.memory_space<vmem>> -> memref<1x128x64xf32, #tpu.memory_space<vmem>>
      %dma_wait3A_158 = tpu.memref_squeeze %dma_wait3A_157 : memref<1x128x64xf32, #tpu.memory_space<vmem>> -> memref<128x64xf32, #tpu.memory_space<vmem>>
      %dma_wait3A_159 = arith.constant 0 : i32
      %dma_wait3A_160 = tpu.memref_slice %arg8[%mul3A_154, %dma_wait3A_159] : memref<40x128xi32, #tpu.memory_space<vmem>> -> memref<1x128xi32, #tpu.memory_space<vmem>>
      %dma_wait3A_161 = tpu.memref_squeeze %dma_wait3A_160 : memref<1x128xi32, #tpu.memory_space<vmem>> -> memref<128xi32, #tpu.memory_space<vmem>>
      %dma_wait3A_162 = arith.constant 0 : i32
      %dma_wait3A_163 = arith.constant 0 : i32
      %dma_wait3A_164 = tpu.memref_slice %arg7[%dma_wait3A_162, %dma_wait3A_163] : memref<10240x64xf32, #tpu.memory_space<vmem_shared>> -> memref<10240x64xf32, #tpu.memory_space<vmem_shared>>
      tpu.wait_indirect_dma semaphore(%arg11 : memref<!tpu.dma_semaphore, #tpu.memory_space<semaphore_mem>>) src(%dma_wait3A_164 : memref<10240x64xf32, #tpu.memory_space<vmem_shared>>) dst(%dma_wait3A_158 : memref<128x64xf32, #tpu.memory_space<vmem>>)
      %add3A_165 = arith.constant 1 : i32
      %add3A_166 = arith.addi %mul3A_154, %add3A_165 : i32
      %dma_start3A_167 = arith.constant 1 : i32
      %dma_start3A_168 = arith.constant 0 : i32
      %dma_start3A_169 = arith.constant 0 : i32
      %dma_start3A_170 = tpu.memref_slice %arg10[%dma_start3A_167, %dma_start3A_168, %dma_start3A_169] : memref<2x128x64xf32, #tpu.memory_space<vmem>> -> memref<1x128x64xf32, #tpu.memory_space<vmem>>
      %dma_start3A_171 = tpu.memref_squeeze %dma_start3A_170 : memref<1x128x64xf32, #tpu.memory_space<vmem>> -> memref<128x64xf32, #tpu.memory_space<vmem>>
      %dma_start3A_172 = arith.constant 0 : i32
      %dma_start3A_173 = tpu.memref_slice %arg8[%add3A_166, %dma_start3A_172] : memref<40x128xi32, #tpu.memory_space<vmem>> -> memref<1x128xi32, #tpu.memory_space<vmem>>
      %dma_start3A_174 = tpu.memref_squeeze %dma_start3A_173 : memref<1x128xi32, #tpu.memory_space<vmem>> -> memref<128xi32, #tpu.memory_space<vmem>>
      %dma_start3A_175 = arith.constant 0 : i32
      %dma_start3A_176 = arith.constant 0 : i32
      %dma_start3A_177 = tpu.memref_slice %arg7[%dma_start3A_175, %dma_start3A_176] : memref<10240x64xf32, #tpu.memory_space<vmem_shared>> -> memref<10240x64xf32, #tpu.memory_space<vmem_shared>>
      tpu.enqueue_indirect_dma source(%dma_start3A_177 : memref<10240x64xf32, #tpu.memory_space<vmem_shared>>) target(%dma_start3A_171 : memref<128x64xf32, #tpu.memory_space<vmem>>) offsets(%dma_start3A_174 : memref<128xi32, #tpu.memory_space<vmem>>) semaphore(%arg12 : memref<!tpu.dma_semaphore, #tpu.memory_space<semaphore_mem>>)
      %run_scoped3A_178 = arith.constant 0 : i32
      "tpu.region"() ({
        %run_scoped3A_200 = tpu.sem_alloc : memref<!tpu.dma_semaphore, #tpu.memory_space<semaphore_mem>>
        %dma_start3A_201 = arith.constant 0 : i32
        %dma_start3A_202 = arith.constant 0 : i32
        %dma_start3A_203 = tpu.memref_slice %arg10[%run_scoped3A_178, %dma_start3A_201, %dma_start3A_202] : memref<2x128x64xf32, #tpu.memory_space<vmem>> -> memref<1x128x64xf32, #tpu.memory_space<vmem>>
        %dma_start3A_204 = tpu.memref_squeeze %dma_start3A_203 : memref<1x128x64xf32, #tpu.memory_space<vmem>> -> memref<128x64xf32, #tpu.memory_space<vmem>>
        %dma_start3A_205 = arith.constant 0 : i32
        %dma_start3A_206 = tpu.memref_slice %arg9[%mul3A_154, %dma_start3A_205] : memref<40x128xi32, #tpu.memory_space<vmem>> -> memref<1x128xi32, #tpu.memory_space<vmem>>
        %dma_start3A_207 = tpu.memref_squeeze %dma_start3A_206 : memref<1x128xi32, #tpu.memory_space<vmem>> -> memref<128xi32, #tpu.memory_space<vmem>>
        %dma_start3A_208 = arith.constant 0 : i32
        %dma_start3A_209 = arith.constant 0 : i32
        %dma_start3A_210 = tpu.memref_slice %arg6[%dma_start3A_208, %dma_start3A_209] : memref<10240x64xf32, #tpu.memory_space<vmem_shared>> -> memref<10240x64xf32, #tpu.memory_space<vmem_shared>>
        tpu.enqueue_indirect_dma source(%dma_start3A_204 : memref<128x64xf32, #tpu.memory_space<vmem>>) target(%dma_start3A_210 : memref<10240x64xf32, #tpu.memory_space<vmem_shared>>) offsets(%dma_start3A_207 : memref<128xi32, #tpu.memory_space<vmem>>) semaphore(%run_scoped3A_200 : memref<!tpu.dma_semaphore, #tpu.memory_space<semaphore_mem>>) {add = true}
        %dma_wait3A_211 = arith.constant 0 : i32
        %dma_wait3A_212 = arith.constant 0 : i32
        %dma_wait3A_213 = tpu.memref_slice %arg10[%run_scoped3A_178, %dma_wait3A_211, %dma_wait3A_212] : memref<2x128x64xf32, #tpu.memory_space<vmem>> -> memref<1x128x64xf32, #tpu.memory_space<vmem>>
        %dma_wait3A_214 = tpu.memref_squeeze %dma_wait3A_213 : memref<1x128x64xf32, #tpu.memory_space<vmem>> -> memref<128x64xf32, #tpu.memory_space<vmem>>
        %dma_wait3A_215 = arith.constant 0 : i32
        %dma_wait3A_216 = tpu.memref_slice %arg9[%mul3A_154, %dma_wait3A_215] : memref<40x128xi32, #tpu.memory_space<vmem>> -> memref<1x128xi32, #tpu.memory_space<vmem>>
        %dma_wait3A_217 = tpu.memref_squeeze %dma_wait3A_216 : memref<1x128xi32, #tpu.memory_space<vmem>> -> memref<128xi32, #tpu.memory_space<vmem>>
        %dma_wait3A_218 = arith.constant 0 : i32
        %dma_wait3A_219 = arith.constant 0 : i32
        %dma_wait3A_220 = tpu.memref_slice %arg6[%dma_wait3A_218, %dma_wait3A_219] : memref<10240x64xf32, #tpu.memory_space<vmem_shared>> -> memref<10240x64xf32, #tpu.memory_space<vmem_shared>>
        tpu.wait_indirect_dma semaphore(%run_scoped3A_200 : memref<!tpu.dma_semaphore, #tpu.memory_space<semaphore_mem>>) src(%dma_wait3A_214 : memref<128x64xf32, #tpu.memory_space<vmem>>) dst(%dma_wait3A_220 : memref<10240x64xf32, #tpu.memory_space<vmem_shared>>)
        tpu.yield
      }) : () -> ()
      %add3A_179 = arith.constant 1 : i32
      %add3A_180 = arith.addi %mul3A_154, %add3A_179 : i32
      %dma_wait3A_181 = arith.constant 1 : i32
      %dma_wait3A_182 = arith.constant 0 : i32
      %dma_wait3A_183 = arith.constant 0 : i32
      %dma_wait3A_184 = tpu.memref_slice %arg10[%dma_wait3A_181, %dma_wait3A_182, %dma_wait3A_183] : memref<2x128x64xf32, #tpu.memory_space<vmem>> -> memref<1x128x64xf32, #tpu.memory_space<vmem>>
      %dma_wait3A_185 = tpu.memref_squeeze %dma_wait3A_184 : memref<1x128x64xf32, #tpu.memory_space<vmem>> -> memref<128x64xf32, #tpu.memory_space<vmem>>
      %dma_wait3A_186 = arith.constant 0 : i32
      %dma_wait3A_187 = tpu.memref_slice %arg8[%add3A_180, %dma_wait3A_186] : memref<40x128xi32, #tpu.memory_space<vmem>> -> memref<1x128xi32, #tpu.memory_space<vmem>>
      %dma_wait3A_188 = tpu.memref_squeeze %dma_wait3A_187 : memref<1x128xi32, #tpu.memory_space<vmem>> -> memref<128xi32, #tpu.memory_space<vmem>>
      %dma_wait3A_189 = arith.constant 0 : i32
      %dma_wait3A_190 = arith.constant 0 : i32
      %dma_wait3A_191 = tpu.memref_slice %arg7[%dma_wait3A_189, %dma_wait3A_190] : memref<10240x64xf32, #tpu.memory_space<vmem_shared>> -> memref<10240x64xf32, #tpu.memory_space<vmem_shared>>
      tpu.wait_indirect_dma semaphore(%arg12 : memref<!tpu.dma_semaphore, #tpu.memory_space<semaphore_mem>>) src(%dma_wait3A_191 : memref<10240x64xf32, #tpu.memory_space<vmem_shared>>) dst(%dma_wait3A_185 : memref<128x64xf32, #tpu.memory_space<vmem>>)
      %add3A_192 = arith.constant 2 : i32
      %add3A_193 = arith.addi %mul3A_154, %add3A_192 : i32
      %lt3A = arith.constant 40 : i32
      %lt3A_194 = arith.cmpi slt, %add3A_193, %lt3A : i32
      %convert_element_type3A = arith.extui %lt3A_194 : i1 to i32
      %cond3A = arith.constant 0 : i32
      %cond3A_195 = arith.cmpi ne, %convert_element_type3A, %cond3A : i32
      scf.if %cond3A_195 {
        %add3A_200 = arith.constant 2 : i32
        %add3A_201 = arith.addi %mul3A_154, %add3A_200 : i32
        %dma_start3A_202 = arith.constant 0 : i32
        %dma_start3A_203 = arith.constant 0 : i32
        %dma_start3A_204 = arith.constant 0 : i32
        %dma_start3A_205 = tpu.memref_slice %arg10[%dma_start3A_202, %dma_start3A_203, %dma_start3A_204] : memref<2x128x64xf32, #tpu.memory_space<vmem>> -> memref<1x128x64xf32, #tpu.memory_space<vmem>>
        %dma_start3A_206 = tpu.memref_squeeze %dma_start3A_205 : memref<1x128x64xf32, #tpu.memory_space<vmem>> -> memref<128x64xf32, #tpu.memory_space<vmem>>
        %dma_start3A_207 = arith.constant 0 : i32
        %dma_start3A_208 = tpu.memref_slice %arg8[%add3A_201, %dma_start3A_207] : memref<40x128xi32, #tpu.memory_space<vmem>> -> memref<1x128xi32, #tpu.memory_space<vmem>>
        %dma_start3A_209 = tpu.memref_squeeze %dma_start3A_208 : memref<1x128xi32, #tpu.memory_space<vmem>> -> memref<128xi32, #tpu.memory_space<vmem>>
        %dma_start3A_210 = arith.constant 0 : i32
        %dma_start3A_211 = arith.constant 0 : i32
        %dma_start3A_212 = tpu.memref_slice %arg7[%dma_start3A_210, %dma_start3A_211] : memref<10240x64xf32, #tpu.memory_space<vmem_shared>> -> memref<10240x64xf32, #tpu.memory_space<vmem_shared>>
        tpu.enqueue_indirect_dma source(%dma_start3A_212 : memref<10240x64xf32, #tpu.memory_space<vmem_shared>>) target(%dma_start3A_206 : memref<128x64xf32, #tpu.memory_space<vmem>>) offsets(%dma_start3A_209 : memref<128xi32, #tpu.memory_space<vmem>>) semaphore(%arg11 : memref<!tpu.dma_semaphore, #tpu.memory_space<semaphore_mem>>)
      } else {
      }
      %add3A_196 = arith.constant 1 : i32
      %add3A_197 = arith.addi %mul3A_154, %add3A_196 : i32
      %run_scoped3A_198 = arith.constant 1 : i32
      "tpu.region"() ({
        %run_scoped3A_200 = tpu.sem_alloc : memref<!tpu.dma_semaphore, #tpu.memory_space<semaphore_mem>>
        %dma_start3A_201 = arith.constant 0 : i32
        %dma_start3A_202 = arith.constant 0 : i32
        %dma_start3A_203 = tpu.memref_slice %arg10[%run_scoped3A_198, %dma_start3A_201, %dma_start3A_202] : memref<2x128x64xf32, #tpu.memory_space<vmem>> -> memref<1x128x64xf32, #tpu.memory_space<vmem>>
        %dma_start3A_204 = tpu.memref_squeeze %dma_start3A_203 : memref<1x128x64xf32, #tpu.memory_space<vmem>> -> memref<128x64xf32, #tpu.memory_space<vmem>>
        %dma_start3A_205 = arith.constant 0 : i32
        %dma_start3A_206 = tpu.memref_slice %arg9[%add3A_197, %dma_start3A_205] : memref<40x128xi32, #tpu.memory_space<vmem>> -> memref<1x128xi32, #tpu.memory_space<vmem>>
        %dma_start3A_207 = tpu.memref_squeeze %dma_start3A_206 : memref<1x128xi32, #tpu.memory_space<vmem>> -> memref<128xi32, #tpu.memory_space<vmem>>
        %dma_start3A_208 = arith.constant 0 : i32
        %dma_start3A_209 = arith.constant 0 : i32
        %dma_start3A_210 = tpu.memref_slice %arg6[%dma_start3A_208, %dma_start3A_209] : memref<10240x64xf32, #tpu.memory_space<vmem_shared>> -> memref<10240x64xf32, #tpu.memory_space<vmem_shared>>
        tpu.enqueue_indirect_dma source(%dma_start3A_204 : memref<128x64xf32, #tpu.memory_space<vmem>>) target(%dma_start3A_210 : memref<10240x64xf32, #tpu.memory_space<vmem_shared>>) offsets(%dma_start3A_207 : memref<128xi32, #tpu.memory_space<vmem>>) semaphore(%run_scoped3A_200 : memref<!tpu.dma_semaphore, #tpu.memory_space<semaphore_mem>>) {add = true}
        %dma_wait3A_211 = arith.constant 0 : i32
        %dma_wait3A_212 = arith.constant 0 : i32
        %dma_wait3A_213 = tpu.memref_slice %arg10[%run_scoped3A_198, %dma_wait3A_211, %dma_wait3A_212] : memref<2x128x64xf32, #tpu.memory_space<vmem>> -> memref<1x128x64xf32, #tpu.memory_space<vmem>>
        %dma_wait3A_214 = tpu.memref_squeeze %dma_wait3A_213 : memref<1x128x64xf32, #tpu.memory_space<vmem>> -> memref<128x64xf32, #tpu.memory_space<vmem>>
        %dma_wait3A_215 = arith.constant 0 : i32
        %dma_wait3A_216 = tpu.memref_slice %arg9[%add3A_197, %dma_wait3A_215] : memref<40x128xi32, #tpu.memory_space<vmem>> -> memref<1x128xi32, #tpu.memory_space<vmem>>
        %dma_wait3A_217 = tpu.memref_squeeze %dma_wait3A_216 : memref<1x128xi32, #tpu.memory_space<vmem>> -> memref<128xi32, #tpu.memory_space<vmem>>
        %dma_wait3A_218 = arith.constant 0 : i32
        %dma_wait3A_219 = arith.constant 0 : i32
        %dma_wait3A_220 = tpu.memref_slice %arg6[%dma_wait3A_218, %dma_wait3A_219] : memref<10240x64xf32, #tpu.memory_space<vmem_shared>> -> memref<10240x64xf32, #tpu.memory_space<vmem_shared>>
        tpu.wait_indirect_dma semaphore(%run_scoped3A_200 : memref<!tpu.dma_semaphore, #tpu.memory_space<semaphore_mem>>) src(%dma_wait3A_214 : memref<128x64xf32, #tpu.memory_space<vmem>>) dst(%dma_wait3A_220 : memref<10240x64xf32, #tpu.memory_space<vmem_shared>>)
        tpu.yield
      }) : () -> ()
      %scan3A_199 = arith.constant 0 : i32
      scf.yield %scan3A_199 : i32
    }
    %scan3A_61 = arith.constant 20 : i32
    %mul3A_62 = arith.constant 4 : i32
    %mul3A_63 = arith.muli %arg1, %mul3A_62 : i32
    %add3A_64 = arith.constant 1 : i32
    %add3A_65 = arith.addi %mul3A_63, %add3A_64 : i32
    "tpu.region"() ({
      %run_scoped3A_151 = tpu.sem_alloc : memref<!tpu.dma_semaphore, #tpu.memory_space<semaphore_mem>>
      %dma_start3A_152 = arith.constant 0 : i32
      %dma_start3A_153 = arith.constant 0 : i32
      %dma_start3A_154 = tpu.memref_slice %arg3[%add3A_65, %dma_start3A_152, %dma_start3A_153] : memref<64x40x128xi32, #tpu.memory_space<hbm>> -> memref<1x40x128xi32, #tpu.memory_space<hbm>>
      %dma_start3A_155 = tpu.memref_squeeze %dma_start3A_154 : memref<1x40x128xi32, #tpu.memory_space<hbm>> -> memref<40x128xi32, #tpu.memory_space<hbm>>
      %dma_start3A_156 = arith.constant 0 : i32
      %dma_start3A_157 = arith.constant 0 : i32
      %dma_start3A_158 = tpu.memref_slice %arg3[%add3A_65, %dma_start3A_156, %dma_start3A_157] : memref<64x40x128xi32, #tpu.memory_space<hbm>> -> memref<1x40x128xi32, #tpu.memory_space<hbm>>
      %dma_start3A_159 = tpu.memref_squeeze %dma_start3A_158 : memref<1x40x128xi32, #tpu.memory_space<hbm>> -> memref<40x128xi32, #tpu.memory_space<hbm>>
      tpu.enqueue_dma source(%dma_start3A_159 : memref<40x128xi32, #tpu.memory_space<hbm>>) target(%arg8 : memref<40x128xi32, #tpu.memory_space<vmem>>) target_semaphore(%run_scoped3A_151 : memref<!tpu.dma_semaphore, #tpu.memory_space<semaphore_mem>>)
      %dma_wait3A = arith.constant 0 : i32
      %dma_wait3A_160 = arith.constant 0 : i32
      %dma_wait3A_161 = tpu.memref_slice %arg3[%add3A_65, %dma_wait3A, %dma_wait3A_160] : memref<64x40x128xi32, #tpu.memory_space<hbm>> -> memref<1x40x128xi32, #tpu.memory_space<hbm>>
      %dma_wait3A_162 = tpu.memref_squeeze %dma_wait3A_161 : memref<1x40x128xi32, #tpu.memory_space<hbm>> -> memref<40x128xi32, #tpu.memory_space<hbm>>
      %dma_wait3A_163 = arith.constant 0 : i32
      %dma_wait3A_164 = arith.constant 0 : i32
      %dma_wait3A_165 = tpu.memref_slice %arg3[%add3A_65, %dma_wait3A_163, %dma_wait3A_164] : memref<64x40x128xi32, #tpu.memory_space<hbm>> -> memref<1x40x128xi32, #tpu.memory_space<hbm>>
      %dma_wait3A_166 = tpu.memref_squeeze %dma_wait3A_165 : memref<1x40x128xi32, #tpu.memory_space<hbm>> -> memref<40x128xi32, #tpu.memory_space<hbm>>
      tpu.wait_dma2 semaphore(%run_scoped3A_151 : memref<!tpu.dma_semaphore, #tpu.memory_space<semaphore_mem>>) src(%dma_wait3A_166 : memref<40x128xi32, #tpu.memory_space<hbm>>) dst(%arg8 : memref<40x128xi32, #tpu.memory_space<vmem>>)
      tpu.yield
    }) : () -> ()
    %mul3A_66 = arith.constant 4 : i32
    %mul3A_67 = arith.muli %arg1, %mul3A_66 : i32
    %add3A_68 = arith.constant 1 : i32
    %add3A_69 = arith.addi %mul3A_67, %add3A_68 : i32
    "tpu.region"() ({
      %run_scoped3A_151 = tpu.sem_alloc : memref<!tpu.dma_semaphore, #tpu.memory_space<semaphore_mem>>
      %dma_start3A_152 = arith.constant 0 : i32
      %dma_start3A_153 = arith.constant 0 : i32
      %dma_start3A_154 = tpu.memref_slice %arg4[%add3A_69, %dma_start3A_152, %dma_start3A_153] : memref<64x40x128xi32, #tpu.memory_space<hbm>> -> memref<1x40x128xi32, #tpu.memory_space<hbm>>
      %dma_start3A_155 = tpu.memref_squeeze %dma_start3A_154 : memref<1x40x128xi32, #tpu.memory_space<hbm>> -> memref<40x128xi32, #tpu.memory_space<hbm>>
      %dma_start3A_156 = arith.constant 0 : i32
      %dma_start3A_157 = arith.constant 0 : i32
      %dma_start3A_158 = tpu.memref_slice %arg4[%add3A_69, %dma_start3A_156, %dma_start3A_157] : memref<64x40x128xi32, #tpu.memory_space<hbm>> -> memref<1x40x128xi32, #tpu.memory_space<hbm>>
      %dma_start3A_159 = tpu.memref_squeeze %dma_start3A_158 : memref<1x40x128xi32, #tpu.memory_space<hbm>> -> memref<40x128xi32, #tpu.memory_space<hbm>>
      tpu.enqueue_dma source(%dma_start3A_159 : memref<40x128xi32, #tpu.memory_space<hbm>>) target(%arg9 : memref<40x128xi32, #tpu.memory_space<vmem>>) target_semaphore(%run_scoped3A_151 : memref<!tpu.dma_semaphore, #tpu.memory_space<semaphore_mem>>)
      %dma_wait3A = arith.constant 0 : i32
      %dma_wait3A_160 = arith.constant 0 : i32
      %dma_wait3A_161 = tpu.memref_slice %arg4[%add3A_69, %dma_wait3A, %dma_wait3A_160] : memref<64x40x128xi32, #tpu.memory_space<hbm>> -> memref<1x40x128xi32, #tpu.memory_space<hbm>>
      %dma_wait3A_162 = tpu.memref_squeeze %dma_wait3A_161 : memref<1x40x128xi32, #tpu.memory_space<hbm>> -> memref<40x128xi32, #tpu.memory_space<hbm>>
      %dma_wait3A_163 = arith.constant 0 : i32
      %dma_wait3A_164 = arith.constant 0 : i32
      %dma_wait3A_165 = tpu.memref_slice %arg4[%add3A_69, %dma_wait3A_163, %dma_wait3A_164] : memref<64x40x128xi32, #tpu.memory_space<hbm>> -> memref<1x40x128xi32, #tpu.memory_space<hbm>>
      %dma_wait3A_166 = tpu.memref_squeeze %dma_wait3A_165 : memref<1x40x128xi32, #tpu.memory_space<hbm>> -> memref<40x128xi32, #tpu.memory_space<hbm>>
      tpu.wait_dma2 semaphore(%run_scoped3A_151 : memref<!tpu.dma_semaphore, #tpu.memory_space<semaphore_mem>>) src(%dma_wait3A_166 : memref<40x128xi32, #tpu.memory_space<hbm>>) dst(%arg9 : memref<40x128xi32, #tpu.memory_space<vmem>>)
      tpu.yield
    }) : () -> ()
    %dma_start3A_70 = arith.constant 0 : i32
    %dma_start3A_71 = arith.constant 0 : i32
    %dma_start3A_72 = arith.constant 0 : i32
    %dma_start3A_73 = arith.constant 0 : i32
    %dma_start3A_74 = tpu.memref_slice %arg10[%dma_start3A_71, %dma_start3A_72, %dma_start3A_73] : memref<2x128x64xf32, #tpu.memory_space<vmem>> -> memref<1x128x64xf32, #tpu.memory_space<vmem>>
    %dma_start3A_75 = tpu.memref_squeeze %dma_start3A_74 : memref<1x128x64xf32, #tpu.memory_space<vmem>> -> memref<128x64xf32, #tpu.memory_space<vmem>>
    %dma_start3A_76 = arith.constant 0 : i32
    %dma_start3A_77 = tpu.memref_slice %arg8[%dma_start3A_70, %dma_start3A_76] : memref<40x128xi32, #tpu.memory_space<vmem>> -> memref<1x128xi32, #tpu.memory_space<vmem>>
    %dma_start3A_78 = tpu.memref_squeeze %dma_start3A_77 : memref<1x128xi32, #tpu.memory_space<vmem>> -> memref<128xi32, #tpu.memory_space<vmem>>
    %dma_start3A_79 = arith.constant 0 : i32
    %dma_start3A_80 = arith.constant 0 : i32
    %dma_start3A_81 = tpu.memref_slice %arg7[%dma_start3A_79, %dma_start3A_80] : memref<10240x64xf32, #tpu.memory_space<vmem_shared>> -> memref<10240x64xf32, #tpu.memory_space<vmem_shared>>
    tpu.enqueue_indirect_dma source(%dma_start3A_81 : memref<10240x64xf32, #tpu.memory_space<vmem_shared>>) target(%dma_start3A_75 : memref<128x64xf32, #tpu.memory_space<vmem>>) offsets(%dma_start3A_78 : memref<128xi32, #tpu.memory_space<vmem>>) semaphore(%arg11 : memref<!tpu.dma_semaphore, #tpu.memory_space<semaphore_mem>>)
    %scan3A_82 = arith.constant 0 : i32
    %scan3A_83 = arith.constant 0 : i32
    %scan3A_84 = arith.constant 20 : i32
    %scan3A_85 = arith.addi %scan3A_83, %scan3A_84 : i32
    %scan3A_86 = arith.constant 1 : i32
    %scan3A_87 = scf.for %scan3A_151 = %scan3A_83 to %scan3A_85 step %scan3A_86 iter_args(%scan3A_152 = %scan3A_82) -> (i32)  : i32 {
      %mul3A_153 = arith.constant 2 : i32
      %mul3A_154 = arith.muli %scan3A_151, %mul3A_153 : i32
      %dma_wait3A = arith.constant 0 : i32
      %dma_wait3A_155 = arith.constant 0 : i32
      %dma_wait3A_156 = arith.constant 0 : i32
      %dma_wait3A_157 = tpu.memref_slice %arg10[%dma_wait3A, %dma_wait3A_155, %dma_wait3A_156] : memref<2x128x64xf32, #tpu.memory_space<vmem>> -> memref<1x128x64xf32, #tpu.memory_space<vmem>>
      %dma_wait3A_158 = tpu.memref_squeeze %dma_wait3A_157 : memref<1x128x64xf32, #tpu.memory_space<vmem>> -> memref<128x64xf32, #tpu.memory_space<vmem>>
      %dma_wait3A_159 = arith.constant 0 : i32
      %dma_wait3A_160 = tpu.memref_slice %arg8[%mul3A_154, %dma_wait3A_159] : memref<40x128xi32, #tpu.memory_space<vmem>> -> memref<1x128xi32, #tpu.memory_space<vmem>>
      %dma_wait3A_161 = tpu.memref_squeeze %dma_wait3A_160 : memref<1x128xi32, #tpu.memory_space<vmem>> -> memref<128xi32, #tpu.memory_space<vmem>>
      %dma_wait3A_162 = arith.constant 0 : i32
      %dma_wait3A_163 = arith.constant 0 : i32
      %dma_wait3A_164 = tpu.memref_slice %arg7[%dma_wait3A_162, %dma_wait3A_163] : memref<10240x64xf32, #tpu.memory_space<vmem_shared>> -> memref<10240x64xf32, #tpu.memory_space<vmem_shared>>
      tpu.wait_indirect_dma semaphore(%arg11 : memref<!tpu.dma_semaphore, #tpu.memory_space<semaphore_mem>>) src(%dma_wait3A_164 : memref<10240x64xf32, #tpu.memory_space<vmem_shared>>) dst(%dma_wait3A_158 : memref<128x64xf32, #tpu.memory_space<vmem>>)
      %add3A_165 = arith.constant 1 : i32
      %add3A_166 = arith.addi %mul3A_154, %add3A_165 : i32
      %dma_start3A_167 = arith.constant 1 : i32
      %dma_start3A_168 = arith.constant 0 : i32
      %dma_start3A_169 = arith.constant 0 : i32
      %dma_start3A_170 = tpu.memref_slice %arg10[%dma_start3A_167, %dma_start3A_168, %dma_start3A_169] : memref<2x128x64xf32, #tpu.memory_space<vmem>> -> memref<1x128x64xf32, #tpu.memory_space<vmem>>
      %dma_start3A_171 = tpu.memref_squeeze %dma_start3A_170 : memref<1x128x64xf32, #tpu.memory_space<vmem>> -> memref<128x64xf32, #tpu.memory_space<vmem>>
      %dma_start3A_172 = arith.constant 0 : i32
      %dma_start3A_173 = tpu.memref_slice %arg8[%add3A_166, %dma_start3A_172] : memref<40x128xi32, #tpu.memory_space<vmem>> -> memref<1x128xi32, #tpu.memory_space<vmem>>
      %dma_start3A_174 = tpu.memref_squeeze %dma_start3A_173 : memref<1x128xi32, #tpu.memory_space<vmem>> -> memref<128xi32, #tpu.memory_space<vmem>>
      %dma_start3A_175 = arith.constant 0 : i32
      %dma_start3A_176 = arith.constant 0 : i32
      %dma_start3A_177 = tpu.memref_slice %arg7[%dma_start3A_175, %dma_start3A_176] : memref<10240x64xf32, #tpu.memory_space<vmem_shared>> -> memref<10240x64xf32, #tpu.memory_space<vmem_shared>>
      tpu.enqueue_indirect_dma source(%dma_start3A_177 : memref<10240x64xf32, #tpu.memory_space<vmem_shared>>) target(%dma_start3A_171 : memref<128x64xf32, #tpu.memory_space<vmem>>) offsets(%dma_start3A_174 : memref<128xi32, #tpu.memory_space<vmem>>) semaphore(%arg12 : memref<!tpu.dma_semaphore, #tpu.memory_space<semaphore_mem>>)
      %run_scoped3A_178 = arith.constant 0 : i32
      "tpu.region"() ({
        %run_scoped3A_200 = tpu.sem_alloc : memref<!tpu.dma_semaphore, #tpu.memory_space<semaphore_mem>>
        %dma_start3A_201 = arith.constant 0 : i32
        %dma_start3A_202 = arith.constant 0 : i32
        %dma_start3A_203 = tpu.memref_slice %arg10[%run_scoped3A_178, %dma_start3A_201, %dma_start3A_202] : memref<2x128x64xf32, #tpu.memory_space<vmem>> -> memref<1x128x64xf32, #tpu.memory_space<vmem>>
        %dma_start3A_204 = tpu.memref_squeeze %dma_start3A_203 : memref<1x128x64xf32, #tpu.memory_space<vmem>> -> memref<128x64xf32, #tpu.memory_space<vmem>>
        %dma_start3A_205 = arith.constant 0 : i32
        %dma_start3A_206 = tpu.memref_slice %arg9[%mul3A_154, %dma_start3A_205] : memref<40x128xi32, #tpu.memory_space<vmem>> -> memref<1x128xi32, #tpu.memory_space<vmem>>
        %dma_start3A_207 = tpu.memref_squeeze %dma_start3A_206 : memref<1x128xi32, #tpu.memory_space<vmem>> -> memref<128xi32, #tpu.memory_space<vmem>>
        %dma_start3A_208 = arith.constant 0 : i32
        %dma_start3A_209 = arith.constant 0 : i32
        %dma_start3A_210 = tpu.memref_slice %arg6[%dma_start3A_208, %dma_start3A_209] : memref<10240x64xf32, #tpu.memory_space<vmem_shared>> -> memref<10240x64xf32, #tpu.memory_space<vmem_shared>>
        tpu.enqueue_indirect_dma source(%dma_start3A_204 : memref<128x64xf32, #tpu.memory_space<vmem>>) target(%dma_start3A_210 : memref<10240x64xf32, #tpu.memory_space<vmem_shared>>) offsets(%dma_start3A_207 : memref<128xi32, #tpu.memory_space<vmem>>) semaphore(%run_scoped3A_200 : memref<!tpu.dma_semaphore, #tpu.memory_space<semaphore_mem>>) {add = true}
        %dma_wait3A_211 = arith.constant 0 : i32
        %dma_wait3A_212 = arith.constant 0 : i32
        %dma_wait3A_213 = tpu.memref_slice %arg10[%run_scoped3A_178, %dma_wait3A_211, %dma_wait3A_212] : memref<2x128x64xf32, #tpu.memory_space<vmem>> -> memref<1x128x64xf32, #tpu.memory_space<vmem>>
        %dma_wait3A_214 = tpu.memref_squeeze %dma_wait3A_213 : memref<1x128x64xf32, #tpu.memory_space<vmem>> -> memref<128x64xf32, #tpu.memory_space<vmem>>
        %dma_wait3A_215 = arith.constant 0 : i32
        %dma_wait3A_216 = tpu.memref_slice %arg9[%mul3A_154, %dma_wait3A_215] : memref<40x128xi32, #tpu.memory_space<vmem>> -> memref<1x128xi32, #tpu.memory_space<vmem>>
        %dma_wait3A_217 = tpu.memref_squeeze %dma_wait3A_216 : memref<1x128xi32, #tpu.memory_space<vmem>> -> memref<128xi32, #tpu.memory_space<vmem>>
        %dma_wait3A_218 = arith.constant 0 : i32
        %dma_wait3A_219 = arith.constant 0 : i32
        %dma_wait3A_220 = tpu.memref_slice %arg6[%dma_wait3A_218, %dma_wait3A_219] : memref<10240x64xf32, #tpu.memory_space<vmem_shared>> -> memref<10240x64xf32, #tpu.memory_space<vmem_shared>>
        tpu.wait_indirect_dma semaphore(%run_scoped3A_200 : memref<!tpu.dma_semaphore, #tpu.memory_space<semaphore_mem>>) src(%dma_wait3A_214 : memref<128x64xf32, #tpu.memory_space<vmem>>) dst(%dma_wait3A_220 : memref<10240x64xf32, #tpu.memory_space<vmem_shared>>)
        tpu.yield
      }) : () -> ()
      %add3A_179 = arith.constant 1 : i32
      %add3A_180 = arith.addi %mul3A_154, %add3A_179 : i32
      %dma_wait3A_181 = arith.constant 1 : i32
      %dma_wait3A_182 = arith.constant 0 : i32
      %dma_wait3A_183 = arith.constant 0 : i32
      %dma_wait3A_184 = tpu.memref_slice %arg10[%dma_wait3A_181, %dma_wait3A_182, %dma_wait3A_183] : memref<2x128x64xf32, #tpu.memory_space<vmem>> -> memref<1x128x64xf32, #tpu.memory_space<vmem>>
      %dma_wait3A_185 = tpu.memref_squeeze %dma_wait3A_184 : memref<1x128x64xf32, #tpu.memory_space<vmem>> -> memref<128x64xf32, #tpu.memory_space<vmem>>
      %dma_wait3A_186 = arith.constant 0 : i32
      %dma_wait3A_187 = tpu.memref_slice %arg8[%add3A_180, %dma_wait3A_186] : memref<40x128xi32, #tpu.memory_space<vmem>> -> memref<1x128xi32, #tpu.memory_space<vmem>>
      %dma_wait3A_188 = tpu.memref_squeeze %dma_wait3A_187 : memref<1x128xi32, #tpu.memory_space<vmem>> -> memref<128xi32, #tpu.memory_space<vmem>>
      %dma_wait3A_189 = arith.constant 0 : i32
      %dma_wait3A_190 = arith.constant 0 : i32
      %dma_wait3A_191 = tpu.memref_slice %arg7[%dma_wait3A_189, %dma_wait3A_190] : memref<10240x64xf32, #tpu.memory_space<vmem_shared>> -> memref<10240x64xf32, #tpu.memory_space<vmem_shared>>
      tpu.wait_indirect_dma semaphore(%arg12 : memref<!tpu.dma_semaphore, #tpu.memory_space<semaphore_mem>>) src(%dma_wait3A_191 : memref<10240x64xf32, #tpu.memory_space<vmem_shared>>) dst(%dma_wait3A_185 : memref<128x64xf32, #tpu.memory_space<vmem>>)
      %add3A_192 = arith.constant 2 : i32
      %add3A_193 = arith.addi %mul3A_154, %add3A_192 : i32
      %lt3A = arith.constant 40 : i32
      %lt3A_194 = arith.cmpi slt, %add3A_193, %lt3A : i32
      %convert_element_type3A = arith.extui %lt3A_194 : i1 to i32
      %cond3A = arith.constant 0 : i32
      %cond3A_195 = arith.cmpi ne, %convert_element_type3A, %cond3A : i32
      scf.if %cond3A_195 {
        %add3A_200 = arith.constant 2 : i32
        %add3A_201 = arith.addi %mul3A_154, %add3A_200 : i32
        %dma_start3A_202 = arith.constant 0 : i32
        %dma_start3A_203 = arith.constant 0 : i32
        %dma_start3A_204 = arith.constant 0 : i32
        %dma_start3A_205 = tpu.memref_slice %arg10[%dma_start3A_202, %dma_start3A_203, %dma_start3A_204] : memref<2x128x64xf32, #tpu.memory_space<vmem>> -> memref<1x128x64xf32, #tpu.memory_space<vmem>>
        %dma_start3A_206 = tpu.memref_squeeze %dma_start3A_205 : memref<1x128x64xf32, #tpu.memory_space<vmem>> -> memref<128x64xf32, #tpu.memory_space<vmem>>
        %dma_start3A_207 = arith.constant 0 : i32
        %dma_start3A_208 = tpu.memref_slice %arg8[%add3A_201, %dma_start3A_207] : memref<40x128xi32, #tpu.memory_space<vmem>> -> memref<1x128xi32, #tpu.memory_space<vmem>>
        %dma_start3A_209 = tpu.memref_squeeze %dma_start3A_208 : memref<1x128xi32, #tpu.memory_space<vmem>> -> memref<128xi32, #tpu.memory_space<vmem>>
        %dma_start3A_210 = arith.constant 0 : i32
        %dma_start3A_211 = arith.constant 0 : i32
        %dma_start3A_212 = tpu.memref_slice %arg7[%dma_start3A_210, %dma_start3A_211] : memref<10240x64xf32, #tpu.memory_space<vmem_shared>> -> memref<10240x64xf32, #tpu.memory_space<vmem_shared>>
        tpu.enqueue_indirect_dma source(%dma_start3A_212 : memref<10240x64xf32, #tpu.memory_space<vmem_shared>>) target(%dma_start3A_206 : memref<128x64xf32, #tpu.memory_space<vmem>>) offsets(%dma_start3A_209 : memref<128xi32, #tpu.memory_space<vmem>>) semaphore(%arg11 : memref<!tpu.dma_semaphore, #tpu.memory_space<semaphore_mem>>)
      } else {
      }
      %add3A_196 = arith.constant 1 : i32
      %add3A_197 = arith.addi %mul3A_154, %add3A_196 : i32
      %run_scoped3A_198 = arith.constant 1 : i32
      "tpu.region"() ({
        %run_scoped3A_200 = tpu.sem_alloc : memref<!tpu.dma_semaphore, #tpu.memory_space<semaphore_mem>>
        %dma_start3A_201 = arith.constant 0 : i32
        %dma_start3A_202 = arith.constant 0 : i32
        %dma_start3A_203 = tpu.memref_slice %arg10[%run_scoped3A_198, %dma_start3A_201, %dma_start3A_202] : memref<2x128x64xf32, #tpu.memory_space<vmem>> -> memref<1x128x64xf32, #tpu.memory_space<vmem>>
        %dma_start3A_204 = tpu.memref_squeeze %dma_start3A_203 : memref<1x128x64xf32, #tpu.memory_space<vmem>> -> memref<128x64xf32, #tpu.memory_space<vmem>>
        %dma_start3A_205 = arith.constant 0 : i32
        %dma_start3A_206 = tpu.memref_slice %arg9[%add3A_197, %dma_start3A_205] : memref<40x128xi32, #tpu.memory_space<vmem>> -> memref<1x128xi32, #tpu.memory_space<vmem>>
        %dma_start3A_207 = tpu.memref_squeeze %dma_start3A_206 : memref<1x128xi32, #tpu.memory_space<vmem>> -> memref<128xi32, #tpu.memory_space<vmem>>
        %dma_start3A_208 = arith.constant 0 : i32
        %dma_start3A_209 = arith.constant 0 : i32
        %dma_start3A_210 = tpu.memref_slice %arg6[%dma_start3A_208, %dma_start3A_209] : memref<10240x64xf32, #tpu.memory_space<vmem_shared>> -> memref<10240x64xf32, #tpu.memory_space<vmem_shared>>
        tpu.enqueue_indirect_dma source(%dma_start3A_204 : memref<128x64xf32, #tpu.memory_space<vmem>>) target(%dma_start3A_210 : memref<10240x64xf32, #tpu.memory_space<vmem_shared>>) offsets(%dma_start3A_207 : memref<128xi32, #tpu.memory_space<vmem>>) semaphore(%run_scoped3A_200 : memref<!tpu.dma_semaphore, #tpu.memory_space<semaphore_mem>>) {add = true}
        %dma_wait3A_211 = arith.constant 0 : i32
        %dma_wait3A_212 = arith.constant 0 : i32
        %dma_wait3A_213 = tpu.memref_slice %arg10[%run_scoped3A_198, %dma_wait3A_211, %dma_wait3A_212] : memref<2x128x64xf32, #tpu.memory_space<vmem>> -> memref<1x128x64xf32, #tpu.memory_space<vmem>>
        %dma_wait3A_214 = tpu.memref_squeeze %dma_wait3A_213 : memref<1x128x64xf32, #tpu.memory_space<vmem>> -> memref<128x64xf32, #tpu.memory_space<vmem>>
        %dma_wait3A_215 = arith.constant 0 : i32
        %dma_wait3A_216 = tpu.memref_slice %arg9[%add3A_197, %dma_wait3A_215] : memref<40x128xi32, #tpu.memory_space<vmem>> -> memref<1x128xi32, #tpu.memory_space<vmem>>
        %dma_wait3A_217 = tpu.memref_squeeze %dma_wait3A_216 : memref<1x128xi32, #tpu.memory_space<vmem>> -> memref<128xi32, #tpu.memory_space<vmem>>
        %dma_wait3A_218 = arith.constant 0 : i32
        %dma_wait3A_219 = arith.constant 0 : i32
        %dma_wait3A_220 = tpu.memref_slice %arg6[%dma_wait3A_218, %dma_wait3A_219] : memref<10240x64xf32, #tpu.memory_space<vmem_shared>> -> memref<10240x64xf32, #tpu.memory_space<vmem_shared>>
        tpu.wait_indirect_dma semaphore(%run_scoped3A_200 : memref<!tpu.dma_semaphore, #tpu.memory_space<semaphore_mem>>) src(%dma_wait3A_214 : memref<128x64xf32, #tpu.memory_space<vmem>>) dst(%dma_wait3A_220 : memref<10240x64xf32, #tpu.memory_space<vmem_shared>>)
        tpu.yield
      }) : () -> ()
      %scan3A_199 = arith.constant 0 : i32
      scf.yield %scan3A_199 : i32
    }
    %scan3A_88 = arith.constant 20 : i32
    %mul3A_89 = arith.constant 4 : i32
    %mul3A_90 = arith.muli %arg1, %mul3A_89 : i32
    %add3A_91 = arith.constant 2 : i32
    %add3A_92 = arith.addi %mul3A_90, %add3A_91 : i32
    "tpu.region"() ({
      %run_scoped3A_151 = tpu.sem_alloc : memref<!tpu.dma_semaphore, #tpu.memory_space<semaphore_mem>>
      %dma_start3A_152 = arith.constant 0 : i32
      %dma_start3A_153 = arith.constant 0 : i32
      %dma_start3A_154 = tpu.memref_slice %arg3[%add3A_92, %dma_start3A_152, %dma_start3A_153] : memref<64x40x128xi32, #tpu.memory_space<hbm>> -> memref<1x40x128xi32, #tpu.memory_space<hbm>>
      %dma_start3A_155 = tpu.memref_squeeze %dma_start3A_154 : memref<1x40x128xi32, #tpu.memory_space<hbm>> -> memref<40x128xi32, #tpu.memory_space<hbm>>
      %dma_start3A_156 = arith.constant 0 : i32
      %dma_start3A_157 = arith.constant 0 : i32
      %dma_start3A_158 = tpu.memref_slice %arg3[%add3A_92, %dma_start3A_156, %dma_start3A_157] : memref<64x40x128xi32, #tpu.memory_space<hbm>> -> memref<1x40x128xi32, #tpu.memory_space<hbm>>
      %dma_start3A_159 = tpu.memref_squeeze %dma_start3A_158 : memref<1x40x128xi32, #tpu.memory_space<hbm>> -> memref<40x128xi32, #tpu.memory_space<hbm>>
      tpu.enqueue_dma source(%dma_start3A_159 : memref<40x128xi32, #tpu.memory_space<hbm>>) target(%arg8 : memref<40x128xi32, #tpu.memory_space<vmem>>) target_semaphore(%run_scoped3A_151 : memref<!tpu.dma_semaphore, #tpu.memory_space<semaphore_mem>>)
      %dma_wait3A = arith.constant 0 : i32
      %dma_wait3A_160 = arith.constant 0 : i32
      %dma_wait3A_161 = tpu.memref_slice %arg3[%add3A_92, %dma_wait3A, %dma_wait3A_160] : memref<64x40x128xi32, #tpu.memory_space<hbm>> -> memref<1x40x128xi32, #tpu.memory_space<hbm>>
      %dma_wait3A_162 = tpu.memref_squeeze %dma_wait3A_161 : memref<1x40x128xi32, #tpu.memory_space<hbm>> -> memref<40x128xi32, #tpu.memory_space<hbm>>
      %dma_wait3A_163 = arith.constant 0 : i32
      %dma_wait3A_164 = arith.constant 0 : i32
      %dma_wait3A_165 = tpu.memref_slice %arg3[%add3A_92, %dma_wait3A_163, %dma_wait3A_164] : memref<64x40x128xi32, #tpu.memory_space<hbm>> -> memref<1x40x128xi32, #tpu.memory_space<hbm>>
      %dma_wait3A_166 = tpu.memref_squeeze %dma_wait3A_165 : memref<1x40x128xi32, #tpu.memory_space<hbm>> -> memref<40x128xi32, #tpu.memory_space<hbm>>
      tpu.wait_dma2 semaphore(%run_scoped3A_151 : memref<!tpu.dma_semaphore, #tpu.memory_space<semaphore_mem>>) src(%dma_wait3A_166 : memref<40x128xi32, #tpu.memory_space<hbm>>) dst(%arg8 : memref<40x128xi32, #tpu.memory_space<vmem>>)
      tpu.yield
    }) : () -> ()
    %mul3A_93 = arith.constant 4 : i32
    %mul3A_94 = arith.muli %arg1, %mul3A_93 : i32
    %add3A_95 = arith.constant 2 : i32
    %add3A_96 = arith.addi %mul3A_94, %add3A_95 : i32
    "tpu.region"() ({
      %run_scoped3A_151 = tpu.sem_alloc : memref<!tpu.dma_semaphore, #tpu.memory_space<semaphore_mem>>
      %dma_start3A_152 = arith.constant 0 : i32
      %dma_start3A_153 = arith.constant 0 : i32
      %dma_start3A_154 = tpu.memref_slice %arg4[%add3A_96, %dma_start3A_152, %dma_start3A_153] : memref<64x40x128xi32, #tpu.memory_space<hbm>> -> memref<1x40x128xi32, #tpu.memory_space<hbm>>
      %dma_start3A_155 = tpu.memref_squeeze %dma_start3A_154 : memref<1x40x128xi32, #tpu.memory_space<hbm>> -> memref<40x128xi32, #tpu.memory_space<hbm>>
      %dma_start3A_156 = arith.constant 0 : i32
      %dma_start3A_157 = arith.constant 0 : i32
      %dma_start3A_158 = tpu.memref_slice %arg4[%add3A_96, %dma_start3A_156, %dma_start3A_157] : memref<64x40x128xi32, #tpu.memory_space<hbm>> -> memref<1x40x128xi32, #tpu.memory_space<hbm>>
      %dma_start3A_159 = tpu.memref_squeeze %dma_start3A_158 : memref<1x40x128xi32, #tpu.memory_space<hbm>> -> memref<40x128xi32, #tpu.memory_space<hbm>>
      tpu.enqueue_dma source(%dma_start3A_159 : memref<40x128xi32, #tpu.memory_space<hbm>>) target(%arg9 : memref<40x128xi32, #tpu.memory_space<vmem>>) target_semaphore(%run_scoped3A_151 : memref<!tpu.dma_semaphore, #tpu.memory_space<semaphore_mem>>)
      %dma_wait3A = arith.constant 0 : i32
      %dma_wait3A_160 = arith.constant 0 : i32
      %dma_wait3A_161 = tpu.memref_slice %arg4[%add3A_96, %dma_wait3A, %dma_wait3A_160] : memref<64x40x128xi32, #tpu.memory_space<hbm>> -> memref<1x40x128xi32, #tpu.memory_space<hbm>>
      %dma_wait3A_162 = tpu.memref_squeeze %dma_wait3A_161 : memref<1x40x128xi32, #tpu.memory_space<hbm>> -> memref<40x128xi32, #tpu.memory_space<hbm>>
      %dma_wait3A_163 = arith.constant 0 : i32
      %dma_wait3A_164 = arith.constant 0 : i32
      %dma_wait3A_165 = tpu.memref_slice %arg4[%add3A_96, %dma_wait3A_163, %dma_wait3A_164] : memref<64x40x128xi32, #tpu.memory_space<hbm>> -> memref<1x40x128xi32, #tpu.memory_space<hbm>>
      %dma_wait3A_166 = tpu.memref_squeeze %dma_wait3A_165 : memref<1x40x128xi32, #tpu.memory_space<hbm>> -> memref<40x128xi32, #tpu.memory_space<hbm>>
      tpu.wait_dma2 semaphore(%run_scoped3A_151 : memref<!tpu.dma_semaphore, #tpu.memory_space<semaphore_mem>>) src(%dma_wait3A_166 : memref<40x128xi32, #tpu.memory_space<hbm>>) dst(%arg9 : memref<40x128xi32, #tpu.memory_space<vmem>>)
      tpu.yield
    }) : () -> ()
    %dma_start3A_97 = arith.constant 0 : i32
    %dma_start3A_98 = arith.constant 0 : i32
    %dma_start3A_99 = arith.constant 0 : i32
    %dma_start3A_100 = arith.constant 0 : i32
    %dma_start3A_101 = tpu.memref_slice %arg10[%dma_start3A_98, %dma_start3A_99, %dma_start3A_100] : memref<2x128x64xf32, #tpu.memory_space<vmem>> -> memref<1x128x64xf32, #tpu.memory_space<vmem>>
    %dma_start3A_102 = tpu.memref_squeeze %dma_start3A_101 : memref<1x128x64xf32, #tpu.memory_space<vmem>> -> memref<128x64xf32, #tpu.memory_space<vmem>>
    %dma_start3A_103 = arith.constant 0 : i32
    %dma_start3A_104 = tpu.memref_slice %arg8[%dma_start3A_97, %dma_start3A_103] : memref<40x128xi32, #tpu.memory_space<vmem>> -> memref<1x128xi32, #tpu.memory_space<vmem>>
    %dma_start3A_105 = tpu.memref_squeeze %dma_start3A_104 : memref<1x128xi32, #tpu.memory_space<vmem>> -> memref<128xi32, #tpu.memory_space<vmem>>
    %dma_start3A_106 = arith.constant 0 : i32
    %dma_start3A_107 = arith.constant 0 : i32
    %dma_start3A_108 = tpu.memref_slice %arg7[%dma_start3A_106, %dma_start3A_107] : memref<10240x64xf32, #tpu.memory_space<vmem_shared>> -> memref<10240x64xf32, #tpu.memory_space<vmem_shared>>
    tpu.enqueue_indirect_dma source(%dma_start3A_108 : memref<10240x64xf32, #tpu.memory_space<vmem_shared>>) target(%dma_start3A_102 : memref<128x64xf32, #tpu.memory_space<vmem>>) offsets(%dma_start3A_105 : memref<128xi32, #tpu.memory_space<vmem>>) semaphore(%arg11 : memref<!tpu.dma_semaphore, #tpu.memory_space<semaphore_mem>>)
    %scan3A_109 = arith.constant 0 : i32
    %scan3A_110 = arith.constant 0 : i32
    %scan3A_111 = arith.constant 20 : i32
    %scan3A_112 = arith.addi %scan3A_110, %scan3A_111 : i32
    %scan3A_113 = arith.constant 1 : i32
    %scan3A_114 = scf.for %scan3A_151 = %scan3A_110 to %scan3A_112 step %scan3A_113 iter_args(%scan3A_152 = %scan3A_109) -> (i32)  : i32 {
      %mul3A_153 = arith.constant 2 : i32
      %mul3A_154 = arith.muli %scan3A_151, %mul3A_153 : i32
      %dma_wait3A = arith.constant 0 : i32
      %dma_wait3A_155 = arith.constant 0 : i32
      %dma_wait3A_156 = arith.constant 0 : i32
      %dma_wait3A_157 = tpu.memref_slice %arg10[%dma_wait3A, %dma_wait3A_155, %dma_wait3A_156] : memref<2x128x64xf32, #tpu.memory_space<vmem>> -> memref<1x128x64xf32, #tpu.memory_space<vmem>>
      %dma_wait3A_158 = tpu.memref_squeeze %dma_wait3A_157 : memref<1x128x64xf32, #tpu.memory_space<vmem>> -> memref<128x64xf32, #tpu.memory_space<vmem>>
      %dma_wait3A_159 = arith.constant 0 : i32
      %dma_wait3A_160 = tpu.memref_slice %arg8[%mul3A_154, %dma_wait3A_159] : memref<40x128xi32, #tpu.memory_space<vmem>> -> memref<1x128xi32, #tpu.memory_space<vmem>>
      %dma_wait3A_161 = tpu.memref_squeeze %dma_wait3A_160 : memref<1x128xi32, #tpu.memory_space<vmem>> -> memref<128xi32, #tpu.memory_space<vmem>>
      %dma_wait3A_162 = arith.constant 0 : i32
      %dma_wait3A_163 = arith.constant 0 : i32
      %dma_wait3A_164 = tpu.memref_slice %arg7[%dma_wait3A_162, %dma_wait3A_163] : memref<10240x64xf32, #tpu.memory_space<vmem_shared>> -> memref<10240x64xf32, #tpu.memory_space<vmem_shared>>
      tpu.wait_indirect_dma semaphore(%arg11 : memref<!tpu.dma_semaphore, #tpu.memory_space<semaphore_mem>>) src(%dma_wait3A_164 : memref<10240x64xf32, #tpu.memory_space<vmem_shared>>) dst(%dma_wait3A_158 : memref<128x64xf32, #tpu.memory_space<vmem>>)
      %add3A_165 = arith.constant 1 : i32
      %add3A_166 = arith.addi %mul3A_154, %add3A_165 : i32
      %dma_start3A_167 = arith.constant 1 : i32
      %dma_start3A_168 = arith.constant 0 : i32
      %dma_start3A_169 = arith.constant 0 : i32
      %dma_start3A_170 = tpu.memref_slice %arg10[%dma_start3A_167, %dma_start3A_168, %dma_start3A_169] : memref<2x128x64xf32, #tpu.memory_space<vmem>> -> memref<1x128x64xf32, #tpu.memory_space<vmem>>
      %dma_start3A_171 = tpu.memref_squeeze %dma_start3A_170 : memref<1x128x64xf32, #tpu.memory_space<vmem>> -> memref<128x64xf32, #tpu.memory_space<vmem>>
      %dma_start3A_172 = arith.constant 0 : i32
      %dma_start3A_173 = tpu.memref_slice %arg8[%add3A_166, %dma_start3A_172] : memref<40x128xi32, #tpu.memory_space<vmem>> -> memref<1x128xi32, #tpu.memory_space<vmem>>
      %dma_start3A_174 = tpu.memref_squeeze %dma_start3A_173 : memref<1x128xi32, #tpu.memory_space<vmem>> -> memref<128xi32, #tpu.memory_space<vmem>>
      %dma_start3A_175 = arith.constant 0 : i32
      %dma_start3A_176 = arith.constant 0 : i32
      %dma_start3A_177 = tpu.memref_slice %arg7[%dma_start3A_175, %dma_start3A_176] : memref<10240x64xf32, #tpu.memory_space<vmem_shared>> -> memref<10240x64xf32, #tpu.memory_space<vmem_shared>>
      tpu.enqueue_indirect_dma source(%dma_start3A_177 : memref<10240x64xf32, #tpu.memory_space<vmem_shared>>) target(%dma_start3A_171 : memref<128x64xf32, #tpu.memory_space<vmem>>) offsets(%dma_start3A_174 : memref<128xi32, #tpu.memory_space<vmem>>) semaphore(%arg12 : memref<!tpu.dma_semaphore, #tpu.memory_space<semaphore_mem>>)
      %run_scoped3A_178 = arith.constant 0 : i32
      "tpu.region"() ({
        %run_scoped3A_200 = tpu.sem_alloc : memref<!tpu.dma_semaphore, #tpu.memory_space<semaphore_mem>>
        %dma_start3A_201 = arith.constant 0 : i32
        %dma_start3A_202 = arith.constant 0 : i32
        %dma_start3A_203 = tpu.memref_slice %arg10[%run_scoped3A_178, %dma_start3A_201, %dma_start3A_202] : memref<2x128x64xf32, #tpu.memory_space<vmem>> -> memref<1x128x64xf32, #tpu.memory_space<vmem>>
        %dma_start3A_204 = tpu.memref_squeeze %dma_start3A_203 : memref<1x128x64xf32, #tpu.memory_space<vmem>> -> memref<128x64xf32, #tpu.memory_space<vmem>>
        %dma_start3A_205 = arith.constant 0 : i32
        %dma_start3A_206 = tpu.memref_slice %arg9[%mul3A_154, %dma_start3A_205] : memref<40x128xi32, #tpu.memory_space<vmem>> -> memref<1x128xi32, #tpu.memory_space<vmem>>
        %dma_start3A_207 = tpu.memref_squeeze %dma_start3A_206 : memref<1x128xi32, #tpu.memory_space<vmem>> -> memref<128xi32, #tpu.memory_space<vmem>>
        %dma_start3A_208 = arith.constant 0 : i32
        %dma_start3A_209 = arith.constant 0 : i32
        %dma_start3A_210 = tpu.memref_slice %arg6[%dma_start3A_208, %dma_start3A_209] : memref<10240x64xf32, #tpu.memory_space<vmem_shared>> -> memref<10240x64xf32, #tpu.memory_space<vmem_shared>>
        tpu.enqueue_indirect_dma source(%dma_start3A_204 : memref<128x64xf32, #tpu.memory_space<vmem>>) target(%dma_start3A_210 : memref<10240x64xf32, #tpu.memory_space<vmem_shared>>) offsets(%dma_start3A_207 : memref<128xi32, #tpu.memory_space<vmem>>) semaphore(%run_scoped3A_200 : memref<!tpu.dma_semaphore, #tpu.memory_space<semaphore_mem>>) {add = true}
        %dma_wait3A_211 = arith.constant 0 : i32
        %dma_wait3A_212 = arith.constant 0 : i32
        %dma_wait3A_213 = tpu.memref_slice %arg10[%run_scoped3A_178, %dma_wait3A_211, %dma_wait3A_212] : memref<2x128x64xf32, #tpu.memory_space<vmem>> -> memref<1x128x64xf32, #tpu.memory_space<vmem>>
        %dma_wait3A_214 = tpu.memref_squeeze %dma_wait3A_213 : memref<1x128x64xf32, #tpu.memory_space<vmem>> -> memref<128x64xf32, #tpu.memory_space<vmem>>
        %dma_wait3A_215 = arith.constant 0 : i32
        %dma_wait3A_216 = tpu.memref_slice %arg9[%mul3A_154, %dma_wait3A_215] : memref<40x128xi32, #tpu.memory_space<vmem>> -> memref<1x128xi32, #tpu.memory_space<vmem>>
        %dma_wait3A_217 = tpu.memref_squeeze %dma_wait3A_216 : memref<1x128xi32, #tpu.memory_space<vmem>> -> memref<128xi32, #tpu.memory_space<vmem>>
        %dma_wait3A_218 = arith.constant 0 : i32
        %dma_wait3A_219 = arith.constant 0 : i32
        %dma_wait3A_220 = tpu.memref_slice %arg6[%dma_wait3A_218, %dma_wait3A_219] : memref<10240x64xf32, #tpu.memory_space<vmem_shared>> -> memref<10240x64xf32, #tpu.memory_space<vmem_shared>>
        tpu.wait_indirect_dma semaphore(%run_scoped3A_200 : memref<!tpu.dma_semaphore, #tpu.memory_space<semaphore_mem>>) src(%dma_wait3A_214 : memref<128x64xf32, #tpu.memory_space<vmem>>) dst(%dma_wait3A_220 : memref<10240x64xf32, #tpu.memory_space<vmem_shared>>)
        tpu.yield
      }) : () -> ()
      %add3A_179 = arith.constant 1 : i32
      %add3A_180 = arith.addi %mul3A_154, %add3A_179 : i32
      %dma_wait3A_181 = arith.constant 1 : i32
      %dma_wait3A_182 = arith.constant 0 : i32
      %dma_wait3A_183 = arith.constant 0 : i32
      %dma_wait3A_184 = tpu.memref_slice %arg10[%dma_wait3A_181, %dma_wait3A_182, %dma_wait3A_183] : memref<2x128x64xf32, #tpu.memory_space<vmem>> -> memref<1x128x64xf32, #tpu.memory_space<vmem>>
      %dma_wait3A_185 = tpu.memref_squeeze %dma_wait3A_184 : memref<1x128x64xf32, #tpu.memory_space<vmem>> -> memref<128x64xf32, #tpu.memory_space<vmem>>
      %dma_wait3A_186 = arith.constant 0 : i32
      %dma_wait3A_187 = tpu.memref_slice %arg8[%add3A_180, %dma_wait3A_186] : memref<40x128xi32, #tpu.memory_space<vmem>> -> memref<1x128xi32, #tpu.memory_space<vmem>>
      %dma_wait3A_188 = tpu.memref_squeeze %dma_wait3A_187 : memref<1x128xi32, #tpu.memory_space<vmem>> -> memref<128xi32, #tpu.memory_space<vmem>>
      %dma_wait3A_189 = arith.constant 0 : i32
      %dma_wait3A_190 = arith.constant 0 : i32
      %dma_wait3A_191 = tpu.memref_slice %arg7[%dma_wait3A_189, %dma_wait3A_190] : memref<10240x64xf32, #tpu.memory_space<vmem_shared>> -> memref<10240x64xf32, #tpu.memory_space<vmem_shared>>
      tpu.wait_indirect_dma semaphore(%arg12 : memref<!tpu.dma_semaphore, #tpu.memory_space<semaphore_mem>>) src(%dma_wait3A_191 : memref<10240x64xf32, #tpu.memory_space<vmem_shared>>) dst(%dma_wait3A_185 : memref<128x64xf32, #tpu.memory_space<vmem>>)
      %add3A_192 = arith.constant 2 : i32
      %add3A_193 = arith.addi %mul3A_154, %add3A_192 : i32
      %lt3A = arith.constant 40 : i32
      %lt3A_194 = arith.cmpi slt, %add3A_193, %lt3A : i32
      %convert_element_type3A = arith.extui %lt3A_194 : i1 to i32
      %cond3A = arith.constant 0 : i32
      %cond3A_195 = arith.cmpi ne, %convert_element_type3A, %cond3A : i32
      scf.if %cond3A_195 {
        %add3A_200 = arith.constant 2 : i32
        %add3A_201 = arith.addi %mul3A_154, %add3A_200 : i32
        %dma_start3A_202 = arith.constant 0 : i32
        %dma_start3A_203 = arith.constant 0 : i32
        %dma_start3A_204 = arith.constant 0 : i32
        %dma_start3A_205 = tpu.memref_slice %arg10[%dma_start3A_202, %dma_start3A_203, %dma_start3A_204] : memref<2x128x64xf32, #tpu.memory_space<vmem>> -> memref<1x128x64xf32, #tpu.memory_space<vmem>>
        %dma_start3A_206 = tpu.memref_squeeze %dma_start3A_205 : memref<1x128x64xf32, #tpu.memory_space<vmem>> -> memref<128x64xf32, #tpu.memory_space<vmem>>
        %dma_start3A_207 = arith.constant 0 : i32
        %dma_start3A_208 = tpu.memref_slice %arg8[%add3A_201, %dma_start3A_207] : memref<40x128xi32, #tpu.memory_space<vmem>> -> memref<1x128xi32, #tpu.memory_space<vmem>>
        %dma_start3A_209 = tpu.memref_squeeze %dma_start3A_208 : memref<1x128xi32, #tpu.memory_space<vmem>> -> memref<128xi32, #tpu.memory_space<vmem>>
        %dma_start3A_210 = arith.constant 0 : i32
        %dma_start3A_211 = arith.constant 0 : i32
        %dma_start3A_212 = tpu.memref_slice %arg7[%dma_start3A_210, %dma_start3A_211] : memref<10240x64xf32, #tpu.memory_space<vmem_shared>> -> memref<10240x64xf32, #tpu.memory_space<vmem_shared>>
        tpu.enqueue_indirect_dma source(%dma_start3A_212 : memref<10240x64xf32, #tpu.memory_space<vmem_shared>>) target(%dma_start3A_206 : memref<128x64xf32, #tpu.memory_space<vmem>>) offsets(%dma_start3A_209 : memref<128xi32, #tpu.memory_space<vmem>>) semaphore(%arg11 : memref<!tpu.dma_semaphore, #tpu.memory_space<semaphore_mem>>)
      } else {
      }
      %add3A_196 = arith.constant 1 : i32
      %add3A_197 = arith.addi %mul3A_154, %add3A_196 : i32
      %run_scoped3A_198 = arith.constant 1 : i32
      "tpu.region"() ({
        %run_scoped3A_200 = tpu.sem_alloc : memref<!tpu.dma_semaphore, #tpu.memory_space<semaphore_mem>>
        %dma_start3A_201 = arith.constant 0 : i32
        %dma_start3A_202 = arith.constant 0 : i32
        %dma_start3A_203 = tpu.memref_slice %arg10[%run_scoped3A_198, %dma_start3A_201, %dma_start3A_202] : memref<2x128x64xf32, #tpu.memory_space<vmem>> -> memref<1x128x64xf32, #tpu.memory_space<vmem>>
        %dma_start3A_204 = tpu.memref_squeeze %dma_start3A_203 : memref<1x128x64xf32, #tpu.memory_space<vmem>> -> memref<128x64xf32, #tpu.memory_space<vmem>>
        %dma_start3A_205 = arith.constant 0 : i32
        %dma_start3A_206 = tpu.memref_slice %arg9[%add3A_197, %dma_start3A_205] : memref<40x128xi32, #tpu.memory_space<vmem>> -> memref<1x128xi32, #tpu.memory_space<vmem>>
        %dma_start3A_207 = tpu.memref_squeeze %dma_start3A_206 : memref<1x128xi32, #tpu.memory_space<vmem>> -> memref<128xi32, #tpu.memory_space<vmem>>
        %dma_start3A_208 = arith.constant 0 : i32
        %dma_start3A_209 = arith.constant 0 : i32
        %dma_start3A_210 = tpu.memref_slice %arg6[%dma_start3A_208, %dma_start3A_209] : memref<10240x64xf32, #tpu.memory_space<vmem_shared>> -> memref<10240x64xf32, #tpu.memory_space<vmem_shared>>
        tpu.enqueue_indirect_dma source(%dma_start3A_204 : memref<128x64xf32, #tpu.memory_space<vmem>>) target(%dma_start3A_210 : memref<10240x64xf32, #tpu.memory_space<vmem_shared>>) offsets(%dma_start3A_207 : memref<128xi32, #tpu.memory_space<vmem>>) semaphore(%run_scoped3A_200 : memref<!tpu.dma_semaphore, #tpu.memory_space<semaphore_mem>>) {add = true}
        %dma_wait3A_211 = arith.constant 0 : i32
        %dma_wait3A_212 = arith.constant 0 : i32
        %dma_wait3A_213 = tpu.memref_slice %arg10[%run_scoped3A_198, %dma_wait3A_211, %dma_wait3A_212] : memref<2x128x64xf32, #tpu.memory_space<vmem>> -> memref<1x128x64xf32, #tpu.memory_space<vmem>>
        %dma_wait3A_214 = tpu.memref_squeeze %dma_wait3A_213 : memref<1x128x64xf32, #tpu.memory_space<vmem>> -> memref<128x64xf32, #tpu.memory_space<vmem>>
        %dma_wait3A_215 = arith.constant 0 : i32
        %dma_wait3A_216 = tpu.memref_slice %arg9[%add3A_197, %dma_wait3A_215] : memref<40x128xi32, #tpu.memory_space<vmem>> -> memref<1x128xi32, #tpu.memory_space<vmem>>
        %dma_wait3A_217 = tpu.memref_squeeze %dma_wait3A_216 : memref<1x128xi32, #tpu.memory_space<vmem>> -> memref<128xi32, #tpu.memory_space<vmem>>
        %dma_wait3A_218 = arith.constant 0 : i32
        %dma_wait3A_219 = arith.constant 0 : i32
        %dma_wait3A_220 = tpu.memref_slice %arg6[%dma_wait3A_218, %dma_wait3A_219] : memref<10240x64xf32, #tpu.memory_space<vmem_shared>> -> memref<10240x64xf32, #tpu.memory_space<vmem_shared>>
        tpu.wait_indirect_dma semaphore(%run_scoped3A_200 : memref<!tpu.dma_semaphore, #tpu.memory_space<semaphore_mem>>) src(%dma_wait3A_214 : memref<128x64xf32, #tpu.memory_space<vmem>>) dst(%dma_wait3A_220 : memref<10240x64xf32, #tpu.memory_space<vmem_shared>>)
        tpu.yield
      }) : () -> ()
      %scan3A_199 = arith.constant 0 : i32
      scf.yield %scan3A_199 : i32
    }
    %scan3A_115 = arith.constant 20 : i32
    %mul3A_116 = arith.constant 4 : i32
    %mul3A_117 = arith.muli %arg1, %mul3A_116 : i32
    %add3A_118 = arith.constant 3 : i32
    %add3A_119 = arith.addi %mul3A_117, %add3A_118 : i32
    "tpu.region"() ({
      %run_scoped3A_151 = tpu.sem_alloc : memref<!tpu.dma_semaphore, #tpu.memory_space<semaphore_mem>>
      %dma_start3A_152 = arith.constant 0 : i32
      %dma_start3A_153 = arith.constant 0 : i32
      %dma_start3A_154 = tpu.memref_slice %arg3[%add3A_119, %dma_start3A_152, %dma_start3A_153] : memref<64x40x128xi32, #tpu.memory_space<hbm>> -> memref<1x40x128xi32, #tpu.memory_space<hbm>>
      %dma_start3A_155 = tpu.memref_squeeze %dma_start3A_154 : memref<1x40x128xi32, #tpu.memory_space<hbm>> -> memref<40x128xi32, #tpu.memory_space<hbm>>
      %dma_start3A_156 = arith.constant 0 : i32
      %dma_start3A_157 = arith.constant 0 : i32
      %dma_start3A_158 = tpu.memref_slice %arg3[%add3A_119, %dma_start3A_156, %dma_start3A_157] : memref<64x40x128xi32, #tpu.memory_space<hbm>> -> memref<1x40x128xi32, #tpu.memory_space<hbm>>
      %dma_start3A_159 = tpu.memref_squeeze %dma_start3A_158 : memref<1x40x128xi32, #tpu.memory_space<hbm>> -> memref<40x128xi32, #tpu.memory_space<hbm>>
      tpu.enqueue_dma source(%dma_start3A_159 : memref<40x128xi32, #tpu.memory_space<hbm>>) target(%arg8 : memref<40x128xi32, #tpu.memory_space<vmem>>) target_semaphore(%run_scoped3A_151 : memref<!tpu.dma_semaphore, #tpu.memory_space<semaphore_mem>>)
      %dma_wait3A = arith.constant 0 : i32
      %dma_wait3A_160 = arith.constant 0 : i32
      %dma_wait3A_161 = tpu.memref_slice %arg3[%add3A_119, %dma_wait3A, %dma_wait3A_160] : memref<64x40x128xi32, #tpu.memory_space<hbm>> -> memref<1x40x128xi32, #tpu.memory_space<hbm>>
      %dma_wait3A_162 = tpu.memref_squeeze %dma_wait3A_161 : memref<1x40x128xi32, #tpu.memory_space<hbm>> -> memref<40x128xi32, #tpu.memory_space<hbm>>
      %dma_wait3A_163 = arith.constant 0 : i32
      %dma_wait3A_164 = arith.constant 0 : i32
      %dma_wait3A_165 = tpu.memref_slice %arg3[%add3A_119, %dma_wait3A_163, %dma_wait3A_164] : memref<64x40x128xi32, #tpu.memory_space<hbm>> -> memref<1x40x128xi32, #tpu.memory_space<hbm>>
      %dma_wait3A_166 = tpu.memref_squeeze %dma_wait3A_165 : memref<1x40x128xi32, #tpu.memory_space<hbm>> -> memref<40x128xi32, #tpu.memory_space<hbm>>
      tpu.wait_dma2 semaphore(%run_scoped3A_151 : memref<!tpu.dma_semaphore, #tpu.memory_space<semaphore_mem>>) src(%dma_wait3A_166 : memref<40x128xi32, #tpu.memory_space<hbm>>) dst(%arg8 : memref<40x128xi32, #tpu.memory_space<vmem>>)
      tpu.yield
    }) : () -> ()
    %mul3A_120 = arith.constant 4 : i32
    %mul3A_121 = arith.muli %arg1, %mul3A_120 : i32
    %add3A_122 = arith.constant 3 : i32
    %add3A_123 = arith.addi %mul3A_121, %add3A_122 : i32
    "tpu.region"() ({
      %run_scoped3A_151 = tpu.sem_alloc : memref<!tpu.dma_semaphore, #tpu.memory_space<semaphore_mem>>
      %dma_start3A_152 = arith.constant 0 : i32
      %dma_start3A_153 = arith.constant 0 : i32
      %dma_start3A_154 = tpu.memref_slice %arg4[%add3A_123, %dma_start3A_152, %dma_start3A_153] : memref<64x40x128xi32, #tpu.memory_space<hbm>> -> memref<1x40x128xi32, #tpu.memory_space<hbm>>
      %dma_start3A_155 = tpu.memref_squeeze %dma_start3A_154 : memref<1x40x128xi32, #tpu.memory_space<hbm>> -> memref<40x128xi32, #tpu.memory_space<hbm>>
      %dma_start3A_156 = arith.constant 0 : i32
      %dma_start3A_157 = arith.constant 0 : i32
      %dma_start3A_158 = tpu.memref_slice %arg4[%add3A_123, %dma_start3A_156, %dma_start3A_157] : memref<64x40x128xi32, #tpu.memory_space<hbm>> -> memref<1x40x128xi32, #tpu.memory_space<hbm>>
      %dma_start3A_159 = tpu.memref_squeeze %dma_start3A_158 : memref<1x40x128xi32, #tpu.memory_space<hbm>> -> memref<40x128xi32, #tpu.memory_space<hbm>>
      tpu.enqueue_dma source(%dma_start3A_159 : memref<40x128xi32, #tpu.memory_space<hbm>>) target(%arg9 : memref<40x128xi32, #tpu.memory_space<vmem>>) target_semaphore(%run_scoped3A_151 : memref<!tpu.dma_semaphore, #tpu.memory_space<semaphore_mem>>)
      %dma_wait3A = arith.constant 0 : i32
      %dma_wait3A_160 = arith.constant 0 : i32
      %dma_wait3A_161 = tpu.memref_slice %arg4[%add3A_123, %dma_wait3A, %dma_wait3A_160] : memref<64x40x128xi32, #tpu.memory_space<hbm>> -> memref<1x40x128xi32, #tpu.memory_space<hbm>>
      %dma_wait3A_162 = tpu.memref_squeeze %dma_wait3A_161 : memref<1x40x128xi32, #tpu.memory_space<hbm>> -> memref<40x128xi32, #tpu.memory_space<hbm>>
      %dma_wait3A_163 = arith.constant 0 : i32
      %dma_wait3A_164 = arith.constant 0 : i32
      %dma_wait3A_165 = tpu.memref_slice %arg4[%add3A_123, %dma_wait3A_163, %dma_wait3A_164] : memref<64x40x128xi32, #tpu.memory_space<hbm>> -> memref<1x40x128xi32, #tpu.memory_space<hbm>>
      %dma_wait3A_166 = tpu.memref_squeeze %dma_wait3A_165 : memref<1x40x128xi32, #tpu.memory_space<hbm>> -> memref<40x128xi32, #tpu.memory_space<hbm>>
      tpu.wait_dma2 semaphore(%run_scoped3A_151 : memref<!tpu.dma_semaphore, #tpu.memory_space<semaphore_mem>>) src(%dma_wait3A_166 : memref<40x128xi32, #tpu.memory_space<hbm>>) dst(%arg9 : memref<40x128xi32, #tpu.memory_space<vmem>>)
      tpu.yield
    }) : () -> ()
    %dma_start3A_124 = arith.constant 0 : i32
    %dma_start3A_125 = arith.constant 0 : i32
    %dma_start3A_126 = arith.constant 0 : i32
    %dma_start3A_127 = arith.constant 0 : i32
    %dma_start3A_128 = tpu.memref_slice %arg10[%dma_start3A_125, %dma_start3A_126, %dma_start3A_127] : memref<2x128x64xf32, #tpu.memory_space<vmem>> -> memref<1x128x64xf32, #tpu.memory_space<vmem>>
    %dma_start3A_129 = tpu.memref_squeeze %dma_start3A_128 : memref<1x128x64xf32, #tpu.memory_space<vmem>> -> memref<128x64xf32, #tpu.memory_space<vmem>>
    %dma_start3A_130 = arith.constant 0 : i32
    %dma_start3A_131 = tpu.memref_slice %arg8[%dma_start3A_124, %dma_start3A_130] : memref<40x128xi32, #tpu.memory_space<vmem>> -> memref<1x128xi32, #tpu.memory_space<vmem>>
    %dma_start3A_132 = tpu.memref_squeeze %dma_start3A_131 : memref<1x128xi32, #tpu.memory_space<vmem>> -> memref<128xi32, #tpu.memory_space<vmem>>
    %dma_start3A_133 = arith.constant 0 : i32
    %dma_start3A_134 = arith.constant 0 : i32
    %dma_start3A_135 = tpu.memref_slice %arg7[%dma_start3A_133, %dma_start3A_134] : memref<10240x64xf32, #tpu.memory_space<vmem_shared>> -> memref<10240x64xf32, #tpu.memory_space<vmem_shared>>
    tpu.enqueue_indirect_dma source(%dma_start3A_135 : memref<10240x64xf32, #tpu.memory_space<vmem_shared>>) target(%dma_start3A_129 : memref<128x64xf32, #tpu.memory_space<vmem>>) offsets(%dma_start3A_132 : memref<128xi32, #tpu.memory_space<vmem>>) semaphore(%arg11 : memref<!tpu.dma_semaphore, #tpu.memory_space<semaphore_mem>>)
    %scan3A_136 = arith.constant 0 : i32
    %scan3A_137 = arith.constant 0 : i32
    %scan3A_138 = arith.constant 20 : i32
    %scan3A_139 = arith.addi %scan3A_137, %scan3A_138 : i32
    %scan3A_140 = arith.constant 1 : i32
    %scan3A_141 = scf.for %scan3A_151 = %scan3A_137 to %scan3A_139 step %scan3A_140 iter_args(%scan3A_152 = %scan3A_136) -> (i32)  : i32 {
      %mul3A_153 = arith.constant 2 : i32
      %mul3A_154 = arith.muli %scan3A_151, %mul3A_153 : i32
      %dma_wait3A = arith.constant 0 : i32
      %dma_wait3A_155 = arith.constant 0 : i32
      %dma_wait3A_156 = arith.constant 0 : i32
      %dma_wait3A_157 = tpu.memref_slice %arg10[%dma_wait3A, %dma_wait3A_155, %dma_wait3A_156] : memref<2x128x64xf32, #tpu.memory_space<vmem>> -> memref<1x128x64xf32, #tpu.memory_space<vmem>>
      %dma_wait3A_158 = tpu.memref_squeeze %dma_wait3A_157 : memref<1x128x64xf32, #tpu.memory_space<vmem>> -> memref<128x64xf32, #tpu.memory_space<vmem>>
      %dma_wait3A_159 = arith.constant 0 : i32
      %dma_wait3A_160 = tpu.memref_slice %arg8[%mul3A_154, %dma_wait3A_159] : memref<40x128xi32, #tpu.memory_space<vmem>> -> memref<1x128xi32, #tpu.memory_space<vmem>>
      %dma_wait3A_161 = tpu.memref_squeeze %dma_wait3A_160 : memref<1x128xi32, #tpu.memory_space<vmem>> -> memref<128xi32, #tpu.memory_space<vmem>>
      %dma_wait3A_162 = arith.constant 0 : i32
      %dma_wait3A_163 = arith.constant 0 : i32
      %dma_wait3A_164 = tpu.memref_slice %arg7[%dma_wait3A_162, %dma_wait3A_163] : memref<10240x64xf32, #tpu.memory_space<vmem_shared>> -> memref<10240x64xf32, #tpu.memory_space<vmem_shared>>
      tpu.wait_indirect_dma semaphore(%arg11 : memref<!tpu.dma_semaphore, #tpu.memory_space<semaphore_mem>>) src(%dma_wait3A_164 : memref<10240x64xf32, #tpu.memory_space<vmem_shared>>) dst(%dma_wait3A_158 : memref<128x64xf32, #tpu.memory_space<vmem>>)
      %add3A_165 = arith.constant 1 : i32
      %add3A_166 = arith.addi %mul3A_154, %add3A_165 : i32
      %dma_start3A_167 = arith.constant 1 : i32
      %dma_start3A_168 = arith.constant 0 : i32
      %dma_start3A_169 = arith.constant 0 : i32
      %dma_start3A_170 = tpu.memref_slice %arg10[%dma_start3A_167, %dma_start3A_168, %dma_start3A_169] : memref<2x128x64xf32, #tpu.memory_space<vmem>> -> memref<1x128x64xf32, #tpu.memory_space<vmem>>
      %dma_start3A_171 = tpu.memref_squeeze %dma_start3A_170 : memref<1x128x64xf32, #tpu.memory_space<vmem>> -> memref<128x64xf32, #tpu.memory_space<vmem>>
      %dma_start3A_172 = arith.constant 0 : i32
      %dma_start3A_173 = tpu.memref_slice %arg8[%add3A_166, %dma_start3A_172] : memref<40x128xi32, #tpu.memory_space<vmem>> -> memref<1x128xi32, #tpu.memory_space<vmem>>
      %dma_start3A_174 = tpu.memref_squeeze %dma_start3A_173 : memref<1x128xi32, #tpu.memory_space<vmem>> -> memref<128xi32, #tpu.memory_space<vmem>>
      %dma_start3A_175 = arith.constant 0 : i32
      %dma_start3A_176 = arith.constant 0 : i32
      %dma_start3A_177 = tpu.memref_slice %arg7[%dma_start3A_175, %dma_start3A_176] : memref<10240x64xf32, #tpu.memory_space<vmem_shared>> -> memref<10240x64xf32, #tpu.memory_space<vmem_shared>>
      tpu.enqueue_indirect_dma source(%dma_start3A_177 : memref<10240x64xf32, #tpu.memory_space<vmem_shared>>) target(%dma_start3A_171 : memref<128x64xf32, #tpu.memory_space<vmem>>) offsets(%dma_start3A_174 : memref<128xi32, #tpu.memory_space<vmem>>) semaphore(%arg12 : memref<!tpu.dma_semaphore, #tpu.memory_space<semaphore_mem>>)
      %run_scoped3A_178 = arith.constant 0 : i32
      "tpu.region"() ({
        %run_scoped3A_200 = tpu.sem_alloc : memref<!tpu.dma_semaphore, #tpu.memory_space<semaphore_mem>>
        %dma_start3A_201 = arith.constant 0 : i32
        %dma_start3A_202 = arith.constant 0 : i32
        %dma_start3A_203 = tpu.memref_slice %arg10[%run_scoped3A_178, %dma_start3A_201, %dma_start3A_202] : memref<2x128x64xf32, #tpu.memory_space<vmem>> -> memref<1x128x64xf32, #tpu.memory_space<vmem>>
        %dma_start3A_204 = tpu.memref_squeeze %dma_start3A_203 : memref<1x128x64xf32, #tpu.memory_space<vmem>> -> memref<128x64xf32, #tpu.memory_space<vmem>>
        %dma_start3A_205 = arith.constant 0 : i32
        %dma_start3A_206 = tpu.memref_slice %arg9[%mul3A_154, %dma_start3A_205] : memref<40x128xi32, #tpu.memory_space<vmem>> -> memref<1x128xi32, #tpu.memory_space<vmem>>
        %dma_start3A_207 = tpu.memref_squeeze %dma_start3A_206 : memref<1x128xi32, #tpu.memory_space<vmem>> -> memref<128xi32, #tpu.memory_space<vmem>>
        %dma_start3A_208 = arith.constant 0 : i32
        %dma_start3A_209 = arith.constant 0 : i32
        %dma_start3A_210 = tpu.memref_slice %arg6[%dma_start3A_208, %dma_start3A_209] : memref<10240x64xf32, #tpu.memory_space<vmem_shared>> -> memref<10240x64xf32, #tpu.memory_space<vmem_shared>>
        tpu.enqueue_indirect_dma source(%dma_start3A_204 : memref<128x64xf32, #tpu.memory_space<vmem>>) target(%dma_start3A_210 : memref<10240x64xf32, #tpu.memory_space<vmem_shared>>) offsets(%dma_start3A_207 : memref<128xi32, #tpu.memory_space<vmem>>) semaphore(%run_scoped3A_200 : memref<!tpu.dma_semaphore, #tpu.memory_space<semaphore_mem>>) {add = true}
        %dma_wait3A_211 = arith.constant 0 : i32
        %dma_wait3A_212 = arith.constant 0 : i32
        %dma_wait3A_213 = tpu.memref_slice %arg10[%run_scoped3A_178, %dma_wait3A_211, %dma_wait3A_212] : memref<2x128x64xf32, #tpu.memory_space<vmem>> -> memref<1x128x64xf32, #tpu.memory_space<vmem>>
        %dma_wait3A_214 = tpu.memref_squeeze %dma_wait3A_213 : memref<1x128x64xf32, #tpu.memory_space<vmem>> -> memref<128x64xf32, #tpu.memory_space<vmem>>
        %dma_wait3A_215 = arith.constant 0 : i32
        %dma_wait3A_216 = tpu.memref_slice %arg9[%mul3A_154, %dma_wait3A_215] : memref<40x128xi32, #tpu.memory_space<vmem>> -> memref<1x128xi32, #tpu.memory_space<vmem>>
        %dma_wait3A_217 = tpu.memref_squeeze %dma_wait3A_216 : memref<1x128xi32, #tpu.memory_space<vmem>> -> memref<128xi32, #tpu.memory_space<vmem>>
        %dma_wait3A_218 = arith.constant 0 : i32
        %dma_wait3A_219 = arith.constant 0 : i32
        %dma_wait3A_220 = tpu.memref_slice %arg6[%dma_wait3A_218, %dma_wait3A_219] : memref<10240x64xf32, #tpu.memory_space<vmem_shared>> -> memref<10240x64xf32, #tpu.memory_space<vmem_shared>>
        tpu.wait_indirect_dma semaphore(%run_scoped3A_200 : memref<!tpu.dma_semaphore, #tpu.memory_space<semaphore_mem>>) src(%dma_wait3A_214 : memref<128x64xf32, #tpu.memory_space<vmem>>) dst(%dma_wait3A_220 : memref<10240x64xf32, #tpu.memory_space<vmem_shared>>)
        tpu.yield
      }) : () -> ()
      %add3A_179 = arith.constant 1 : i32
      %add3A_180 = arith.addi %mul3A_154, %add3A_179 : i32
      %dma_wait3A_181 = arith.constant 1 : i32
      %dma_wait3A_182 = arith.constant 0 : i32
      %dma_wait3A_183 = arith.constant 0 : i32
      %dma_wait3A_184 = tpu.memref_slice %arg10[%dma_wait3A_181, %dma_wait3A_182, %dma_wait3A_183] : memref<2x128x64xf32, #tpu.memory_space<vmem>> -> memref<1x128x64xf32, #tpu.memory_space<vmem>>
      %dma_wait3A_185 = tpu.memref_squeeze %dma_wait3A_184 : memref<1x128x64xf32, #tpu.memory_space<vmem>> -> memref<128x64xf32, #tpu.memory_space<vmem>>
      %dma_wait3A_186 = arith.constant 0 : i32
      %dma_wait3A_187 = tpu.memref_slice %arg8[%add3A_180, %dma_wait3A_186] : memref<40x128xi32, #tpu.memory_space<vmem>> -> memref<1x128xi32, #tpu.memory_space<vmem>>
      %dma_wait3A_188 = tpu.memref_squeeze %dma_wait3A_187 : memref<1x128xi32, #tpu.memory_space<vmem>> -> memref<128xi32, #tpu.memory_space<vmem>>
      %dma_wait3A_189 = arith.constant 0 : i32
      %dma_wait3A_190 = arith.constant 0 : i32
      %dma_wait3A_191 = tpu.memref_slice %arg7[%dma_wait3A_189, %dma_wait3A_190] : memref<10240x64xf32, #tpu.memory_space<vmem_shared>> -> memref<10240x64xf32, #tpu.memory_space<vmem_shared>>
      tpu.wait_indirect_dma semaphore(%arg12 : memref<!tpu.dma_semaphore, #tpu.memory_space<semaphore_mem>>) src(%dma_wait3A_191 : memref<10240x64xf32, #tpu.memory_space<vmem_shared>>) dst(%dma_wait3A_185 : memref<128x64xf32, #tpu.memory_space<vmem>>)
      %add3A_192 = arith.constant 2 : i32
      %add3A_193 = arith.addi %mul3A_154, %add3A_192 : i32
      %lt3A = arith.constant 40 : i32
      %lt3A_194 = arith.cmpi slt, %add3A_193, %lt3A : i32
      %convert_element_type3A = arith.extui %lt3A_194 : i1 to i32
      %cond3A = arith.constant 0 : i32
      %cond3A_195 = arith.cmpi ne, %convert_element_type3A, %cond3A : i32
      scf.if %cond3A_195 {
        %add3A_200 = arith.constant 2 : i32
        %add3A_201 = arith.addi %mul3A_154, %add3A_200 : i32
        %dma_start3A_202 = arith.constant 0 : i32
        %dma_start3A_203 = arith.constant 0 : i32
        %dma_start3A_204 = arith.constant 0 : i32
        %dma_start3A_205 = tpu.memref_slice %arg10[%dma_start3A_202, %dma_start3A_203, %dma_start3A_204] : memref<2x128x64xf32, #tpu.memory_space<vmem>> -> memref<1x128x64xf32, #tpu.memory_space<vmem>>
        %dma_start3A_206 = tpu.memref_squeeze %dma_start3A_205 : memref<1x128x64xf32, #tpu.memory_space<vmem>> -> memref<128x64xf32, #tpu.memory_space<vmem>>
        %dma_start3A_207 = arith.constant 0 : i32
        %dma_start3A_208 = tpu.memref_slice %arg8[%add3A_201, %dma_start3A_207] : memref<40x128xi32, #tpu.memory_space<vmem>> -> memref<1x128xi32, #tpu.memory_space<vmem>>
        %dma_start3A_209 = tpu.memref_squeeze %dma_start3A_208 : memref<1x128xi32, #tpu.memory_space<vmem>> -> memref<128xi32, #tpu.memory_space<vmem>>
        %dma_start3A_210 = arith.constant 0 : i32
        %dma_start3A_211 = arith.constant 0 : i32
        %dma_start3A_212 = tpu.memref_slice %arg7[%dma_start3A_210, %dma_start3A_211] : memref<10240x64xf32, #tpu.memory_space<vmem_shared>> -> memref<10240x64xf32, #tpu.memory_space<vmem_shared>>
        tpu.enqueue_indirect_dma source(%dma_start3A_212 : memref<10240x64xf32, #tpu.memory_space<vmem_shared>>) target(%dma_start3A_206 : memref<128x64xf32, #tpu.memory_space<vmem>>) offsets(%dma_start3A_209 : memref<128xi32, #tpu.memory_space<vmem>>) semaphore(%arg11 : memref<!tpu.dma_semaphore, #tpu.memory_space<semaphore_mem>>)
      } else {
      }
      %add3A_196 = arith.constant 1 : i32
      %add3A_197 = arith.addi %mul3A_154, %add3A_196 : i32
      %run_scoped3A_198 = arith.constant 1 : i32
      "tpu.region"() ({
        %run_scoped3A_200 = tpu.sem_alloc : memref<!tpu.dma_semaphore, #tpu.memory_space<semaphore_mem>>
        %dma_start3A_201 = arith.constant 0 : i32
        %dma_start3A_202 = arith.constant 0 : i32
        %dma_start3A_203 = tpu.memref_slice %arg10[%run_scoped3A_198, %dma_start3A_201, %dma_start3A_202] : memref<2x128x64xf32, #tpu.memory_space<vmem>> -> memref<1x128x64xf32, #tpu.memory_space<vmem>>
        %dma_start3A_204 = tpu.memref_squeeze %dma_start3A_203 : memref<1x128x64xf32, #tpu.memory_space<vmem>> -> memref<128x64xf32, #tpu.memory_space<vmem>>
        %dma_start3A_205 = arith.constant 0 : i32
        %dma_start3A_206 = tpu.memref_slice %arg9[%add3A_197, %dma_start3A_205] : memref<40x128xi32, #tpu.memory_space<vmem>> -> memref<1x128xi32, #tpu.memory_space<vmem>>
        %dma_start3A_207 = tpu.memref_squeeze %dma_start3A_206 : memref<1x128xi32, #tpu.memory_space<vmem>> -> memref<128xi32, #tpu.memory_space<vmem>>
        %dma_start3A_208 = arith.constant 0 : i32
        %dma_start3A_209 = arith.constant 0 : i32
        %dma_start3A_210 = tpu.memref_slice %arg6[%dma_start3A_208, %dma_start3A_209] : memref<10240x64xf32, #tpu.memory_space<vmem_shared>> -> memref<10240x64xf32, #tpu.memory_space<vmem_shared>>
        tpu.enqueue_indirect_dma source(%dma_start3A_204 : memref<128x64xf32, #tpu.memory_space<vmem>>) target(%dma_start3A_210 : memref<10240x64xf32, #tpu.memory_space<vmem_shared>>) offsets(%dma_start3A_207 : memref<128xi32, #tpu.memory_space<vmem>>) semaphore(%run_scoped3A_200 : memref<!tpu.dma_semaphore, #tpu.memory_space<semaphore_mem>>) {add = true}
        %dma_wait3A_211 = arith.constant 0 : i32
        %dma_wait3A_212 = arith.constant 0 : i32
        %dma_wait3A_213 = tpu.memref_slice %arg10[%run_scoped3A_198, %dma_wait3A_211, %dma_wait3A_212] : memref<2x128x64xf32, #tpu.memory_space<vmem>> -> memref<1x128x64xf32, #tpu.memory_space<vmem>>
        %dma_wait3A_214 = tpu.memref_squeeze %dma_wait3A_213 : memref<1x128x64xf32, #tpu.memory_space<vmem>> -> memref<128x64xf32, #tpu.memory_space<vmem>>
        %dma_wait3A_215 = arith.constant 0 : i32
        %dma_wait3A_216 = tpu.memref_slice %arg9[%add3A_197, %dma_wait3A_215] : memref<40x128xi32, #tpu.memory_space<vmem>> -> memref<1x128xi32, #tpu.memory_space<vmem>>
        %dma_wait3A_217 = tpu.memref_squeeze %dma_wait3A_216 : memref<1x128xi32, #tpu.memory_space<vmem>> -> memref<128xi32, #tpu.memory_space<vmem>>
        %dma_wait3A_218 = arith.constant 0 : i32
        %dma_wait3A_219 = arith.constant 0 : i32
        %dma_wait3A_220 = tpu.memref_slice %arg6[%dma_wait3A_218, %dma_wait3A_219] : memref<10240x64xf32, #tpu.memory_space<vmem_shared>> -> memref<10240x64xf32, #tpu.memory_space<vmem_shared>>
        tpu.wait_indirect_dma semaphore(%run_scoped3A_200 : memref<!tpu.dma_semaphore, #tpu.memory_space<semaphore_mem>>) src(%dma_wait3A_214 : memref<128x64xf32, #tpu.memory_space<vmem>>) dst(%dma_wait3A_220 : memref<10240x64xf32, #tpu.memory_space<vmem_shared>>)
        tpu.yield
      }) : () -> ()
      %scan3A_199 = arith.constant 0 : i32
      scf.yield %scan3A_199 : i32
    }
    %scan3A_142 = arith.constant 20 : i32
    %barrier3A_143 = arith.constant 0 : index
    tpu.barrier barrier_id(%barrier3A_143)
    %mul3A_144 = arith.constant 640 : i32
    %mul3A_145 = arith.muli %arg1, %mul3A_144 : i32
    %mul3A_146 = arith.constant 10240 : i32
    %mul3A_147 = arith.muli %arg0, %mul3A_146 : i32
    %mul3A_148 = arith.constant 640 : i32
    %mul3A_149 = arith.muli %arg1, %mul3A_148 : i32
    %add3A_150 = arith.addi %mul3A_147, %mul3A_149 : i32
    "tpu.region"() ({
      %run_scoped3A_151 = tpu.sem_alloc : memref<!tpu.dma_semaphore, #tpu.memory_space<semaphore_mem>>
      %dma_start3A_152 = arith.constant 0 : i32
      %dma_start3A_153 = tpu.memref_slice %arg5[%add3A_150, %dma_start3A_152] : memref<20480x64xf32, #tpu.memory_space<hbm>> -> memref<640x64xf32, #tpu.memory_space<hbm>>
      %dma_start3A_154 = arith.constant 0 : i32
      %dma_start3A_155 = tpu.memref_slice %arg6[%mul3A_145, %dma_start3A_154] : memref<10240x64xf32, #tpu.memory_space<vmem_shared>> -> memref<640x64xf32, #tpu.memory_space<vmem_shared>>
      tpu.enqueue_dma source(%dma_start3A_155 : memref<640x64xf32, #tpu.memory_space<vmem_shared>>) target(%dma_start3A_153 : memref<640x64xf32, #tpu.memory_space<hbm>>) target_semaphore(%run_scoped3A_151 : memref<!tpu.dma_semaphore, #tpu.memory_space<semaphore_mem>>)
      %dma_wait3A = arith.constant 0 : i32
      %dma_wait3A_156 = tpu.memref_slice %arg5[%add3A_150, %dma_wait3A] : memref<20480x64xf32, #tpu.memory_space<hbm>> -> memref<640x64xf32, #tpu.memory_space<hbm>>
      %dma_wait3A_157 = arith.constant 0 : i32
      %dma_wait3A_158 = tpu.memref_slice %arg6[%mul3A_145, %dma_wait3A_157] : memref<10240x64xf32, #tpu.memory_space<vmem_shared>> -> memref<640x64xf32, #tpu.memory_space<vmem_shared>>
      tpu.wait_dma2 semaphore(%run_scoped3A_151 : memref<!tpu.dma_semaphore, #tpu.memory_space<semaphore_mem>>) src(%dma_wait3A_158 : memref<640x64xf32, #tpu.memory_space<vmem_shared>>) dst(%dma_wait3A_156 : memref<640x64xf32, #tpu.memory_space<hbm>>)
      tpu.yield
    }) : () -> ()
    return
  }
}

module attributes {stable_mosaic.version = 14 : i64} {
  func.func @body(%arg0: i32, %arg1: memref<1280x128xf32, #tpu.memory_space<vmem>>, %arg2: memref<128x128xf32, #tpu.memory_space<vmem>>, %arg3: memref<2x1280x1xf32, #tpu.memory_space<vmem>>, %arg4: memref<2x1280x64xf32, #tpu.memory_space<vmem>>, %arg5: memref<1280x1xf32, #tpu.memory_space<vmem>>) attributes {dimension_semantics = [#tpu.dimension_semantics<arbitrary>], iteration_bounds = array<i64: 8>, scalar_prefetch = 0 : i64, scratch_operands = 0 : i64, tpu.core_type = #tpu.core_type<tc>, window_params = [{transform_indices = @transform_0, window_bounds = array<i64: 1280, 128>}, {pipeline_mode = #tpu.pipeline_mode<synchronous>, transform_indices = @transform_1, window_bounds = array<i64: 128, 128>}, {transform_indices = @transform_2, window_bounds = array<i64: 2, 1280, 1>}, {transform_indices = @transform_3, window_bounds = array<i64: 2, 1280, 64>}, {transform_indices = @transform_4, window_bounds = array<i64: 1280, 1>}]} {
    %get3A = arith.constant 0 : index
    %get3A_0 = arith.constant 0 : index
    %get3A_1 = arith.constant 0 : index
    %get3A_2 = vector.load %arg3[%get3A, %get3A_0, %get3A_1] : memref<2x1280x1xf32, #tpu.memory_space<vmem>>, vector<1x1280x1xf32>
    %get3A_3 = vector.shape_cast %get3A_2 : vector<1x1280x1xf32> to vector<1280x1xf32>
    %add3A = arith.constant 1.000000e+00 : f32
    %add3A_4 = vector.broadcast %add3A : f32 to vector<1280x1xf32>
    %add3A_5 = arith.addf %add3A_4, %get3A_3 : vector<1280x1xf32>
    %get3A_6 = arith.constant 1 : index
    %get3A_7 = arith.constant 0 : index
    %get3A_8 = arith.constant 0 : index
    %get3A_9 = vector.load %arg3[%get3A_6, %get3A_7, %get3A_8] : memref<2x1280x1xf32, #tpu.memory_space<vmem>>, vector<1x1280x1xf32>
    %get3A_10 = vector.shape_cast %get3A_9 : vector<1x1280x1xf32> to vector<1280x1xf32>
    %add3A_11 = arith.addf %add3A_5, %get3A_10 : vector<1280x1xf32>
    %rsqrt3A = math.rsqrt %add3A_11 : vector<1280x1xf32>
    %get3A_12 = arith.constant 0 : index
    %get3A_13 = arith.constant 0 : index
    %get3A_14 = vector.load %arg1[%get3A_12, %get3A_13] : memref<1280x128xf32, #tpu.memory_space<vmem>>, vector<1280x128xf32>
    %get3A_15 = arith.constant 0 : index
    %get3A_16 = arith.constant 0 : index
    %get3A_17 = vector.load %arg2[%get3A_15, %get3A_16] : memref<128x128xf32, #tpu.memory_space<vmem>>, vector<128x128xf32>
    %dot_general3A = arith.constant dense<0.000000e+00> : vector<1280x128xf32>
    %dot_general3A_18 = tpu.matmul %get3A_14, %get3A_17, %dot_general3A {dimension_numbers = #tpu.dot_dimension_numbers<[1], [0], [0], [1], [0, 0, 1, 1], [], []>, transpose_lhs_hint = false} : vector<1280x128xf32>, vector<128x128xf32>, vector<1280x128xf32> -> vector<1280x128xf32>
    %mul3A = vector.broadcast %rsqrt3A : vector<1280x1xf32> to vector<1280x128xf32>
    %mul3A_19 = arith.mulf %dot_general3A_18, %mul3A : vector<1280x128xf32>
    %slice3A = vector.extract_strided_slice %mul3A_19 {offsets = [0, 0], sizes = [1280, 64], strides = [1, 1]} : vector<1280x128xf32> to vector<1280x64xf32>
    %swap3A = arith.constant 0 : index
    %swap3A_20 = arith.constant 0 : index
    %swap3A_21 = arith.constant 0 : index
    %swap3A_22 = vector.load %arg4[%swap3A, %swap3A_20, %swap3A_21] : memref<2x1280x64xf32, #tpu.memory_space<vmem>>, vector<1x1280x64xf32>
    %swap3A_23 = vector.shape_cast %swap3A_22 : vector<1x1280x64xf32> to vector<1280x64xf32>
    %swap3A_24 = vector.shape_cast %slice3A : vector<1280x64xf32> to vector<1x1280x64xf32>
    tpu.vector_store %arg4[%swap3A, %swap3A_20, %swap3A_21], %swap3A_24 {strides = array<i32>} : memref<2x1280x64xf32, #tpu.memory_space<vmem>>, vector<1x1280x64xf32>,
    %slice3A_25 = vector.extract_strided_slice %mul3A_19 {offsets = [0, 64], sizes = [1280, 64], strides = [1, 1]} : vector<1280x128xf32> to vector<1280x64xf32>
    %swap3A_26 = arith.constant 1 : index
    %swap3A_27 = arith.constant 0 : index
    %swap3A_28 = arith.constant 0 : index
    %swap3A_29 = vector.load %arg4[%swap3A_26, %swap3A_27, %swap3A_28] : memref<2x1280x64xf32, #tpu.memory_space<vmem>>, vector<1x1280x64xf32>
    %swap3A_30 = vector.shape_cast %swap3A_29 : vector<1x1280x64xf32> to vector<1280x64xf32>
    %swap3A_31 = vector.shape_cast %slice3A_25 : vector<1280x64xf32> to vector<1x1280x64xf32>
    tpu.vector_store %arg4[%swap3A_26, %swap3A_27, %swap3A_28], %swap3A_31 {strides = array<i32>} : memref<2x1280x64xf32, #tpu.memory_space<vmem>>, vector<1x1280x64xf32>,
    %swap3A_32 = arith.constant 0 : index
    %swap3A_33 = arith.constant 0 : index
    %swap3A_34 = vector.load %arg5[%swap3A_32, %swap3A_33] : memref<1280x1xf32, #tpu.memory_space<vmem>>, vector<1280x1xf32>
    tpu.vector_store %arg5[%swap3A_32, %swap3A_33], %rsqrt3A {strides = array<i32>} : memref<1280x1xf32, #tpu.memory_space<vmem>>, vector<1280x1xf32>,
    return
  }
  func.func @transform_0(%arg0: i32) -> (i32, i32) {
    %c0_i32 = arith.constant 0 : i32
    %c0_i32_0 = arith.constant 0 : i32
    return %arg0, %c0_i32 : i32, i32
  }
  func.func @transform_1(%arg0: i32) -> (i32, i32) {
    %c0_i32 = arith.constant 0 : i32
    %c0_i32_0 = arith.constant 0 : i32
    %c0_i32_1 = arith.constant 0 : i32
    return %c0_i32, %c0_i32_0 : i32, i32
  }
  func.func @transform_2(%arg0: i32) -> (i32, i32, i32) {
    %c0_i32 = arith.constant 0 : i32
    %c0_i32_0 = arith.constant 0 : i32
    %c0_i32_1 = arith.constant 0 : i32
    return %c0_i32, %arg0, %c0_i32_0 : i32, i32, i32
  }
  func.func @transform_3(%arg0: i32) -> (i32, i32, i32) {
    %c0_i32 = arith.constant 0 : i32
    %c0_i32_0 = arith.constant 0 : i32
    %c0_i32_1 = arith.constant 0 : i32
    return %c0_i32, %arg0, %c0_i32_0 : i32, i32, i32
  }
  func.func @transform_4(%arg0: i32) -> (i32, i32) {
    %c0_i32 = arith.constant 0 : i32
    %c0_i32_0 = arith.constant 0 : i32
    return %arg0, %c0_i32 : i32, i32
  }
}

module attributes {stable_mosaic.version = 14 : i64} {
  func.func @body(%arg0: i32, %arg1: memref<2x1280x64xf32, #tpu.memory_space<vmem>>, %arg2: memref<2x1280x64xf32, #tpu.memory_space<vmem>>, %arg3: memref<1280x1xf32, #tpu.memory_space<vmem>>, %arg4: memref<2x64xf32, #tpu.memory_space<vmem>>, %arg5: memref<128x1xf32, #tpu.memory_space<vmem>>, %arg6: memref<1280x1xf32, #tpu.memory_space<vmem>>) attributes {dimension_semantics = [#tpu.dimension_semantics<arbitrary>], iteration_bounds = array<i64: 8>, scalar_prefetch = 0 : i64, scratch_operands = 0 : i64, tpu.core_type = #tpu.core_type<tc>, window_params = [{transform_indices = @transform_0, window_bounds = array<i64: 2, 1280, 64>}, {transform_indices = @transform_1, window_bounds = array<i64: 2, 1280, 64>}, {transform_indices = @transform_2, window_bounds = array<i64: 1280, 1>}, {pipeline_mode = #tpu.pipeline_mode<synchronous>, transform_indices = @transform_3, window_bounds = array<i64: 2, 64>}, {pipeline_mode = #tpu.pipeline_mode<synchronous>, transform_indices = @transform_4, window_bounds = array<i64: 128, 1>}, {transform_indices = @transform_5, window_bounds = array<i64: 1280, 1>}]} {
    %get3A = arith.constant 0 : index
    %get3A_0 = arith.constant 0 : index
    %get3A_1 = vector.load %arg3[%get3A, %get3A_0] : memref<1280x1xf32, #tpu.memory_space<vmem>>, vector<1280x1xf32>
    %get3A_2 = arith.constant 0 : index
    %get3A_3 = arith.constant 0 : index
    %get3A_4 = vector.load %arg5[%get3A_2, %get3A_3] : memref<128x1xf32, #tpu.memory_space<vmem>>, vector<128x1xf32>
    %broadcast_in_dim3A = arith.constant 0.000000e+00 : f32
    %broadcast_in_dim3A_5 = vector.broadcast %broadcast_in_dim3A : f32 to vector<1280x1xf32>
    %get3A_6 = arith.constant 0 : index
    %get3A_7 = arith.constant 0 : index
    %get3A_8 = arith.constant 0 : index
    %get3A_9 = vector.load %arg1[%get3A_6, %get3A_7, %get3A_8] : memref<2x1280x64xf32, #tpu.memory_space<vmem>>, vector<1x1280x64xf32>
    %get3A_10 = vector.shape_cast %get3A_9 : vector<1x1280x64xf32> to vector<1280x64xf32>
    %get3A_11 = arith.constant 0 : index
    %get3A_12 = arith.constant 0 : index
    %get3A_13 = arith.constant 0 : index
    %get3A_14 = vector.load %arg2[%get3A_11, %get3A_12, %get3A_13] : memref<2x1280x64xf32, #tpu.memory_space<vmem>>, vector<1x1280x64xf32>
    %get3A_15 = vector.shape_cast %get3A_14 : vector<1x1280x64xf32> to vector<1280x64xf32>
    %add3A = arith.addf %get3A_10, %get3A_15 : vector<1280x64xf32>
    %mul3A = vector.broadcast %get3A_1 : vector<1280x1xf32> to vector<1280x64xf32>
    %mul3A_16 = arith.mulf %add3A, %mul3A : vector<1280x64xf32>
    %get3A_17 = arith.constant 0 : index
    %get3A_18 = arith.constant 0 : index
    %get3A_19 = vector.load %arg4[%get3A_17, %get3A_18] : memref<2x64xf32, #tpu.memory_space<vmem>>, vector<1x64xf32>
    %get3A_20 = vector.shape_cast %get3A_19 : vector<1x64xf32> to vector<64xf32>
    %broadcast_in_dim3A_21 = vector.shape_cast %get3A_20 : vector<64xf32> to vector<1x64xf32>
    %add3A_22 = vector.broadcast %broadcast_in_dim3A_21 : vector<1x64xf32> to vector<1280x64xf32>
    %add3A_23 = arith.addf %mul3A_16, %add3A_22 : vector<1280x64xf32>
    %max3A = arith.constant 0.000000e+00 : f32
    %max3A_24 = vector.broadcast %max3A : f32 to vector<1280x64xf32>
    %max3A_25 = arith.maximumf %add3A_23, %max3A_24 : vector<1280x64xf32>
    %slice3A = vector.extract_strided_slice %get3A_4 {offsets = [0, 0], sizes = [64, 1], strides = [1, 1]} : vector<128x1xf32> to vector<64x1xf32>
    %dot_general3A = arith.constant dense<0.000000e+00> : vector<1280x1xf32>
    %dot_general3A_26 = tpu.matmul %max3A_25, %slice3A, %dot_general3A {dimension_numbers = #tpu.dot_dimension_numbers<[1], [0], [0], [1], [0, 0, 1, 1], [], []>, transpose_lhs_hint = false} : vector<1280x64xf32>, vector<64x1xf32>, vector<1280x1xf32> -> vector<1280x1xf32>
    %add3A_27 = arith.addf %broadcast_in_dim3A_5, %dot_general3A_26 : vector<1280x1xf32>
    %get3A_28 = arith.constant 1 : index
    %get3A_29 = arith.constant 0 : index
    %get3A_30 = arith.constant 0 : index
    %get3A_31 = vector.load %arg1[%get3A_28, %get3A_29, %get3A_30] : memref<2x1280x64xf32, #tpu.memory_space<vmem>>, vector<1x1280x64xf32>
    %get3A_32 = vector.shape_cast %get3A_31 : vector<1x1280x64xf32> to vector<1280x64xf32>
    %get3A_33 = arith.constant 1 : index
    %get3A_34 = arith.constant 0 : index
    %get3A_35 = arith.constant 0 : index
    %get3A_36 = vector.load %arg2[%get3A_33, %get3A_34, %get3A_35] : memref<2x1280x64xf32, #tpu.memory_space<vmem>>, vector<1x1280x64xf32>
    %get3A_37 = vector.shape_cast %get3A_36 : vector<1x1280x64xf32> to vector<1280x64xf32>
    %add3A_38 = arith.addf %get3A_32, %get3A_37 : vector<1280x64xf32>
    %mul3A_39 = vector.broadcast %get3A_1 : vector<1280x1xf32> to vector<1280x64xf32>
    %mul3A_40 = arith.mulf %add3A_38, %mul3A_39 : vector<1280x64xf32>
    %get3A_41 = arith.constant 1 : index
    %get3A_42 = arith.constant 0 : index
    %get3A_43 = vector.load %arg4[%get3A_41, %get3A_42] : memref<2x64xf32, #tpu.memory_space<vmem>>, vector<1x64xf32>
    %get3A_44 = vector.shape_cast %get3A_43 : vector<1x64xf32> to vector<64xf32>
    %broadcast_in_dim3A_45 = vector.shape_cast %get3A_44 : vector<64xf32> to vector<1x64xf32>
    %add3A_46 = vector.broadcast %broadcast_in_dim3A_45 : vector<1x64xf32> to vector<1280x64xf32>
    %add3A_47 = arith.addf %mul3A_40, %add3A_46 : vector<1280x64xf32>
    %max3A_48 = arith.constant 0.000000e+00 : f32
    %max3A_49 = vector.broadcast %max3A_48 : f32 to vector<1280x64xf32>
    %max3A_50 = arith.maximumf %add3A_47, %max3A_49 : vector<1280x64xf32>
    %slice3A_51 = vector.extract_strided_slice %get3A_4 {offsets = [64, 0], sizes = [64, 1], strides = [1, 1]} : vector<128x1xf32> to vector<64x1xf32>
    %dot_general3A_52 = arith.constant dense<0.000000e+00> : vector<1280x1xf32>
    %dot_general3A_53 = tpu.matmul %max3A_50, %slice3A_51, %dot_general3A_52 {dimension_numbers = #tpu.dot_dimension_numbers<[1], [0], [0], [1], [0, 0, 1, 1], [], []>, transpose_lhs_hint = false} : vector<1280x64xf32>, vector<64x1xf32>, vector<1280x1xf32> -> vector<1280x1xf32>
    %add3A_54 = arith.addf %add3A_27, %dot_general3A_53 : vector<1280x1xf32>
    %mul3A_55 = arith.mulf %add3A_54, %get3A_1 : vector<1280x1xf32>
    %swap3A = arith.constant 0 : index
    %swap3A_56 = arith.constant 0 : index
    %swap3A_57 = vector.load %arg6[%swap3A, %swap3A_56] : memref<1280x1xf32, #tpu.memory_space<vmem>>, vector<1280x1xf32>
    tpu.vector_store %arg6[%swap3A, %swap3A_56], %mul3A_55 {strides = array<i32>} : memref<1280x1xf32, #tpu.memory_space<vmem>>, vector<1280x1xf32>,
    return
  }
  func.func @transform_0(%arg0: i32) -> (i32, i32, i32) {
    %c0_i32 = arith.constant 0 : i32
    %c0_i32_0 = arith.constant 0 : i32
    %c0_i32_1 = arith.constant 0 : i32
    return %c0_i32, %arg0, %c0_i32_0 : i32, i32, i32
  }
  func.func @transform_1(%arg0: i32) -> (i32, i32, i32) {
    %c0_i32 = arith.constant 0 : i32
    %c0_i32_0 = arith.constant 0 : i32
    %c0_i32_1 = arith.constant 0 : i32
    return %c0_i32, %arg0, %c0_i32_0 : i32, i32, i32
  }
  func.func @transform_2(%arg0: i32) -> (i32, i32) {
    %c0_i32 = arith.constant 0 : i32
    %c0_i32_0 = arith.constant 0 : i32
    return %arg0, %c0_i32 : i32, i32
  }
  func.func @transform_3(%arg0: i32) -> (i32, i32) {
    %c0_i32 = arith.constant 0 : i32
    %c0_i32_0 = arith.constant 0 : i32
    %c0_i32_1 = arith.constant 0 : i32
    return %c0_i32, %c0_i32_0 : i32, i32
  }
  func.func @transform_4(%arg0: i32) -> (i32, i32) {
    %c0_i32 = arith.constant 0 : i32
    %c0_i32_0 = arith.constant 0 : i32
    %c0_i32_1 = arith.constant 0 : i32
    return %c0_i32, %c0_i32_0 : i32, i32
  }
  func.func @transform_5(%arg0: i32) -> (i32, i32) {
    %c0_i32 = arith.constant 0 : i32
    %c0_i32_0 = arith.constant 0 : i32
    return %arg0, %c0_i32 : i32, i32
  }
}

module attributes {stable_mosaic.version = 14 : i64} {
  func.func @body(%arg0: memref<2x80x128xf32, #tpu.memory_space<vmem>>, %arg1: memref<80x128xf32, #tpu.memory_space<vmem>>, %arg2: memref<80x128xf32, #tpu.memory_space<vmem>>, %arg3: memref<1x1xf32, #tpu.memory_space<vmem>>, %arg4: memref<80x128xf32, #tpu.memory_space<vmem>>) attributes {dimension_semantics = [], scalar_prefetch = 0 : i64, scratch_operands = 0 : i64, tpu.core_type = #tpu.core_type<tc>} {
    %get3A = arith.constant 0 : index
    %get3A_0 = arith.constant 0 : index
    %get3A_1 = arith.constant 0 : index
    %get3A_2 = vector.load %arg0[%get3A, %get3A_0, %get3A_1] : memref<2x80x128xf32, #tpu.memory_space<vmem>>, vector<1x80x128xf32>
    %get3A_3 = vector.shape_cast %get3A_2 : vector<1x80x128xf32> to vector<80x128xf32>
    %get3A_4 = arith.constant 1 : index
    %get3A_5 = arith.constant 0 : index
    %get3A_6 = arith.constant 0 : index
    %get3A_7 = vector.load %arg0[%get3A_4, %get3A_5, %get3A_6] : memref<2x80x128xf32, #tpu.memory_space<vmem>>, vector<1x80x128xf32>
    %get3A_8 = vector.shape_cast %get3A_7 : vector<1x80x128xf32> to vector<80x128xf32>
    %add3A = arith.addf %get3A_3, %get3A_8 : vector<80x128xf32>
    %get3A_9 = arith.constant 0 : index
    %get3A_10 = arith.constant 0 : index
    %get3A_11 = vector.load %arg1[%get3A_9, %get3A_10] : memref<80x128xf32, #tpu.memory_space<vmem>>, vector<80x128xf32>
    %add3A_12 = arith.addf %add3A, %get3A_11 : vector<80x128xf32>
    %get3A_13 = arith.constant 0 : index
    %get3A_14 = arith.constant 0 : index
    %get3A_15 = vector.load %arg2[%get3A_13, %get3A_14] : memref<80x128xf32, #tpu.memory_space<vmem>>, vector<80x128xf32>
    %mul3A = arith.mulf %add3A_12, %get3A_15 : vector<80x128xf32>
    %get3A_16 = arith.constant 0 : index
    %get3A_17 = arith.constant 0 : index
    %get3A_18 = vector.load %arg3[%get3A_16, %get3A_17] : memref<1x1xf32, #tpu.memory_space<vmem>>, vector<1x1xf32>
    %add3A_19 = vector.broadcast %get3A_18 : vector<1x1xf32> to vector<80x128xf32>
    %add3A_20 = arith.addf %mul3A, %add3A_19 : vector<80x128xf32>
    %swap3A = arith.constant 0 : index
    %swap3A_21 = arith.constant 0 : index
    %swap3A_22 = vector.load %arg4[%swap3A, %swap3A_21] : memref<80x128xf32, #tpu.memory_space<vmem>>, vector<80x128xf32>
    tpu.vector_store %arg4[%swap3A, %swap3A_21], %add3A_20 {strides = array<i32>} : memref<80x128xf32, #tpu.memory_space<vmem>>, vector<80x128xf32>,
    return
  }
}

</mosaic_0001>

<sc_bundles>
// kernel: kernel.11.cloned.1.call-start
scs
__scs_entry_jumppad:
0x0: {  	(pc) =	sbr.rel $0x88, $3  }
0x1: {  	(tag) =	ssettag $0x0;
	lr =	simm.s32 $0x1  }
0x2: {  	[smem:$0x3F9B] =	sst lr;
	_ =	strace $0xD0000000  }
0x3: {  	_ = 	snop  }
0x4: {  	_ = 	snop  }
0x5: {  	_ = 	snop  }
0x6: {  	_ = 	snop  }
0x7: {  	_ = 	snop  }
__scs_overlays_trampoline_lowered:
0x8: {  	[smem:$0x3FAA] =	sst s0  }
0x9: {  	[smem:$0x3FAB] =	sst s1  }
0xa: {  	[smem:$0x3FAC] =	sst s2  }
0xb: {  	[smem:$0x3FAD] =	sst s3  }
0xc: {  	[smem:$0x3FAE] =	sst s4  }
0xd: {  	[smem:$0x3FAF] =	sst s5  }
0xe: {  	[smem:$0x3FB0] =	sst s6  }
0xf: {  	[smem:$0x3FB1] =	sst s7  }
0x10: {  	[smem:$0x3FB2] =	sst s8  }
0x11: {  	[smem:$0x3FB3] =	sst s9;
	s0 =	simm.s32 @!p0 $0x0  }
0x12: {  	s1 =	sld [smem:$0x3F99];
	s0 =	simm.s32 @p0 $0x1  }
0x13: {  	[smem:$0x3FB4] =	sst s0;
	s0 =	simm.s32 @!p1 $0x0  }
0x14: {  	s2 =	sld [smem:$0x3F98];
	s0 =	simm.s32 @p1 $0x1  }
0x15: {  	[smem:$0x3FB5] =	sst s0;
	s0 =	simm.s32 @!p2 $0x0  }
0x16: {  	s3 =	sld [smem:$0x3FDB];
	s0 =	simm.s32 @p2 $0x1  }
0x17: {  	s4 =	simm.s32 $0x1BF5;
	[smem:$0x3FB7] =	sst s0  }
0x18: {  	s0 =	sld [smem:$0x3F9A];
	_ =	swait.ge [sflag:s4], $0x0  }
0x19: {  	s7 =	sld [smem:$0x3F9B]  }
0x1a: {  	s8 =	sadd.s32 $0xFFFFE003, lr  }
0x1b: {  	s9 =	sadd.s32 $0xFFFFFEF7, lr;
	s5 =	simm.s32 $0xFFFFFFFF;
	p2 =	slt.u32 s8, $0xFFFFF086  }
0x1c: {  	p1 =	slt.u32 s9, $0xF7A;
	s5 =	simm.s32 @!p2 $0x0  }
0x1d: {  	s5 =	simm.s32 @p1 $0x1;
	p0 =	seq.s32 s7, s2  }
0x1e: {  	s7 =	smul.u32 @!p0 $0xF7A, s2;
	p2 =	seq.s32 @!p0 s5, $0x0  }
0x1f: {  	s9 =	smul.u32 $0xF7A, s1;
	s8 =	simm.s32 @!p0 $0x1BF5;
	p2 =	por !p2, p0  }
0x20: {  	[sflag:s8] =	ssyncset.s32 @!p0 $0xFFFFF086;
	s6 =	sadd.s32 @!p0 s3, s7;
	s7 =	simm.s32 @!p0 $0x108  }
0x21: {  	s3 =	sadd.s32 s3, s9;
	s6 =	sadd.s32 @!p0 $0x88, s6;
	s7 =	simm.s32 @p2 $0x1082  }
0x22: {  	[simem:s7], [sflag:s8] =	dma.local @!p0 [hbm:s6], $0xF7A  }
0x23: {  	s9 =	sor.u32 $0xD0000000, s2;
	s6 =	simm.s32 $0x108;
	_ =	swait.ge @!p0 [sflag:s8], $0x0  }
0x24: {  	s3 =	sadd.s32 $0x88, s3;
	s6 =	simm.s32 @!p1 $0x1082;
	[sflag:s4] =	ssyncset.s32 $0xFFFFF086  }
0x25: {  	[simem:s6], [sflag:s4] =	dma.local [hbm:s3], $0xF7A  }
0x26: {  	[smem:$0x3F9B] =	sst s1;
	(tag) =	ssettag s2;
	_ =	strace s9  }
0x27: {  	s1 =	sld [smem:$0x3FAB]  }
0x28: {  	s2 =	sld [smem:$0x3FAC]  }
0x29: {  	s4 =	sld [smem:$0x3FAE]  }
0x2a: {  	p0 =	seq.s32 s5, $0x0;
	s5 =	sld [smem:$0x3FAF]  }
0x2b: {  	s6 =	sld [smem:$0x3FB0]  }
0x2c: {  	s7 =	sld [smem:$0x3FB1]  }
0x2d: {  	s3 =	simm.s32 $0x108;
	s8 =	sld [smem:$0x3FB2]  }
0x2e: {  	s3 =	simm.s32 @!p0 $0x1082;
	s9 =	sld [smem:$0x3FB3]  }
0x2f: {  	lr =	sadd.s32 s0, s3;
	s0 =	sld [smem:$0x3FAA]  }
0x30: {  	s3 =	sld [smem:$0x3FAD]  }
0x31: {  	[smem:$0x3FB6] =	sst s10  }
0x32: {  	s10 =	sld [smem:$0x3FB4];
	_ =	sdelay $0x3  }
0x33: {  	p0 =	seq.s32 s10, $0x1;
	s10 =	sld [smem:$0x3FB6];
	_ =	sdelay $0x3  }
0x34: {  	[smem:$0x3FB6] =	sst s10  }
0x35: {  	s10 =	sld [smem:$0x3FB5];
	_ =	sdelay $0x3  }
0x36: {  	p1 =	seq.s32 s10, $0x1;
	s10 =	sld [smem:$0x3FB6];
	_ =	sdelay $0x3  }
0x37: {  	[smem:$0x3FB6] =	sst s10  }
0x38: {  	s10 =	sld [smem:$0x3FB7]  }
0x39: {  	_ = 	snop;
	(pc) =	sbr.ind lr, $3  }
0x3a: {  	_ = 	snop  }
0x3b: {  	_ = 	snop  }
0x3c: {  	p2 =	seq.s32 s10, $0x1;
	s10 =	sld [smem:$0x3FB6]  }
0x3d: {  	_ =	shalt  }
0x3e: {  	_ =	shalt  }
0x3f: {  	_ =	shalt  }
0x40: {  	_ =	shalt  }
0x41: {  	_ =	shalt  }
0x42: {  	_ =	shalt  }
0x43: {  	_ =	shalt  }
0x44: {  	_ =	shalt  }
0x45: {  	_ =	shalt  }
0x46: {  	_ =	shalt  }
0x47: {  	_ =	shalt  }
0x48: {  	_ =	shalt  }
0x49: {  	_ =	shalt  }
0x4a: {  	_ =	shalt  }
0x4b: {  	_ =	shalt  }
0x4c: {  	_ =	shalt  }
0x4d: {  	_ =	shalt  }
0x4e: {  	_ =	shalt  }
0x4f: {  	_ =	shalt  }
0x50: {  	_ =	shalt  }
0x51: {  	_ =	shalt  }
0x52: {  	_ =	shalt  }
0x53: {  	_ =	shalt  }
0x54: {  	_ =	shalt  }
0x55: {  	_ =	shalt  }
0x56: {  	_ =	shalt  }
0x57: {  	_ =	shalt  }
0x58: {  	_ =	shalt  }
0x59: {  	_ =	shalt  }
0x5a: {  	_ =	shalt  }
0x5b: {  	_ =	shalt  }
0x5c: {  	_ =	shalt  }
0x5d: {  	_ =	shalt  }
0x5e: {  	_ =	shalt  }
0x5f: {  	_ =	shalt  }
0x60: {  	_ =	shalt  }
0x61: {  	_ =	shalt  }
0x62: {  	_ =	shalt  }
0x63: {  	_ =	shalt  }
0x64: {  	_ =	shalt  }
0x65: {  	_ =	shalt  }
0x66: {  	_ =	shalt  }
0x67: {  	_ =	shalt  }
0x68: {  	_ =	shalt  }
0x69: {  	_ =	shalt  }
0x6a: {  	_ =	shalt  }
0x6b: {  	_ =	shalt  }
0x6c: {  	_ =	shalt  }
0x6d: {  	_ =	shalt  }
0x6e: {  	_ =	shalt  }
0x6f: {  	_ =	shalt  }
0x70: {  	_ =	shalt  }
0x71: {  	_ =	shalt  }
0x72: {  	_ =	shalt  }
0x73: {  	_ =	shalt  }
0x74: {  	_ =	shalt  }
0x75: {  	_ =	shalt  }
0x76: {  	_ =	shalt  }
0x77: {  	_ =	shalt  }
0x78: {  	_ =	shalt  }
0x79: {  	_ =	shalt  }
0x7a: {  	_ =	shalt  }
0x7b: {  	_ =	shalt  }
0x7c: {  	_ =	shalt  }
0x7d: {  	_ =	shalt  }
0x7e: {  	_ =	shalt  }
0x7f: {  	_ =	shalt  }
0x80: {  	_ =	shalt  }
0x81: {  	_ =	shalt  }
0x82: {  	_ =	shalt  }
0x83: {  	_ =	shalt  }
0x84: {  	_ =	shalt  }
0x85: {  	_ =	shalt  }
0x86: {  	_ =	shalt  }
0x87: {  	_ =	shalt  }
.Lfunc_end0:
.L_simem_size_0:
called_computation.1_lowered:
.L_overlay_start_0:
0x88: {  	s2 =	sld [smem:$0x3FD9]  }
0x89: {  	s3 =	sld [smem:$0x3FFE];
	_ =	sdelay $0x1  }
0x8a: {  	s1 =	srdreg.scid  }
0x8b: {  	s0 =	sand.u32 $0x1, s1  }
0x8c: {  	s16 =	sshll.u32 s0, $0xA;
	s2 =	sadd.s32 s3, s2  }
0x8d: {  	s2 =	sadd.s32 s2, s16  }
0x8e: {  	[smem:$0x3FC2] =	sst s2  }
0x8f: {  	_ = 	snop  }
0x90: {  	(tm) =	ssettm $0x1  }
0x91: {  	s17 =	sld [smem:$0x3FFB];
	_ =	sdelay $0x3  }
0x92: {  	_ =	strace s17  }
0x93: {  	s2 =	sld [smem:$0x3FFC];
	_ =	sdelay $0x3  }
0x94: {  	_ =	strace s2  }
0x95: {  	s2 =	sld [smem:$0x3FFD];
	_ =	sdelay $0x3  }
0x96: {  	_ =	strace s2  }
0x97: {  	_ =	strace $0x8FFFFFFF  }
0x98: {  	s18 =	sld [smem:$0x3FDB];
	_ =	sdelay $0x1  }
0x99: {  	s19 =	simm.s32 $_scs_section_size  }
0x9a: {  	s4 =	simm.s32 $_size__tile_overlayer_lowered;
	s5 =	simm.s32 $_tile_overlayer_lowered  }
0x9b: {  	s22 =	simm.s32 $0x1BFF;
	s21 =	sshll.u32 s5, $0x1;
	s2 =	sadd.s32 s19, s18  }
0x9c: {  	s6 =	simm.s32 $0x0;
	s20 =	sshll.u32 s4, $0x1;
	s4 =	sadd.s32 s21, s2  }
0x9d: {  	[timem:s6], [sflag:s22] =	dma.local [hbm:s4], s20  }
0x9e: {  	_ =	swait.ge [sflag:s22], s20  }
0x9f: {  	s3 =	ssub.s32 $0x0, s20;
	[sflag:s22] =	ssyncset.done $0x0  }
0xa0: {  	[sflag:s22] =	ssyncadd.s32 s3;
	_ =	sdelay $0x1  }
0xa1: {  	s23 =	simm.s32 $0x1B8B  }
0xa2: {  	_ =	swait.ge [sflag:s23], $0x1  }
0xa3: {  	[sflag:s23] =	ssyncset.done $0x0  }
0xa4: {  	s25 =	simm.s32 $0x1B8E;
	s24 =	sld [smem:$0x3FFE];
	[sflag:s23] =	ssyncadd.s32 $0xFFFFFFFF  }
0xa5: {  	s26 =	simm.s32 $execute0_lowered;
	[smem:$0x3FD2] =	sst s25  }
0xa6: {  	s4 =	sshll.u32 s26, $0x1;
	_ =	strace $0x80000049;
	[dreg:$0x1] =	wrdreg $0xFFFFFFFF  }
0xa7: {  	s28 =	simm.s32 $_size_execute0_lowered;
	s2 =	sadd.s32 s2, s4;
	[dreg:$0x0] =	wrdreg $0x0  }
0xa8: {  	s4 =	sshll.u32 s28, $0x1;
	[dreg:$0x2] =	wrdreg s2  }
0xa9: {  	[dreg:$0x3] =	wrdreg s4  }
0xaa: {  	[dreg:$0x4] =	wrdreg $0xC0  }
0xab: {  	_ =	task [dreg:s6], $0x5FFFF  }
0xac: {  	[dreg:$0x1] =	wrdreg $0xFFFFFFFF  }
0xad: {  	[dreg:$0x0] =	wrdreg $0x60  }
0xae: {  	[dreg:$0x2] =	wrdreg s24  }
0xaf: {  	[dreg:$0x3] =	wrdreg $0xA0000  }
0xb0: {  	[dreg:$0x4] =	wrdreg $0x0  }
0xb1: {  	[dreg:$0x5] =	wrdreg $0x9  }
0xb2: {  	_ =	task.clear_ibuf [dreg:s6], $0x6FFFF;
	_ =	strace $0x90000049  }
0xb3: {  	s29 =	simm.s32 $0x9;
	_ =	strace $0x8000004B  }
0xb4: {  	_ =	swait.ge [sflag:s29], $0x1  }
0xb5: {  	[sflag:s29] =	ssyncadd.s32 $0xFFFFFFFF  }
0xb6: {  	_ =	strace $0x9000004B  }
0xb7: {  	_ =	sfence  }
0xb8: {  	s30 =	sld [smem:$0x0];
	_ =	sdelay $0x2  }
0xb9: {  	s31 =	sshll.u32 s1, $0xD;
	s1 =	sshrl.u32 s1, $0x2  }
0xba: {  	s3 =	sand.u32 $0x4000, s31;
	s1 =	sadd.s32 s1, s30  }
0xbb: {  	s0 =	sor.u32 s3, s0;
	s1 =	sshll.u32 s1, $0x11  }
0xbc: {  	s0 =	sor.u32 s1, s0  }
0xbd: {  	s0 =	sadd.s32 $0x8F2B, s0  }
0xbe: {  	[sflag:s0] =	ssyncadd.remote.s32 $0x1  }
0xbf: {  	_ =	sfence.sel $0xFFFF  }
0xc0: {  	[dreg:$0x0] =	wrdreg $0xFFFFFFFF;
	(pc) =	sbr.abs _section_cstart, $3  }
0xc1: {  	[dreg:$0x1] =	wrdreg $0xFFFFFFFF  }
0xc2: {  	_ =	task.clear_ibuf [dreg:s6], $0x2FFFF;
	_ =	strace $0x9FFFFFFF  }
0xc3: {  	(tm) =	ssettm $0x7FFFFFFF  }
tec
execute0_lowered:
.L_overlay_start_1:
0x0: {  	(tag) =	ssettag $0x1  }
0x1: {  	s0 =	rddreg [dreg:$0x0]  }
0x2: {  	s1 =	rddreg [dreg:$0x1]  }
0x3: {  	s2 =	rddreg [dreg:$0x2];
	s12 =	stileid.u32  }
0x4: {  	s3 =	srdreg.scid;
	s4 =	simm.s32 $0x0;
	s6 =	smul.u32 $0x280, s12  }
0x5: {  	s28 =	simm.s32 $0x80;
	s29 =	simm.s32 $0x1;
	s7 =	smul.u32 $0xA000, s12  }
0x6: {  	s30 =	simm.s32 $0x18800;
	s31 =	simm.s32 $0x2;
	s9 =	smul.u32 $0x28000, s12  }
0x7: {  	s3 =	sand.u32 $0x1, s3;
	[smem:$0x7FF] =	sst s4;
	s10 =	smul.u32 $0x5000, s12  }
0x8: {  	s8 =	sadd.s32 $0xBC00, s0;
	s19 =	sadd.s32 $0x1200, s0;
	s24 =	smul.u32 $0xA00, s12  }
0x9: {  	s21 =	sshll.u32 s12, $0x6;
	s5 =	smul.u32 $0x2800, s3;
	s3 =	ssub.s32 $0x2, s3  }
0xa: {  	_ =	strace $0x8000004A;
	s17 =	sshrl.u32 s3, $0x1;
	s20 =	sshrl.u32 s9, $0x2  }
0xb: {  	s16 =	sshrl.u32 s10, $0x3;
	s12 =	sadd.s32 s8, s24;
	s13 =	sadd.s32 s19, s24  }
0xc: {  	s24 =	simm.s32 $0x16800;
	s5 =	sadd.s32 s6, s5;
	s3 =	ssub.s32 s3, s17  }
0xd: {  	s11 =	sadd.s32 s20, s2;
	s6 =	sor.u32 $0x1C03, s21;
	s15 =	sadd.s32 $0x280, s16  }
0xe: {  	s26 =	sadd.s32 $0x500, s16;
	s20 =	sadd.s32 $0x780, s16;
	s5 =	sshll.u32 s5, $0x3  }
0xf: {  	s22 =	sadd.s32 $0x2000, s11;
	s23 =	sadd.s32 $0x4000, s11;
	s25 =	sadd.s32 $0x6000, s11  }
0x10: {  	s11 =	sadd.s32 $0x8000, s11;
	s14 =	sadd.s32 s8, s15;
	s15 =	sadd.s32 s19, s15  }
0x11: {  	s16 =	sadd.s32 s8, s26;
	s17 =	sadd.s32 s19, s26;
	s19 =	sadd.s32 s19, s20  }
0x12: {  	s21 =	smax.u32 s3, $0x1;
	s26 =	simm.s32 $0x15400;
	[dreg:$0x5] =	wrdreg s22  }
0x13: {  	s3 =	simm.s32 $0x16700;
	s0 =	sadd.s32 s5, s0;
	[dreg:$0x6] =	wrdreg s23  }
0x14: {  	s5 =	sadd.s32 s7, s1;
	s7 =	sadd.s32 s7, s2;
	[dreg:$0x7] =	wrdreg s25  }
0x15: {  	s23 =	simm.s32 $0x3;
	s25 =	simm.s32 $0x14000;
	s18 =	sadd.s32 $0x8DC00, s0  }
0x16: {  	s22 =	sshrl.u32 s5, $0x3;
	s5 =	simm.s32 $0x16780;
	[dreg:$0x4] =	wrdreg s18  }
0x17: {  	v0 =	vimm.f32 $0.0e+00;
	s18 =	sadd.s32 s8, s20;
	s20 =	sadd.s32 $0xB5C00, s0;
	s0 =	simm.s32 $0x15380  }
.LBB2_1:
0x18: {  	s8 =	rddreg [dreg:$0x4]  }
0x19: {  	[spmem:s22], [sflag:s6] =	dma.local [hbm:s8], $0x1400  }
0x1a: {  	_ =	swait.ge [sflag:s23], $0x1400  }
0x1b: {  	[sflag:s23] =	ssyncset.done $0x0  }
0x1c: {  	s9 =	simm.s32 $0x100;
	s8 =	simm.s32 $0x0;
	[sflag:s23] =	ssyncadd.s32 $0xFFFFEC00  }
.LBB2_2:
0x1d: {  	p0 =	sne.s32 s9, $0x7F00;
	[tilespmem:s8+$0x16830] =	vst v0;
	s10 =	smov.u32 s9;
	s9 =	sadd.s32 $0x100, s9  }
.Ltmp0:
0x1e: {  	[tilespmem:s8+$0x16820] =	vst v0;
	(pc) =	sbr.rel @p0 .LBB2_2-.Ltmp0, $3  }
0x1f: {  	[tilespmem:s8+$0x16800] =	vst v0  }
0x20: {  	[tilespmem:s8+$0x16810] =	vst v0;
	_ =	sdelay $0x1  }
0x21: {  	s8 =	sshra.s32 s10, $0x2  }
0x22: {  	[tilespmem:s8+$0x16830] =	vst v0  }
0x23: {  	[tilespmem:s8+$0x16820] =	vst v0  }
0x24: {  	[tilespmem:s8+$0x16800] =	vst v0  }
0x25: {  	[tilespmem:s8+$0x16810] =	vst v0  }
0x26: {  	[spmem:s7] =	stream.linear.scatter [tilespmem:s24], [sflag:$0x3], $0x2000, $0x38;
	[tilespmem:$0x1A800] =	vst v63  }
0x27: {  	_ =	swait.ge [sflag:s23], $0x2000  }
0x28: {  	[sflag:s23] =	ssyncset.done $0x0  }
0x29: {  	s9 =	rddreg [dreg:$0x5];
	[sflag:s23] =	ssyncadd.s32 $0xFFFFE000  }
0x2a: {  	[spmem:s9] =	stream.linear.scatter [tilespmem:s24], [sflag:$0x3], $0x2000, $0x38;
	[tilespmem:$0x1A800] =	vst v63  }
0x2b: {  	_ =	swait.ge [sflag:s23], $0x2000  }
0x2c: {  	[sflag:s23] =	ssyncset.done $0x0  }
0x2d: {  	s10 =	rddreg [dreg:$0x6];
	[sflag:s23] =	ssyncadd.s32 $0xFFFFE000  }
0x2e: {  	[spmem:s10] =	stream.linear.scatter [tilespmem:s24], [sflag:$0x3], $0x2000, $0x38;
	[tilespmem:$0x1A800] =	vst v63  }
0x2f: {  	_ =	swait.ge [sflag:s23], $0x2000  }
0x30: {  	[sflag:s23] =	ssyncset.done $0x0  }
0x31: {  	s9 =	rddreg [dreg:$0x7];
	[sflag:s23] =	ssyncadd.s32 $0xFFFFE000  }
0x32: {  	[spmem:s9] =	stream.linear.scatter [tilespmem:s24], [sflag:$0x3], $0x2000, $0x38;
	[tilespmem:$0x1A800] =	vst v63  }
0x33: {  	_ =	swait.ge [sflag:s23], $0x2000  }
0x34: {  	[sflag:s23] =	ssyncset.done $0x0  }
0x35: {  	[sflag:s23] =	ssyncadd.s32 $0xFFFFE000  }
0x36: {  	[spmem:s11] =	stream.linear.scatter [tilespmem:s24], [sflag:$0x3], $0x2000, $0x38;
	[tilespmem:$0x1A800] =	vst v63  }
0x37: {  	_ =	swait.ge [sflag:s23], $0x2000  }
0x38: {  	[sflag:s23] =	ssyncset.done $0x0  }
0x39: {  	[sflag:s23] =	ssyncadd.s32 $0xFFFFE000  }
0x3a: {  	s10 =	simm.s32 $0x0;
	[bflag:$0x0] =	sbarrier.arrive $0xFFFF  }
0x3b: {  	[tilespmem:s25], [sflag:$0x3] =	stream.linear.gather [hbm4b:s12+s10], $0x1400, $0x38;
	[tilespmem:$0x1A800] =	vst v63  }
0x3c: {  	_ =	swait.ge [sflag:s23], $0x1400  }
0x3d: {  	[sflag:s23] =	ssyncset.done $0x0  }
0x3e: {  	[sflag:s23] =	ssyncadd.s32 $0xFFFFEC00  }
0x3f: {  	[tilespmem:s26], [sflag:$0x3] =	stream.linear.gather [hbm4b:s13+s10], $0x1400, $0x38;
	[tilespmem:$0x1A800] =	vst v63  }
0x40: {  	_ =	swait.ge [sflag:s23], $0x1400  }
0x41: {  	[sflag:s23] =	ssyncset.done $0x0  }
0x42: {  	[sflag:s23] =	ssyncadd.s32 $0xFFFFEC00  }
0x43: {  	[tilespmem:s24], [sflag:$0x1] =	stream.indirect.gather [spmem:s1], $0x40, s25, s28, $0xb8;
	[tilespmem:$0x1A800] =	vst v63  }
0x44: {  	_ =	swait.ge [sflag:s29], $0x2000  }
0x45: {  	[sflag:s29] =	ssyncset.done $0x0  }
0x46: {  	s9 =	simm.s32 $0x14080;
	[sflag:s29] =	ssyncadd.s32 $0xFFFFE000  }
0x47: {  	[tilespmem:s30], [sflag:$0x2] =	stream.indirect.gather [spmem:s1], $0x40, s9, s28, $0xb8;
	[tilespmem:$0x1A800] =	vst v63  }
0x48: {  	s10 =	simm.s32 $0x15400  }
0x49: {  	[spmem:s2] =	stream.indirect.scatter.add.f32 [tilespmem:s24], [sflag:$0x3], $0x40, s10, s28, $0xb8;
	[tilespmem:$0x1A800] =	vst v63  }
0x4a: {  	_ =	swait.ge [sflag:s23], $0x2000  }
0x4b: {  	[sflag:s23] =	ssyncset.done $0x0  }
0x4c: {  	[sflag:s23] =	ssyncadd.s32 $0xFFFFE000  }
0x4d: {  	_ =	swait.ge [sflag:s31], $0x2000  }
0x4e: {  	[sflag:s31] =	ssyncset.done $0x0  }
0x4f: {  	s9 =	simm.s32 $0x14100;
	[sflag:s31] =	ssyncadd.s32 $0xFFFFE000  }
0x50: {  	[tilespmem:s24], [sflag:$0x1] =	stream.indirect.gather [spmem:s1], $0x40, s9, s28, $0xb8;
	[tilespmem:$0x1A800] =	vst v63  }
0x51: {  	s10 =	simm.s32 $0x15480  }
0x52: {  	[spmem:s2] =	stream.indirect.scatter.add.f32 [tilespmem:s30], [sflag:$0x3], $0x40, s10, s28, $0xb8;
	[tilespmem:$0x1A800] =	vst v63  }
0x53: {  	_ =	swait.ge [sflag:s23], $0x2000  }
0x54: {  	s8 =	simm.s32 $0x400;
	[sflag:s23] =	ssyncset.done $0x0  }
.LBB2_4:
0x55: {  	p0 =	sne.s32 s8, $0x4800  }
0x56: {  	[sflag:s23] =	ssyncadd.s32 $0xFFFFE000;
	s9 =	smov.u32 s8;
	s8 =	sadd.s32 $0x400, s8  }
0x57: {  	_ = 	snop  }
0x58: {  	_ =	swait.ge [sflag:s29], $0x2000  }
0x59: {  	s9 =	sshra.s32 s9, $0x2;
	[sflag:s29] =	ssyncset.done $0x0  }
0x5a: {  	s10 =	sadd.s32 $0x14080, s9;
	[sflag:s29] =	ssyncadd.s32 $0xFFFFE000  }
0x5b: {  	[tilespmem:s30], [sflag:$0x2] =	stream.indirect.gather [spmem:s1], $0x40, s10, s28, $0xb8;
	[tilespmem:$0x1A800] =	vst v63  }
0x5c: {  	s10 =	sadd.s32 $0x15400, s9  }
0x5d: {  	[spmem:s2] =	stream.indirect.scatter.add.f32 [tilespmem:s24], [sflag:$0x3], $0x40, s10, s28, $0xb8;
	[tilespmem:$0x1A800] =	vst v63  }
0x5e: {  	_ =	swait.ge [sflag:s23], $0x2000  }
0x5f: {  	[sflag:s23] =	ssyncset.done $0x0  }
0x60: {  	[sflag:s23] =	ssyncadd.s32 $0xFFFFE000  }
0x61: {  	_ =	swait.ge [sflag:s31], $0x2000  }
0x62: {  	[sflag:s31] =	ssyncset.done $0x0  }
0x63: {  	s10 =	sadd.s32 $0x14100, s9;
	[sflag:s31] =	ssyncadd.s32 $0xFFFFE000  }
0x64: {  	[tilespmem:s24], [sflag:$0x1] =	stream.indirect.gather [spmem:s1], $0x40, s10, s28, $0xb8;
	[tilespmem:$0x1A800] =	vst v63  }
.Ltmp1:
0x65: {  	_ = 	snop;
	(pc) =	sbr.rel @p0 .LBB2_4-.Ltmp1, $4  }
0x66: {  	s9 =	sadd.s32 $0x15480, s9  }
0x67: {  	[spmem:s2] =	stream.indirect.scatter.add.f32 [tilespmem:s30], [sflag:$0x3], $0x40, s9, s28, $0xb8;
	[tilespmem:$0x1A800] =	vst v63  }
0x68: {  	_ =	swait.ge [sflag:s23], $0x2000  }
0x69: {  	[sflag:s23] =	ssyncset.done $0x0  }
0x6a: {  	[sflag:s23] =	ssyncadd.s32 $0xFFFFE000  }
0x6b: {  	_ =	swait.ge [sflag:s29], $0x2000  }
0x6c: {  	[sflag:s29] =	ssyncset.done $0x0  }
0x6d: {  	[sflag:s29] =	ssyncadd.s32 $0xFFFFE000  }
0x6e: {  	[tilespmem:s30], [sflag:$0x2] =	stream.indirect.gather [spmem:s1], $0x40, s0, s28, $0xb8;
	[tilespmem:$0x1A800] =	vst v63  }
0x6f: {  	_ = 	snop  }
0x70: {  	[spmem:s2] =	stream.indirect.scatter.add.f32 [tilespmem:s24], [sflag:$0x3], $0x40, s3, s28, $0xb8;
	[tilespmem:$0x1A800] =	vst v63  }
0x71: {  	_ =	swait.ge [sflag:s23], $0x2000  }
0x72: {  	[sflag:s23] =	ssyncset.done $0x0  }
0x73: {  	[sflag:s23] =	ssyncadd.s32 $0xFFFFE000  }
0x74: {  	_ =	swait.ge [sflag:s31], $0x2000  }
0x75: {  	[sflag:s31] =	ssyncset.done $0x0  }
0x76: {  	[sflag:s31] =	ssyncadd.s32 $0xFFFFE000  }
0x77: {  	[spmem:s2] =	stream.indirect.scatter.add.f32 [tilespmem:s30], [sflag:$0x3], $0x40, s5, s28, $0xb8;
	[tilespmem:$0x1A800] =	vst v63  }
0x78: {  	_ =	swait.ge [sflag:s23], $0x2000  }
0x79: {  	[sflag:s23] =	ssyncset.done $0x0  }
0x7a: {  	s8 =	simm.s32 $0x0;
	[sflag:s23] =	ssyncadd.s32 $0xFFFFE000  }
0x7b: {  	[tilespmem:s25], [sflag:$0x3] =	stream.linear.gather [hbm4b:s14+s8], $0x1400, $0x38;
	[tilespmem:$0x1A800] =	vst v63  }
0x7c: {  	_ =	swait.ge [sflag:s23], $0x1400  }
0x7d: {  	[sflag:s23] =	ssyncset.done $0x0  }
0x7e: {  	[sflag:s23] =	ssyncadd.s32 $0xFFFFEC00  }
0x7f: {  	[tilespmem:s26], [sflag:$0x3] =	stream.linear.gather [hbm4b:s15+s8], $0x1400, $0x38;
	[tilespmem:$0x1A800] =	vst v63  }
0x80: {  	_ =	swait.ge [sflag:s23], $0x1400  }
0x81: {  	[sflag:s23] =	ssyncset.done $0x0  }
0x82: {  	[sflag:s23] =	ssyncadd.s32 $0xFFFFEC00  }
0x83: {  	[tilespmem:s24], [sflag:$0x1] =	stream.indirect.gather [spmem:s1], $0x40, s25, s28, $0xb8;
	[tilespmem:$0x1A800] =	vst v63  }
0x84: {  	_ =	swait.ge [sflag:s29], $0x2000  }
0x85: {  	[sflag:s29] =	ssyncset.done $0x0  }
0x86: {  	s9 =	simm.s32 $0x14080;
	[sflag:s29] =	ssyncadd.s32 $0xFFFFE000  }
0x87: {  	[tilespmem:s30], [sflag:$0x2] =	stream.indirect.gather [spmem:s1], $0x40, s9, s28, $0xb8;
	[tilespmem:$0x1A800] =	vst v63  }
0x88: {  	s10 =	simm.s32 $0x15400  }
0x89: {  	[spmem:s2] =	stream.indirect.scatter.add.f32 [tilespmem:s24], [sflag:$0x3], $0x40, s10, s28, $0xb8;
	[tilespmem:$0x1A800] =	vst v63  }
0x8a: {  	_ =	swait.ge [sflag:s23], $0x2000  }
0x8b: {  	[sflag:s23] =	ssyncset.done $0x0  }
0x8c: {  	[sflag:s23] =	ssyncadd.s32 $0xFFFFE000  }
0x8d: {  	_ =	swait.ge [sflag:s31], $0x2000  }
0x8e: {  	[sflag:s31] =	ssyncset.done $0x0  }
0x8f: {  	s9 =	simm.s32 $0x14100;
	[sflag:s31] =	ssyncadd.s32 $0xFFFFE000  }
0x90: {  	[tilespmem:s24], [sflag:$0x1] =	stream.indirect.gather [spmem:s1], $0x40, s9, s28, $0xb8;
	[tilespmem:$0x1A800] =	vst v63  }
0x91: {  	s10 =	simm.s32 $0x15480  }
0x92: {  	[spmem:s2] =	stream.indirect.scatter.add.f32 [tilespmem:s30], [sflag:$0x3], $0x40, s10, s28, $0xb8;
	[tilespmem:$0x1A800] =	vst v63  }
0x93: {  	_ =	swait.ge [sflag:s23], $0x2000  }
0x94: {  	s8 =	simm.s32 $0x400;
	[sflag:s23] =	ssyncset.done $0x0  }
.LBB2_6:
0x95: {  	p0 =	sne.s32 s8, $0x4800  }
0x96: {  	[sflag:s23] =	ssyncadd.s32 $0xFFFFE000;
	s9 =	smov.u32 s8;
	s8 =	sadd.s32 $0x400, s8  }
0x97: {  	_ = 	snop  }
0x98: {  	_ =	swait.ge [sflag:s29], $0x2000  }
0x99: {  	s9 =	sshra.s32 s9, $0x2;
	[sflag:s29] =	ssyncset.done $0x0  }
0x9a: {  	s10 =	sadd.s32 $0x14080, s9;
	[sflag:s29] =	ssyncadd.s32 $0xFFFFE000  }
0x9b: {  	[tilespmem:s30], [sflag:$0x2] =	stream.indirect.gather [spmem:s1], $0x40, s10, s28, $0xb8;
	[tilespmem:$0x1A800] =	vst v63  }
0x9c: {  	s10 =	sadd.s32 $0x15400, s9  }
0x9d: {  	[spmem:s2] =	stream.indirect.scatter.add.f32 [tilespmem:s24], [sflag:$0x3], $0x40, s10, s28, $0xb8;
	[tilespmem:$0x1A800] =	vst v63  }
0x9e: {  	_ =	swait.ge [sflag:s23], $0x2000  }
0x9f: {  	[sflag:s23] =	ssyncset.done $0x0  }
0xa0: {  	[sflag:s23] =	ssyncadd.s32 $0xFFFFE000  }
0xa1: {  	_ =	swait.ge [sflag:s31], $0x2000  }
0xa2: {  	[sflag:s31] =	ssyncset.done $0x0  }
0xa3: {  	s10 =	sadd.s32 $0x14100, s9;
	[sflag:s31] =	ssyncadd.s32 $0xFFFFE000  }
0xa4: {  	[tilespmem:s24], [sflag:$0x1] =	stream.indirect.gather [spmem:s1], $0x40, s10, s28, $0xb8;
	[tilespmem:$0x1A800] =	vst v63  }
.Ltmp2:
0xa5: {  	_ = 	snop;
	(pc) =	sbr.rel @p0 .LBB2_6-.Ltmp2, $4  }
0xa6: {  	s9 =	sadd.s32 $0x15480, s9  }
0xa7: {  	[spmem:s2] =	stream.indirect.scatter.add.f32 [tilespmem:s30], [sflag:$0x3], $0x40, s9, s28, $0xb8;
	[tilespmem:$0x1A800] =	vst v63  }
0xa8: {  	_ =	swait.ge [sflag:s23], $0x2000  }
0xa9: {  	[sflag:s23] =	ssyncset.done $0x0  }
0xaa: {  	[sflag:s23] =	ssyncadd.s32 $0xFFFFE000  }
0xab: {  	_ =	swait.ge [sflag:s29], $0x2000  }
0xac: {  	[sflag:s29] =	ssyncset.done $0x0  }
0xad: {  	[sflag:s29] =	ssyncadd.s32 $0xFFFFE000  }
0xae: {  	[tilespmem:s30], [sflag:$0x2] =	stream.indirect.gather [spmem:s1], $0x40, s0, s28, $0xb8;
	[tilespmem:$0x1A800] =	vst v63  }
0xaf: {  	_ = 	snop  }
0xb0: {  	[spmem:s2] =	stream.indirect.scatter.add.f32 [tilespmem:s24], [sflag:$0x3], $0x40, s3, s28, $0xb8;
	[tilespmem:$0x1A800] =	vst v63  }
0xb1: {  	_ =	swait.ge [sflag:s23], $0x2000  }
0xb2: {  	[sflag:s23] =	ssyncset.done $0x0  }
0xb3: {  	[sflag:s23] =	ssyncadd.s32 $0xFFFFE000  }
0xb4: {  	_ =	swait.ge [sflag:s31], $0x2000  }
0xb5: {  	[sflag:s31] =	ssyncset.done $0x0  }
0xb6: {  	[sflag:s31] =	ssyncadd.s32 $0xFFFFE000  }
0xb7: {  	[spmem:s2] =	stream.indirect.scatter.add.f32 [tilespmem:s30], [sflag:$0x3], $0x40, s5, s28, $0xb8;
	[tilespmem:$0x1A800] =	vst v63  }
0xb8: {  	_ =	swait.ge [sflag:s23], $0x2000  }
0xb9: {  	[sflag:s23] =	ssyncset.done $0x0  }
0xba: {  	s8 =	simm.s32 $0x0;
	[sflag:s23] =	ssyncadd.s32 $0xFFFFE000  }
0xbb: {  	[tilespmem:s25], [sflag:$0x3] =	stream.linear.gather [hbm4b:s16+s8], $0x1400, $0x38;
	[tilespmem:$0x1A800] =	vst v63  }
0xbc: {  	_ =	swait.ge [sflag:s23], $0x1400  }
0xbd: {  	[sflag:s23] =	ssyncset.done $0x0  }
0xbe: {  	[sflag:s23] =	ssyncadd.s32 $0xFFFFEC00  }
0xbf: {  	[tilespmem:s26], [sflag:$0x3] =	stream.linear.gather [hbm4b:s17+s8], $0x1400, $0x38;
	[tilespmem:$0x1A800] =	vst v63  }
0xc0: {  	_ =	swait.ge [sflag:s23], $0x1400  }
0xc1: {  	[sflag:s23] =	ssyncset.done $0x0  }
0xc2: {  	[sflag:s23] =	ssyncadd.s32 $0xFFFFEC00  }
0xc3: {  	[tilespmem:s24], [sflag:$0x1] =	stream.indirect.gather [spmem:s1], $0x40, s25, s28, $0xb8;
	[tilespmem:$0x1A800] =	vst v63  }
0xc4: {  	_ =	swait.ge [sflag:s29], $0x2000  }
0xc5: {  	[sflag:s29] =	ssyncset.done $0x0  }
0xc6: {  	s9 =	simm.s32 $0x14080;
	[sflag:s29] =	ssyncadd.s32 $0xFFFFE000  }
0xc7: {  	[tilespmem:s30], [sflag:$0x2] =	stream.indirect.gather [spmem:s1], $0x40, s9, s28, $0xb8;
	[tilespmem:$0x1A800] =	vst v63  }
0xc8: {  	s10 =	simm.s32 $0x15400  }
0xc9: {  	[spmem:s2] =	stream.indirect.scatter.add.f32 [tilespmem:s24], [sflag:$0x3], $0x40, s10, s28, $0xb8;
	[tilespmem:$0x1A800] =	vst v63  }
0xca: {  	_ =	swait.ge [sflag:s23], $0x2000  }
0xcb: {  	[sflag:s23] =	ssyncset.done $0x0  }
0xcc: {  	[sflag:s23] =	ssyncadd.s32 $0xFFFFE000  }
0xcd: {  	_ =	swait.ge [sflag:s31], $0x2000  }
0xce: {  	[sflag:s31] =	ssyncset.done $0x0  }
0xcf: {  	s9 =	simm.s32 $0x14100;
	[sflag:s31] =	ssyncadd.s32 $0xFFFFE000  }
0xd0: {  	[tilespmem:s24], [sflag:$0x1] =	stream.indirect.gather [spmem:s1], $0x40, s9, s28, $0xb8;
	[tilespmem:$0x1A800] =	vst v63  }
0xd1: {  	s10 =	simm.s32 $0x15480  }
0xd2: {  	[spmem:s2] =	stream.indirect.scatter.add.f32 [tilespmem:s30], [sflag:$0x3], $0x40, s10, s28, $0xb8;
	[tilespmem:$0x1A800] =	vst v63  }
0xd3: {  	_ =	swait.ge [sflag:s23], $0x2000  }
0xd4: {  	s8 =	simm.s32 $0x400;
	[sflag:s23] =	ssyncset.done $0x0  }
.LBB2_8:
0xd5: {  	p0 =	sne.s32 s8, $0x4800  }
0xd6: {  	[sflag:s23] =	ssyncadd.s32 $0xFFFFE000;
	s9 =	smov.u32 s8;
	s8 =	sadd.s32 $0x400, s8  }
0xd7: {  	_ = 	snop  }
0xd8: {  	_ =	swait.ge [sflag:s29], $0x2000  }
0xd9: {  	s9 =	sshra.s32 s9, $0x2;
	[sflag:s29] =	ssyncset.done $0x0  }
0xda: {  	s10 =	sadd.s32 $0x14080, s9;
	[sflag:s29] =	ssyncadd.s32 $0xFFFFE000  }
0xdb: {  	[tilespmem:s30], [sflag:$0x2] =	stream.indirect.gather [spmem:s1], $0x40, s10, s28, $0xb8;
	[tilespmem:$0x1A800] =	vst v63  }
0xdc: {  	s10 =	sadd.s32 $0x15400, s9  }
0xdd: {  	[spmem:s2] =	stream.indirect.scatter.add.f32 [tilespmem:s24], [sflag:$0x3], $0x40, s10, s28, $0xb8;
	[tilespmem:$0x1A800] =	vst v63  }
0xde: {  	_ =	swait.ge [sflag:s23], $0x2000  }
0xdf: {  	[sflag:s23] =	ssyncset.done $0x0  }
0xe0: {  	[sflag:s23] =	ssyncadd.s32 $0xFFFFE000  }
0xe1: {  	_ =	swait.ge [sflag:s31], $0x2000  }
0xe2: {  	[sflag:s31] =	ssyncset.done $0x0  }
0xe3: {  	s10 =	sadd.s32 $0x14100, s9;
	[sflag:s31] =	ssyncadd.s32 $0xFFFFE000  }
0xe4: {  	[tilespmem:s24], [sflag:$0x1] =	stream.indirect.gather [spmem:s1], $0x40, s10, s28, $0xb8;
	[tilespmem:$0x1A800] =	vst v63  }
.Ltmp3:
0xe5: {  	_ = 	snop;
	(pc) =	sbr.rel @p0 .LBB2_8-.Ltmp3, $4  }
0xe6: {  	s9 =	sadd.s32 $0x15480, s9  }
0xe7: {  	[spmem:s2] =	stream.indirect.scatter.add.f32 [tilespmem:s30], [sflag:$0x3], $0x40, s9, s28, $0xb8;
	[tilespmem:$0x1A800] =	vst v63  }
0xe8: {  	_ =	swait.ge [sflag:s23], $0x2000  }
0xe9: {  	[sflag:s23] =	ssyncset.done $0x0  }
0xea: {  	[sflag:s23] =	ssyncadd.s32 $0xFFFFE000  }
0xeb: {  	_ =	swait.ge [sflag:s29], $0x2000  }
0xec: {  	[sflag:s29] =	ssyncset.done $0x0  }
0xed: {  	[sflag:s29] =	ssyncadd.s32 $0xFFFFE000  }
0xee: {  	[tilespmem:s30], [sflag:$0x2] =	stream.indirect.gather [spmem:s1], $0x40, s0, s28, $0xb8;
	[tilespmem:$0x1A800] =	vst v63  }
0xef: {  	_ = 	snop  }
0xf0: {  	[spmem:s2] =	stream.indirect.scatter.add.f32 [tilespmem:s24], [sflag:$0x3], $0x40, s3, s28, $0xb8;
	[tilespmem:$0x1A800] =	vst v63  }
0xf1: {  	_ =	swait.ge [sflag:s23], $0x2000  }
0xf2: {  	[sflag:s23] =	ssyncset.done $0x0  }
0xf3: {  	[sflag:s23] =	ssyncadd.s32 $0xFFFFE000  }
0xf4: {  	_ =	swait.ge [sflag:s31], $0x2000  }
0xf5: {  	[sflag:s31] =	ssyncset.done $0x0  }
0xf6: {  	[sflag:s31] =	ssyncadd.s32 $0xFFFFE000  }
0xf7: {  	[spmem:s2] =	stream.indirect.scatter.add.f32 [tilespmem:s30], [sflag:$0x3], $0x40, s5, s28, $0xb8;
	[tilespmem:$0x1A800] =	vst v63  }
0xf8: {  	_ =	swait.ge [sflag:s23], $0x2000  }
0xf9: {  	[sflag:s23] =	ssyncset.done $0x0  }
0xfa: {  	s8 =	simm.s32 $0x0;
	[sflag:s23] =	ssyncadd.s32 $0xFFFFE000  }
0xfb: {  	[tilespmem:s25], [sflag:$0x3] =	stream.linear.gather [hbm4b:s18+s8], $0x1400, $0x38;
	[tilespmem:$0x1A800] =	vst v63  }
0xfc: {  	_ =	swait.ge [sflag:s23], $0x1400  }
0xfd: {  	[sflag:s23] =	ssyncset.done $0x0  }
0xfe: {  	[sflag:s23] =	ssyncadd.s32 $0xFFFFEC00  }
0xff: {  	[tilespmem:s26], [sflag:$0x3] =	stream.linear.gather [hbm4b:s19+s8], $0x1400, $0x38;
	[tilespmem:$0x1A800] =	vst v63  }
0x100: {  	_ =	swait.ge [sflag:s23], $0x1400  }
0x101: {  	[sflag:s23] =	ssyncset.done $0x0  }
0x102: {  	[sflag:s23] =	ssyncadd.s32 $0xFFFFEC00  }
0x103: {  	[tilespmem:s24], [sflag:$0x1] =	stream.indirect.gather [spmem:s1], $0x40, s25, s28, $0xb8;
	[tilespmem:$0x1A800] =	vst v63  }
0x104: {  	_ =	swait.ge [sflag:s29], $0x2000  }
0x105: {  	[sflag:s29] =	ssyncset.done $0x0  }
0x106: {  	s9 =	simm.s32 $0x14080;
	[sflag:s29] =	ssyncadd.s32 $0xFFFFE000  }
0x107: {  	[tilespmem:s30], [sflag:$0x2] =	stream.indirect.gather [spmem:s1], $0x40, s9, s28, $0xb8;
	[tilespmem:$0x1A800] =	vst v63  }
0x108: {  	s10 =	simm.s32 $0x15400  }
0x109: {  	[spmem:s2] =	stream.indirect.scatter.add.f32 [tilespmem:s24], [sflag:$0x3], $0x40, s10, s28, $0xb8;
	[tilespmem:$0x1A800] =	vst v63  }
0x10a: {  	_ =	swait.ge [sflag:s23], $0x2000  }
0x10b: {  	[sflag:s23] =	ssyncset.done $0x0  }
0x10c: {  	[sflag:s23] =	ssyncadd.s32 $0xFFFFE000  }
0x10d: {  	_ =	swait.ge [sflag:s31], $0x2000  }
0x10e: {  	[sflag:s31] =	ssyncset.done $0x0  }
0x10f: {  	s9 =	simm.s32 $0x14100;
	[sflag:s31] =	ssyncadd.s32 $0xFFFFE000  }
0x110: {  	[tilespmem:s24], [sflag:$0x1] =	stream.indirect.gather [spmem:s1], $0x40, s9, s28, $0xb8;
	[tilespmem:$0x1A800] =	vst v63  }
0x111: {  	s10 =	simm.s32 $0x15480  }
0x112: {  	[spmem:s2] =	stream.indirect.scatter.add.f32 [tilespmem:s30], [sflag:$0x3], $0x40, s10, s28, $0xb8;
	[tilespmem:$0x1A800] =	vst v63  }
0x113: {  	_ =	swait.ge [sflag:s23], $0x2000  }
0x114: {  	s8 =	simm.s32 $0x400;
	[sflag:s23] =	ssyncset.done $0x0  }
.LBB2_10:
0x115: {  	p0 =	sne.s32 s8, $0x4800  }
0x116: {  	[sflag:s23] =	ssyncadd.s32 $0xFFFFE000;
	s9 =	smov.u32 s8;
	s8 =	sadd.s32 $0x400, s8  }
0x117: {  	_ = 	snop  }
0x118: {  	_ =	swait.ge [sflag:s29], $0x2000  }
0x119: {  	s9 =	sshra.s32 s9, $0x2;
	[sflag:s29] =	ssyncset.done $0x0  }
0x11a: {  	s10 =	sadd.s32 $0x14080, s9;
	[sflag:s29] =	ssyncadd.s32 $0xFFFFE000  }
0x11b: {  	[tilespmem:s30], [sflag:$0x2] =	stream.indirect.gather [spmem:s1], $0x40, s10, s28, $0xb8;
	[tilespmem:$0x1A800] =	vst v63  }
0x11c: {  	s10 =	sadd.s32 $0x15400, s9  }
0x11d: {  	[spmem:s2] =	stream.indirect.scatter.add.f32 [tilespmem:s24], [sflag:$0x3], $0x40, s10, s28, $0xb8;
	[tilespmem:$0x1A800] =	vst v63  }
0x11e: {  	_ =	swait.ge [sflag:s23], $0x2000  }
0x11f: {  	[sflag:s23] =	ssyncset.done $0x0  }
0x120: {  	[sflag:s23] =	ssyncadd.s32 $0xFFFFE000  }
0x121: {  	_ =	swait.ge [sflag:s31], $0x2000  }
0x122: {  	[sflag:s31] =	ssyncset.done $0x0  }
0x123: {  	s10 =	sadd.s32 $0x14100, s9;
	[sflag:s31] =	ssyncadd.s32 $0xFFFFE000  }
0x124: {  	[tilespmem:s24], [sflag:$0x1] =	stream.indirect.gather [spmem:s1], $0x40, s10, s28, $0xb8;
	[tilespmem:$0x1A800] =	vst v63  }
.Ltmp4:
0x125: {  	_ = 	snop;
	(pc) =	sbr.rel @p0 .LBB2_10-.Ltmp4, $4  }
0x126: {  	s9 =	sadd.s32 $0x15480, s9  }
0x127: {  	[spmem:s2] =	stream.indirect.scatter.add.f32 [tilespmem:s30], [sflag:$0x3], $0x40, s9, s28, $0xb8;
	[tilespmem:$0x1A800] =	vst v63  }
0x128: {  	_ =	swait.ge [sflag:s23], $0x2000  }
0x129: {  	[sflag:s23] =	ssyncset.done $0x0  }
0x12a: {  	[sflag:s23] =	ssyncadd.s32 $0xFFFFE000  }
0x12b: {  	_ =	swait.ge [sflag:s29], $0x2000  }
0x12c: {  	[sflag:s29] =	ssyncset.done $0x0  }
0x12d: {  	[sflag:s29] =	ssyncadd.s32 $0xFFFFE000  }
0x12e: {  	[tilespmem:s30], [sflag:$0x2] =	stream.indirect.gather [spmem:s1], $0x40, s0, s28, $0xb8;
	[tilespmem:$0x1A800] =	vst v63  }
0x12f: {  	_ = 	snop  }
0x130: {  	[spmem:s2] =	stream.indirect.scatter.add.f32 [tilespmem:s24], [sflag:$0x3], $0x40, s3, s28, $0xb8;
	[tilespmem:$0x1A800] =	vst v63  }
0x131: {  	_ =	swait.ge [sflag:s23], $0x2000  }
0x132: {  	[sflag:s23] =	ssyncset.done $0x0  }
0x133: {  	[sflag:s23] =	ssyncadd.s32 $0xFFFFE000  }
0x134: {  	_ =	swait.ge [sflag:s31], $0x2000  }
0x135: {  	[sflag:s31] =	ssyncset.done $0x0  }
0x136: {  	[sflag:s31] =	ssyncadd.s32 $0xFFFFE000  }
0x137: {  	[spmem:s2] =	stream.indirect.scatter.add.f32 [tilespmem:s30], [sflag:$0x3], $0x40, s5, s28, $0xb8;
	[tilespmem:$0x1A800] =	vst v63  }
0x138: {  	_ =	swait.ge [sflag:s23], $0x2000  }
0x139: {  	s4 =	sadd.s32 $0x1, s4;
	[sflag:s23] =	ssyncset.done $0x0  }
0x13a: {  	p0 =	sne.s32 s4, s21;
	[sflag:s23] =	ssyncadd.s32 $0xFFFFE000  }
.Ltmp5:
0x13b: {  	s8 =	sshrl.u32 s7, $0x3;
	[bflag:$0x0] =	sbarrier.arrive $0xFFFF;
	(pc) =	sbr.rel @p0 .LBB2_1-.Ltmp5, $4  }
0x13c: {  	[hbm:s20], [sflag:s6] =	dma.local [spmem:s8], $0x1400  }
0x13d: {  	_ =	swait.ge [sflag:s23], $0x1400  }
0x13e: {  	[sflag:s23] =	ssyncset.done $0x0  }
0x13f: {  	[sflag:s23] =	ssyncadd.s32 $0xFFFFEC00  }
0x140: {  	_ =	sfence.sel $0x180000  }
0x141: {  	[bflag:$0x0] =	sbarrier.arrive $0xFFFF  }
0x142: {  	_ =	strace $0x9000004A  }
0x143: {  	s0 =	stileid.u32;
	[bflag:$0x2] =	sbarrier.arrive $0xFFFF  }
0x144: {  	p0 =	sne.s32 s0, $0x0;
	s0 =	rddreg [dreg:$0x3]  }
0x145: {  	s0 =	sadd.s32 @!p0 $0x100000, s0  }
0x146: {  	[sflag:s0] =	ssyncadd.tile.s32 @!p0 $0x1;
	_ =	shalt  }
.Lfunc_end2:
_tile_overlayer_lowered:
.L_overlay_start_2:
0x147: {  	(tag) =	ssettag $0x2  }
0x148: {  	s0 =	rddreg [dreg:$0x0];
	s2 =	stileid.u32  }
0x149: {  	s1 =	rddreg [dreg:$0x1];
	p0 =	sne.s32 s2, $0x0  }
0x14a: {  	s3 =	rddreg [dreg:$0x2];
	[bflag:$0x3] =	sbarrier.arrive $0xFFFF;
	s2 =	simm.s32 @!p0 $0x1C03  }
0x14b: {  	[timem:s3], [sflag:s2] =	dma.local @!p0 [hbm:s0], s1  }
0x14c: {  	s0 =	simm.s32 @!p0 $0x3  }
0x14d: {  	_ =	swait.ge @!p0 [sflag:s0], s1  }
0x14e: {  	s1 =	ssub.s32 @!p0 $0x0, s1;
	[sflag:s0] =	ssyncset.done @!p0 $0x0  }
0x14f: {  	[sflag:s0] =	ssyncadd.s32 @!p0 s1  }
0x150: {  	[bflag:$0x3] =	sbarrier.arrive $0xFFFF  }
0x151: {  	_ =	shalt  }

// kernel: kernel.14.cloned.1.call-start
scs
__scs_entry_jumppad:
0x0: {  	(pc) =	sbr.rel $0x88, $3  }
0x1: {  	(tag) =	ssettag $0x0;
	lr =	simm.s32 $0x1  }
0x2: {  	[smem:$0x3F9B] =	sst lr;
	_ =	strace $0xD0000000  }
0x3: {  	_ = 	snop  }
0x4: {  	_ = 	snop  }
0x5: {  	_ = 	snop  }
0x6: {  	_ = 	snop  }
0x7: {  	_ = 	snop  }
__scs_overlays_trampoline_lowered:
0x8: {  	[smem:$0x3FAA] =	sst s0  }
0x9: {  	[smem:$0x3FAB] =	sst s1  }
0xa: {  	[smem:$0x3FAC] =	sst s2  }
0xb: {  	[smem:$0x3FAD] =	sst s3  }
0xc: {  	[smem:$0x3FAE] =	sst s4  }
0xd: {  	[smem:$0x3FAF] =	sst s5  }
0xe: {  	[smem:$0x3FB0] =	sst s6  }
0xf: {  	[smem:$0x3FB1] =	sst s7  }
0x10: {  	[smem:$0x3FB2] =	sst s8  }
0x11: {  	[smem:$0x3FB3] =	sst s9;
	s0 =	simm.s32 @!p0 $0x0  }
0x12: {  	s1 =	sld [smem:$0x3F99];
	s0 =	simm.s32 @p0 $0x1  }
0x13: {  	[smem:$0x3FB4] =	sst s0;
	s0 =	simm.s32 @!p1 $0x0  }
0x14: {  	s2 =	sld [smem:$0x3F98];
	s0 =	simm.s32 @p1 $0x1  }
0x15: {  	[smem:$0x3FB5] =	sst s0;
	s0 =	simm.s32 @!p2 $0x0  }
0x16: {  	s3 =	sld [smem:$0x3FDB];
	s0 =	simm.s32 @p2 $0x1  }
0x17: {  	s4 =	simm.s32 $0x1BF5;
	[smem:$0x3FB7] =	sst s0  }
0x18: {  	s0 =	sld [smem:$0x3F9A];
	_ =	swait.ge [sflag:s4], $0x0  }
0x19: {  	s7 =	sld [smem:$0x3F9B]  }
0x1a: {  	s8 =	sadd.s32 $0xFFFFE003, lr  }
0x1b: {  	s9 =	sadd.s32 $0xFFFFFEF7, lr;
	s5 =	simm.s32 $0xFFFFFFFF;
	p2 =	slt.u32 s8, $0xFFFFF086  }
0x1c: {  	p1 =	slt.u32 s9, $0xF7A;
	s5 =	simm.s32 @!p2 $0x0  }
0x1d: {  	s5 =	simm.s32 @p1 $0x1;
	p0 =	seq.s32 s7, s2  }
0x1e: {  	s7 =	smul.u32 @!p0 $0xF7A, s2;
	p2 =	seq.s32 @!p0 s5, $0x0  }
0x1f: {  	s9 =	smul.u32 $0xF7A, s1;
	s8 =	simm.s32 @!p0 $0x1BF5;
	p2 =	por !p2, p0  }
0x20: {  	[sflag:s8] =	ssyncset.s32 @!p0 $0xFFFFF086;
	s6 =	sadd.s32 @!p0 s3, s7;
	s7 =	simm.s32 @!p0 $0x108  }
0x21: {  	s3 =	sadd.s32 s3, s9;
	s6 =	sadd.s32 @!p0 $0x88, s6;
	s7 =	simm.s32 @p2 $0x1082  }
0x22: {  	[simem:s7], [sflag:s8] =	dma.local @!p0 [hbm:s6], $0xF7A  }
0x23: {  	s9 =	sor.u32 $0xD0000000, s2;
	s6 =	simm.s32 $0x108;
	_ =	swait.ge @!p0 [sflag:s8], $0x0  }
0x24: {  	s3 =	sadd.s32 $0x88, s3;
	s6 =	simm.s32 @!p1 $0x1082;
	[sflag:s4] =	ssyncset.s32 $0xFFFFF086  }
0x25: {  	[simem:s6], [sflag:s4] =	dma.local [hbm:s3], $0xF7A  }
0x26: {  	[smem:$0x3F9B] =	sst s1;
	(tag) =	ssettag s2;
	_ =	strace s9  }
0x27: {  	s1 =	sld [smem:$0x3FAB]  }
0x28: {  	s2 =	sld [smem:$0x3FAC]  }
0x29: {  	s4 =	sld [smem:$0x3FAE]  }
0x2a: {  	p0 =	seq.s32 s5, $0x0;
	s5 =	sld [smem:$0x3FAF]  }
0x2b: {  	s6 =	sld [smem:$0x3FB0]  }
0x2c: {  	s7 =	sld [smem:$0x3FB1]  }
0x2d: {  	s3 =	simm.s32 $0x108;
	s8 =	sld [smem:$0x3FB2]  }
0x2e: {  	s3 =	simm.s32 @!p0 $0x1082;
	s9 =	sld [smem:$0x3FB3]  }
0x2f: {  	lr =	sadd.s32 s0, s3;
	s0 =	sld [smem:$0x3FAA]  }
0x30: {  	s3 =	sld [smem:$0x3FAD]  }
0x31: {  	[smem:$0x3FB6] =	sst s10  }
0x32: {  	s10 =	sld [smem:$0x3FB4];
	_ =	sdelay $0x3  }
0x33: {  	p0 =	seq.s32 s10, $0x1;
	s10 =	sld [smem:$0x3FB6];
	_ =	sdelay $0x3  }
0x34: {  	[smem:$0x3FB6] =	sst s10  }
0x35: {  	s10 =	sld [smem:$0x3FB5];
	_ =	sdelay $0x3  }
0x36: {  	p1 =	seq.s32 s10, $0x1;
	s10 =	sld [smem:$0x3FB6];
	_ =	sdelay $0x3  }
0x37: {  	[smem:$0x3FB6] =	sst s10  }
0x38: {  	s10 =	sld [smem:$0x3FB7]  }
0x39: {  	_ = 	snop;
	(pc) =	sbr.ind lr, $3  }
0x3a: {  	_ = 	snop  }
0x3b: {  	_ = 	snop  }
0x3c: {  	p2 =	seq.s32 s10, $0x1;
	s10 =	sld [smem:$0x3FB6]  }
0x3d: {  	_ =	shalt  }
0x3e: {  	_ =	shalt  }
0x3f: {  	_ =	shalt  }
0x40: {  	_ =	shalt  }
0x41: {  	_ =	shalt  }
0x42: {  	_ =	shalt  }
0x43: {  	_ =	shalt  }
0x44: {  	_ =	shalt  }
0x45: {  	_ =	shalt  }
0x46: {  	_ =	shalt  }
0x47: {  	_ =	shalt  }
0x48: {  	_ =	shalt  }
0x49: {  	_ =	shalt  }
0x4a: {  	_ =	shalt  }
0x4b: {  	_ =	shalt  }
0x4c: {  	_ =	shalt  }
0x4d: {  	_ =	shalt  }
0x4e: {  	_ =	shalt  }
0x4f: {  	_ =	shalt  }
0x50: {  	_ =	shalt  }
0x51: {  	_ =	shalt  }
0x52: {  	_ =	shalt  }
0x53: {  	_ =	shalt  }
0x54: {  	_ =	shalt  }
0x55: {  	_ =	shalt  }
0x56: {  	_ =	shalt  }
0x57: {  	_ =	shalt  }
0x58: {  	_ =	shalt  }
0x59: {  	_ =	shalt  }
0x5a: {  	_ =	shalt  }
0x5b: {  	_ =	shalt  }
0x5c: {  	_ =	shalt  }
0x5d: {  	_ =	shalt  }
0x5e: {  	_ =	shalt  }
0x5f: {  	_ =	shalt  }
0x60: {  	_ =	shalt  }
0x61: {  	_ =	shalt  }
0x62: {  	_ =	shalt  }
0x63: {  	_ =	shalt  }
0x64: {  	_ =	shalt  }
0x65: {  	_ =	shalt  }
0x66: {  	_ =	shalt  }
0x67: {  	_ =	shalt  }
0x68: {  	_ =	shalt  }
0x69: {  	_ =	shalt  }
0x6a: {  	_ =	shalt  }
0x6b: {  	_ =	shalt  }
0x6c: {  	_ =	shalt  }
0x6d: {  	_ =	shalt  }
0x6e: {  	_ =	shalt  }
0x6f: {  	_ =	shalt  }
0x70: {  	_ =	shalt  }
0x71: {  	_ =	shalt  }
0x72: {  	_ =	shalt  }
0x73: {  	_ =	shalt  }
0x74: {  	_ =	shalt  }
0x75: {  	_ =	shalt  }
0x76: {  	_ =	shalt  }
0x77: {  	_ =	shalt  }
0x78: {  	_ =	shalt  }
0x79: {  	_ =	shalt  }
0x7a: {  	_ =	shalt  }
0x7b: {  	_ =	shalt  }
0x7c: {  	_ =	shalt  }
0x7d: {  	_ =	shalt  }
0x7e: {  	_ =	shalt  }
0x7f: {  	_ =	shalt  }
0x80: {  	_ =	shalt  }
0x81: {  	_ =	shalt  }
0x82: {  	_ =	shalt  }
0x83: {  	_ =	shalt  }
0x84: {  	_ =	shalt  }
0x85: {  	_ =	shalt  }
0x86: {  	_ =	shalt  }
0x87: {  	_ =	shalt  }
.Lfunc_end0:
.L_simem_size_0:
called_computation.2_lowered:
.L_overlay_start_0:
0x88: {  	s2 =	sld [smem:$0x3FD9]  }
0x89: {  	s3 =	sld [smem:$0x3FFE];
	_ =	sdelay $0x1  }
0x8a: {  	s1 =	srdreg.scid  }
0x8b: {  	s0 =	sand.u32 $0x1, s1  }
0x8c: {  	s17 =	sshll.u32 s0, $0xA;
	s2 =	sadd.s32 s3, s2  }
0x8d: {  	s2 =	sadd.s32 s2, s17  }
0x8e: {  	[smem:$0x3FC2] =	sst s2  }
0x8f: {  	_ = 	snop  }
0x90: {  	s2 =	sld [smem:$0x3FD0];
	(tm) =	ssettm $0x1  }
0x91: {  	s18 =	sld [smem:$0x3FFB];
	_ =	sdelay $0x3  }
0x92: {  	_ =	strace s18  }
0x93: {  	s3 =	sld [smem:$0x3FFC];
	_ =	sdelay $0x3  }
0x94: {  	_ =	strace s3  }
0x95: {  	s3 =	sld [smem:$0x3FFD];
	_ =	sdelay $0x3  }
0x96: {  	_ =	strace s3  }
0x97: {  	_ =	strace $0x8FFFFFFF  }
0x98: {  	s19 =	sld [smem:$0x3FDB];
	_ =	sdelay $0x1  }
0x99: {  	s4 =	simm.s32 $_scs_section_size  }
0x9a: {  	s5 =	simm.s32 $_size__tile_overlayer_lowered;
	s6 =	simm.s32 $_tile_overlayer_lowered  }
0x9b: {  	s22 =	simm.s32 $0x1BFF;
	s21 =	sshll.u32 s6, $0x1;
	s3 =	sadd.s32 s4, s19  }
0x9c: {  	s7 =	simm.s32 $0x0;
	s20 =	sshll.u32 s5, $0x1;
	s5 =	sadd.s32 s21, s3  }
0x9d: {  	[timem:s7], [sflag:s22] =	dma.local [hbm:s5], s20  }
0x9e: {  	_ =	swait.ge [sflag:s22], s20  }
0x9f: {  	s4 =	ssub.s32 $0x0, s20;
	[sflag:s22] =	ssyncset.done $0x0  }
0xa0: {  	[sflag:s22] =	ssyncadd.s32 s4;
	_ =	sdelay $0x1  }
0xa1: {  	s23 =	simm.s32 $0x1B8B  }
0xa2: {  	_ =	swait.ge [sflag:s23], $0x1  }
0xa3: {  	[sflag:s23] =	ssyncset.done $0x0  }
0xa4: {  	s25 =	simm.s32 $0x1B8E;
	s24 =	sld [smem:$0x3FFE];
	[sflag:s23] =	ssyncadd.s32 $0xFFFFFFFF  }
0xa5: {  	s26 =	simm.s32 $execute0_lowered;
	[smem:$0x3FD2] =	sst s25  }
0xa6: {  	s5 =	sshll.u32 s26, $0x1;
	_ =	strace $0x8000004C;
	[dreg:$0x1] =	wrdreg $0xFFFFFFFF  }
0xa7: {  	s28 =	simm.s32 $_size_execute0_lowered;
	s3 =	sadd.s32 s3, s5;
	[dreg:$0x0] =	wrdreg $0x0  }
0xa8: {  	s5 =	sshll.u32 s28, $0x1;
	[dreg:$0x2] =	wrdreg s3  }
0xa9: {  	[dreg:$0x3] =	wrdreg s5  }
0xaa: {  	[dreg:$0x4] =	wrdreg $0xC0  }
0xab: {  	_ =	task [dreg:s7], $0x5FFFF  }
0xac: {  	[dreg:$0x1] =	wrdreg $0xFFFFFFFF  }
0xad: {  	[dreg:$0x0] =	wrdreg $0x60  }
0xae: {  	[dreg:$0x2] =	wrdreg s2  }
0xaf: {  	[dreg:$0x3] =	wrdreg s24  }
0xb0: {  	[dreg:$0x4] =	wrdreg $0x2800  }
0xb1: {  	[dreg:$0x5] =	wrdreg $0x0  }
0xb2: {  	[dreg:$0x6] =	wrdreg $0x9  }
0xb3: {  	_ =	task.clear_ibuf [dreg:s7], $0x7FFFF;
	_ =	strace $0x9000004C  }
0xb4: {  	s29 =	simm.s32 $0x9;
	_ =	strace $0x8000004E  }
0xb5: {  	_ =	swait.ge [sflag:s29], $0x1  }
0xb6: {  	[sflag:s29] =	ssyncadd.s32 $0xFFFFFFFF  }
0xb7: {  	_ =	strace $0x9000004E  }
0xb8: {  	_ =	sfence  }
0xb9: {  	s30 =	sld [smem:$0x0];
	_ =	sdelay $0x2  }
0xba: {  	s31 =	sshll.u32 s1, $0xD;
	s1 =	sshrl.u32 s1, $0x2  }
0xbb: {  	s3 =	sand.u32 $0x4000, s31;
	s1 =	sadd.s32 s1, s30  }
0xbc: {  	s0 =	sor.u32 s3, s0;
	s1 =	sshll.u32 s1, $0x11  }
0xbd: {  	s0 =	sor.u32 s1, s0  }
0xbe: {  	s0 =	sadd.s32 $0x8F2B, s0  }
0xbf: {  	[sflag:s0] =	ssyncadd.remote.s32 $0x1  }
0xc0: {  	_ =	sfence.sel $0xFFFF  }
0xc1: {  	[dreg:$0x0] =	wrdreg $0xFFFFFFFF;
	(pc) =	sbr.abs _section_cstart, $3  }
0xc2: {  	[dreg:$0x1] =	wrdreg $0xFFFFFFFF  }
0xc3: {  	_ =	task.clear_ibuf [dreg:s7], $0x2FFFF;
	_ =	strace $0x9FFFFFFF  }
0xc4: {  	(tm) =	ssettm $0x7FFFFFFF  }
0xc5: {  	_ =	shalt  }
tec
execute0_lowered:
.L_overlay_start_1:
0x0: {  	(tag) =	ssettag $0x1  }
0x1: {  	s0 =	rddreg [dreg:$0x0]  }
0x2: {  	s6 =	rddreg [dreg:$0x1]  }
0x3: {  	s2 =	rddreg [dreg:$0x2];
	s1 =	srdreg.scid  }
0x4: {  	s3 =	rddreg [dreg:$0x3];
	s4 =	stileid.u32  }
0x5: {  	s5 =	simm.s32 $0x0;
	s12 =	simm.s32 $0x5;
	s13 =	simm.s32 $0x2D00  }
0x6: {  	s15 =	simm.s32 $0x5600;
	s16 =	simm.s32 $0x80;
	s17 =	simm.s32 $0x5500  }
0x7: {  	s18 =	simm.s32 $0x580;
	s19 =	simm.s32 $0x5580;
	s20 =	simm.s32 $0x1  }
0x8: {  	s21 =	simm.s32 $0x2;
	s22 =	simm.s32 $0x3;
	s23 =	simm.s32 $0x4  }
0x9: {  	s24 =	simm.s32 $0x5400;
	s25 =	simm.s32 $0x5480;
	s26 =	simm.s32 $0x0  }
0xa: {  	s7 =	sand.u32 $0x1, s1;
	s1 =	rddreg [dreg:$0x4];
	s9 =	smul.u32 $0x280, s4  }
0xb: {  	[smem:$0x7FF] =	sst s5;
	s8 =	sshll.u32 s7, $0x4;
	s10 =	smul.u32 $0x2800, s7  }
0xc: {  	p0 =	sne.s32 s4, $0x0;
	_ =	strace $0x8000004D;
	s8 =	sor.u32 s4, s8  }
0xd: {  	s7 =	ssub.s32 $0x2, s7;
	s8 =	smul.u32 $0x500, s8;
	s10 =	sadd.s32 s9, s10  }
0xe: {  	s14 =	sshrl.u32 @!p0 s2, $0x3;
	s11 =	sshrl.u32 s7, $0x1;
	s10 =	sshrl.u32 s10, $0x3  }
0xf: {  	s11 =	ssub.s32 s7, s11;
	s8 =	sadd.s32 s8, s6;
	s10 =	sadd.s32 s10, s6  }
0x10: {  	s6 =	sadd.s32 $0xBC00, s8;
	s7 =	sadd.s32 $0x1200, s8;
	s8 =	sadd.s32 s9, s3  }
0x11: {  	v0 =	vimm.f32 $0.0e+00;
	s9 =	sadd.s32 $0xB200, s10;
	s10 =	smax.u32 s11, $0x1;
	s11 =	simm.s32 $0x500  }
.LBB2_1:
0x12: {  	[tilespmem:s11], [sflag:$0x5] =	stream.linear.gather [hbm4b:s6+s5], $0x2800, $0x38;
	[tilespmem:$0x5880] =	vst v63  }
0x13: {  	_ =	swait.ge [sflag:s12], $0x2800  }
0x14: {  	[sflag:s12] =	ssyncset.done $0x0  }
0x15: {  	[sflag:s12] =	ssyncadd.s32 $0xFFFFD800  }
0x16: {  	[tilespmem:s13], [sflag:$0x5] =	stream.linear.gather [hbm4b:s7+s5], $0x2800, $0x38;
	[tilespmem:$0x5880] =	vst v63  }
0x17: {  	_ =	swait.ge [sflag:s12], $0x2800  }
0x18: {  	[sflag:s12] =	ssyncset.done $0x0  }
0x19: {  	s28 =	simm.s32 @!p0 $0x1C05;
	[sflag:s12] =	ssyncadd.s32 $0xFFFFD800  }
0x1a: {  	[spmem:s14], [sflag:s28] =	dma.local @!p0 [hbm:s0], $0x500  }
0x1b: {  	s28 =	simm.s32 @!p0 $0x5  }
0x1c: {  	_ =	swait.ge @!p0 [sflag:s28], $0x500  }
0x1d: {  	[sflag:s28] =	ssyncset.done @!p0 $0x0  }
0x1e: {  	[sflag:s28] =	ssyncadd.s32 @!p0 $0xFFFFFB00  }
0x1f: {  	[tilespmem:$0x5600] =	vst v0  }
0x20: {  	[tilespmem:$0x5610] =	vst v0  }
0x21: {  	[tilespmem:$0x5620] =	vst v0  }
0x22: {  	[tilespmem:$0x5630] =	vst v0  }
0x23: {  	[tilespmem:$0x5640] =	vst v0  }
0x24: {  	[tilespmem:$0x5650] =	vst v0  }
0x25: {  	[tilespmem:$0x5660] =	vst v0  }
0x26: {  	[tilespmem:$0x5670] =	vst v0  }
0x27: {  	[tilespmem:$0x5680] =	vst v0  }
0x28: {  	[tilespmem:$0x5690] =	vst v0  }
0x29: {  	[tilespmem:$0x56A0] =	vst v0  }
0x2a: {  	[tilespmem:$0x56B0] =	vst v0  }
0x2b: {  	[tilespmem:$0x56C0] =	vst v0  }
0x2c: {  	[tilespmem:$0x56D0] =	vst v0  }
0x2d: {  	[tilespmem:$0x56E0] =	vst v0  }
0x2e: {  	[tilespmem:$0x56F0] =	vst v0  }
0x2f: {  	[tilespmem:$0x5700] =	vst v0  }
0x30: {  	[tilespmem:$0x5710] =	vst v0  }
0x31: {  	[tilespmem:$0x5720] =	vst v0  }
0x32: {  	[tilespmem:$0x5730] =	vst v0  }
0x33: {  	[tilespmem:$0x5740] =	vst v0  }
0x34: {  	[tilespmem:$0x5750] =	vst v0  }
0x35: {  	[tilespmem:$0x5760] =	vst v0  }
0x36: {  	[tilespmem:$0x5770] =	vst v0  }
0x37: {  	[tilespmem:$0x5780] =	vst v0  }
0x38: {  	[tilespmem:$0x5790] =	vst v0  }
0x39: {  	[tilespmem:$0x57A0] =	vst v0  }
0x3a: {  	[tilespmem:$0x57B0] =	vst v0  }
0x3b: {  	[tilespmem:$0x57C0] =	vst v0  }
0x3c: {  	[tilespmem:$0x57D0] =	vst v0  }
0x3d: {  	[tilespmem:$0x57E0] =	vst v0  }
0x3e: {  	[tilespmem:$0x57F0] =	vst v0  }
0x3f: {  	[tilespmem:$0x5800] =	vst v0  }
0x40: {  	[tilespmem:$0x5810] =	vst v0  }
0x41: {  	[tilespmem:$0x5820] =	vst v0  }
0x42: {  	[tilespmem:$0x5830] =	vst v0  }
0x43: {  	[tilespmem:$0x5840] =	vst v0  }
0x44: {  	[tilespmem:$0x5850] =	vst v0  }
0x45: {  	[tilespmem:$0x5860] =	vst v0  }
0x46: {  	[tilespmem:$0x5870] =	vst v0  }
0x47: {  	[spmem:s8] =	stream.linear.scatter [tilespmem:s15], [sflag:$0x5], $0x280, $0x38;
	[tilespmem:$0x5880] =	vst v63  }
0x48: {  	_ =	swait.ge [sflag:s12], $0x280  }
0x49: {  	[sflag:s12] =	ssyncset.done $0x0  }
0x4a: {  	[sflag:s12] =	ssyncadd.s32 $0xFFFFFD80  }
0x4b: {  	[bflag:$0x0] =	sbarrier.arrive $0xFFFF  }
0x4c: {  	[tilespmem:s17], [sflag:$0x1] =	stream.indirect.gather [spmem:s2], $0x1, s11, s16, $0xb8;
	[tilespmem:$0x5880] =	vst v63  }
0x4d: {  	_ = 	snop  }
0x4e: {  	[tilespmem:s19], [sflag:$0x2] =	stream.indirect.gather [spmem:s2], $0x1, s18, s16, $0xb8;
	[tilespmem:$0x5880] =	vst v63  }
0x4f: {  	_ =	swait.ge [sflag:s20], $0x80  }
0x50: {  	[sflag:s20] =	ssyncset.done $0x0  }
0x51: {  	s28 =	simm.s32 $0x2D00;
	[sflag:s20] =	ssyncadd.s32 $0xFFFFFF80  }
0x52: {  	[spmem:s3] =	stream.indirect.scatter.add.f32 [tilespmem:s17], [sflag:$0x3], $0x1, s28, s16, $0xb8;
	[tilespmem:$0x5880] =	vst v63  }
0x53: {  	_ =	swait.ge [sflag:s21], $0x80  }
0x54: {  	[sflag:s21] =	ssyncset.done $0x0  }
0x55: {  	s28 =	simm.s32 $0x2D80;
	[sflag:s21] =	ssyncadd.s32 $0xFFFFFF80  }
0x56: {  	[spmem:s3] =	stream.indirect.scatter.add.f32 [tilespmem:s19], [sflag:$0x4], $0x1, s28, s16, $0xb8;
	[tilespmem:$0x5880] =	vst v63  }
0x57: {  	_ =	swait.ge [sflag:s22], $0x80  }
0x58: {  	[sflag:s22] =	ssyncset.done $0x0  }
0x59: {  	s28 =	simm.s32 $0x600;
	[sflag:s22] =	ssyncadd.s32 $0xFFFFFF80  }
0x5a: {  	[tilespmem:s17], [sflag:$0x1] =	stream.indirect.gather [spmem:s2], $0x1, s28, s16, $0xb8;
	[tilespmem:$0x5880] =	vst v63  }
0x5b: {  	_ =	swait.ge [sflag:s23], $0x80  }
0x5c: {  	[sflag:s23] =	ssyncset.done $0x0  }
0x5d: {  	s29 =	simm.s32 $0x680;
	s28 =	simm.s32 $0x400;
	[sflag:s23] =	ssyncadd.s32 $0xFFFFFF80  }
.LBB2_2:
0x5e: {  	[tilespmem:s19], [sflag:$0x2] =	stream.indirect.gather [spmem:s2], $0x1, s29, s16, $0xb8;
	[tilespmem:$0x5880] =	vst v63  }
0x5f: {  	s29 =	smov.u32 s28  }
0x60: {  	p1 =	sne.s32 s28, $0x9800;
	s28 =	sadd.s32 $0x400, s28;
	_ =	swait.ge [sflag:s20], $0x80  }
0x61: {  	s29 =	sshra.s32 s29, $0x2;
	[sflag:s20] =	ssyncset.done $0x0  }
0x62: {  	s30 =	sadd.s32 $0x2D00, s29;
	[sflag:s20] =	ssyncadd.s32 $0xFFFFFF80  }
0x63: {  	[spmem:s3] =	stream.indirect.scatter.add.f32 [tilespmem:s17], [sflag:$0x3], $0x1, s30, s16, $0xb8;
	[tilespmem:$0x5880] =	vst v63  }
0x64: {  	_ =	swait.ge [sflag:s21], $0x80  }
0x65: {  	[sflag:s21] =	ssyncset.done $0x0  }
0x66: {  	s30 =	sadd.s32 $0x2D80, s29;
	[sflag:s21] =	ssyncadd.s32 $0xFFFFFF80  }
0x67: {  	[spmem:s3] =	stream.indirect.scatter.add.f32 [tilespmem:s19], [sflag:$0x4], $0x1, s30, s16, $0xb8;
	[tilespmem:$0x5880] =	vst v63  }
0x68: {  	_ =	swait.ge [sflag:s22], $0x80  }
0x69: {  	[sflag:s22] =	ssyncset.done $0x0  }
.Ltmp0:
0x6a: {  	s30 =	sadd.s32 $0x600, s29;
	[sflag:s22] =	ssyncadd.s32 $0xFFFFFF80;
	(pc) =	sbr.rel @p1 .LBB2_2-.Ltmp0, $4  }
0x6b: {  	[tilespmem:s17], [sflag:$0x1] =	stream.indirect.gather [spmem:s2], $0x1, s30, s16, $0xb8;
	[tilespmem:$0x5880] =	vst v63  }
0x6c: {  	_ =	swait.ge [sflag:s23], $0x80  }
0x6d: {  	[sflag:s23] =	ssyncset.done $0x0  }
0x6e: {  	s29 =	sadd.s32 $0x680, s29;
	[sflag:s23] =	ssyncadd.s32 $0xFFFFFF80  }
0x6f: {  	[tilespmem:s19], [sflag:$0x2] =	stream.indirect.gather [spmem:s2], $0x1, s29, s16, $0xb8;
	[tilespmem:$0x5880] =	vst v63  }
0x70: {  	_ =	swait.ge [sflag:s20], $0x80  }
0x71: {  	[sflag:s20] =	ssyncset.done $0x0  }
0x72: {  	[sflag:s20] =	ssyncadd.s32 $0xFFFFFF80  }
0x73: {  	[spmem:s3] =	stream.indirect.scatter.add.f32 [tilespmem:s17], [sflag:$0x3], $0x1, s24, s16, $0xb8;
	[tilespmem:$0x5880] =	vst v63  }
0x74: {  	_ =	swait.ge [sflag:s21], $0x80  }
0x75: {  	[sflag:s21] =	ssyncset.done $0x0  }
0x76: {  	[sflag:s21] =	ssyncadd.s32 $0xFFFFFF80  }
0x77: {  	[spmem:s3] =	stream.indirect.scatter.add.f32 [tilespmem:s19], [sflag:$0x4], $0x1, s25, s16, $0xb8;
	[tilespmem:$0x5880] =	vst v63  }
0x78: {  	_ =	swait.ge [sflag:s22], $0x80  }
0x79: {  	[sflag:s22] =	ssyncset.done $0x0  }
0x7a: {  	[sflag:s22] =	ssyncadd.s32 $0xFFFFFF80  }
0x7b: {  	_ =	swait.ge [sflag:s23], $0x80  }
0x7c: {  	s28 =	sshll.u32 s4, $0x6;
	s26 =	sadd.s32 $0x1, s26;
	[sflag:s23] =	ssyncset.done $0x0  }
0x7d: {  	s31 =	sshrl.u32 s8, $0x3;
	p1 =	sne.s32 s26, s10;
	[sflag:s23] =	ssyncadd.s32 $0xFFFFFF80  }
.Ltmp1:
0x7e: {  	s28 =	sor.u32 $0x1C05, s28;
	[bflag:$0x0] =	sbarrier.arrive $0xFFFF;
	(pc) =	sbr.rel @p1 .LBB2_1-.Ltmp1, $4  }
0x7f: {  	[hbm:s9], [sflag:s28] =	dma.local [spmem:s31], $0x50  }
0x80: {  	_ =	swait.ge [sflag:s12], $0x50  }
0x81: {  	[sflag:s12] =	ssyncset.done $0x0  }
0x82: {  	[sflag:s12] =	ssyncadd.s32 $0xFFFFFFB0  }
0x83: {  	_ =	sfence.sel $0x180000  }
0x84: {  	[bflag:$0x0] =	sbarrier.arrive $0xFFFF  }
0x85: {  	_ =	strace $0x9000004D  }
0x86: {  	s0 =	sadd.s32 @!p0 $0x100000, s1;
	[bflag:$0x2] =	sbarrier.arrive $0xFFFF  }
0x87: {  	[sflag:s0] =	ssyncadd.tile.s32 @!p0 $0x1;
	_ =	shalt  }
.Lfunc_end2:
_tile_overlayer_lowered:
.L_overlay_start_2:
0x88: {  	(tag) =	ssettag $0x2  }
0x89: {  	s0 =	rddreg [dreg:$0x0];
	s2 =	stileid.u32  }
0x8a: {  	s1 =	rddreg [dreg:$0x1];
	p0 =	sne.s32 s2, $0x0  }
0x8b: {  	s3 =	rddreg [dreg:$0x2];
	[bflag:$0x3] =	sbarrier.arrive $0xFFFF;
	s2 =	simm.s32 @!p0 $0x1C05  }
0x8c: {  	[timem:s3], [sflag:s2] =	dma.local @!p0 [hbm:s0], s1  }
0x8d: {  	s0 =	simm.s32 @!p0 $0x5  }
0x8e: {  	_ =	swait.ge @!p0 [sflag:s0], s1  }
0x8f: {  	s1 =	ssub.s32 @!p0 $0x0, s1;
	[sflag:s0] =	ssyncset.done @!p0 $0x0  }
0x90: {  	[sflag:s0] =	ssyncadd.s32 @!p0 s1  }
0x91: {  	[bflag:$0x3] =	sbarrier.arrive $0xFFFF  }
0x92: {  	_ =	shalt  }

// kernel: kernel.8.cloned.1.call-start
scs
__scs_entry_jumppad:
0x0: {  	(pc) =	sbr.rel $0x88, $3  }
0x1: {  	(tag) =	ssettag $0x0;
	lr =	simm.s32 $0x1  }
0x2: {  	[smem:$0x3F9B] =	sst lr;
	_ =	strace $0xD0000000  }
0x3: {  	_ = 	snop  }
0x4: {  	_ = 	snop  }
0x5: {  	_ = 	snop  }
0x6: {  	_ = 	snop  }
0x7: {  	_ = 	snop  }
__scs_overlays_trampoline_lowered:
0x8: {  	[smem:$0x3FAA] =	sst s0  }
0x9: {  	[smem:$0x3FAB] =	sst s1  }
0xa: {  	[smem:$0x3FAC] =	sst s2  }
0xb: {  	[smem:$0x3FAD] =	sst s3  }
0xc: {  	[smem:$0x3FAE] =	sst s4  }
0xd: {  	[smem:$0x3FAF] =	sst s5  }
0xe: {  	[smem:$0x3FB0] =	sst s6  }
0xf: {  	[smem:$0x3FB1] =	sst s7  }
0x10: {  	[smem:$0x3FB2] =	sst s8  }
0x11: {  	[smem:$0x3FB3] =	sst s9;
	s0 =	simm.s32 @!p0 $0x0  }
0x12: {  	s1 =	sld [smem:$0x3F99];
	s0 =	simm.s32 @p0 $0x1  }
0x13: {  	[smem:$0x3FB4] =	sst s0;
	s0 =	simm.s32 @!p1 $0x0  }
0x14: {  	s2 =	sld [smem:$0x3F98];
	s0 =	simm.s32 @p1 $0x1  }
0x15: {  	[smem:$0x3FB5] =	sst s0;
	s0 =	simm.s32 @!p2 $0x0  }
0x16: {  	s3 =	sld [smem:$0x3FDB];
	s0 =	simm.s32 @p2 $0x1  }
0x17: {  	s4 =	simm.s32 $0x1BF5;
	[smem:$0x3FB7] =	sst s0  }
0x18: {  	s0 =	sld [smem:$0x3F9A];
	_ =	swait.ge [sflag:s4], $0x0  }
0x19: {  	s7 =	sld [smem:$0x3F9B]  }
0x1a: {  	s8 =	sadd.s32 $0xFFFFE003, lr  }
0x1b: {  	s9 =	sadd.s32 $0xFFFFFEF7, lr;
	s5 =	simm.s32 $0xFFFFFFFF;
	p2 =	slt.u32 s8, $0xFFFFF086  }
0x1c: {  	p1 =	slt.u32 s9, $0xF7A;
	s5 =	simm.s32 @!p2 $0x0  }
0x1d: {  	s5 =	simm.s32 @p1 $0x1;
	p0 =	seq.s32 s7, s2  }
0x1e: {  	s7 =	smul.u32 @!p0 $0xF7A, s2;
	p2 =	seq.s32 @!p0 s5, $0x0  }
0x1f: {  	s9 =	smul.u32 $0xF7A, s1;
	s8 =	simm.s32 @!p0 $0x1BF5;
	p2 =	por !p2, p0  }
0x20: {  	[sflag:s8] =	ssyncset.s32 @!p0 $0xFFFFF086;
	s6 =	sadd.s32 @!p0 s3, s7;
	s7 =	simm.s32 @!p0 $0x108  }
0x21: {  	s3 =	sadd.s32 s3, s9;
	s6 =	sadd.s32 @!p0 $0x88, s6;
	s7 =	simm.s32 @p2 $0x1082  }
0x22: {  	[simem:s7], [sflag:s8] =	dma.local @!p0 [hbm:s6], $0xF7A  }
0x23: {  	s9 =	sor.u32 $0xD0000000, s2;
	s6 =	simm.s32 $0x108;
	_ =	swait.ge @!p0 [sflag:s8], $0x0  }
0x24: {  	s3 =	sadd.s32 $0x88, s3;
	s6 =	simm.s32 @!p1 $0x1082;
	[sflag:s4] =	ssyncset.s32 $0xFFFFF086  }
0x25: {  	[simem:s6], [sflag:s4] =	dma.local [hbm:s3], $0xF7A  }
0x26: {  	[smem:$0x3F9B] =	sst s1;
	(tag) =	ssettag s2;
	_ =	strace s9  }
0x27: {  	s1 =	sld [smem:$0x3FAB]  }
0x28: {  	s2 =	sld [smem:$0x3FAC]  }
0x29: {  	s4 =	sld [smem:$0x3FAE]  }
0x2a: {  	p0 =	seq.s32 s5, $0x0;
	s5 =	sld [smem:$0x3FAF]  }
0x2b: {  	s6 =	sld [smem:$0x3FB0]  }
0x2c: {  	s7 =	sld [smem:$0x3FB1]  }
0x2d: {  	s3 =	simm.s32 $0x108;
	s8 =	sld [smem:$0x3FB2]  }
0x2e: {  	s3 =	simm.s32 @!p0 $0x1082;
	s9 =	sld [smem:$0x3FB3]  }
0x2f: {  	lr =	sadd.s32 s0, s3;
	s0 =	sld [smem:$0x3FAA]  }
0x30: {  	s3 =	sld [smem:$0x3FAD]  }
0x31: {  	[smem:$0x3FB6] =	sst s10  }
0x32: {  	s10 =	sld [smem:$0x3FB4];
	_ =	sdelay $0x3  }
0x33: {  	p0 =	seq.s32 s10, $0x1;
	s10 =	sld [smem:$0x3FB6];
	_ =	sdelay $0x3  }
0x34: {  	[smem:$0x3FB6] =	sst s10  }
0x35: {  	s10 =	sld [smem:$0x3FB5];
	_ =	sdelay $0x3  }
0x36: {  	p1 =	seq.s32 s10, $0x1;
	s10 =	sld [smem:$0x3FB6];
	_ =	sdelay $0x3  }
0x37: {  	[smem:$0x3FB6] =	sst s10  }
0x38: {  	s10 =	sld [smem:$0x3FB7]  }
0x39: {  	_ = 	snop;
	(pc) =	sbr.ind lr, $3  }
0x3a: {  	_ = 	snop  }
0x3b: {  	_ = 	snop  }
0x3c: {  	p2 =	seq.s32 s10, $0x1;
	s10 =	sld [smem:$0x3FB6]  }
0x3d: {  	_ =	shalt  }
0x3e: {  	_ =	shalt  }
0x3f: {  	_ =	shalt  }
0x40: {  	_ =	shalt  }
0x41: {  	_ =	shalt  }
0x42: {  	_ =	shalt  }
0x43: {  	_ =	shalt  }
0x44: {  	_ =	shalt  }
0x45: {  	_ =	shalt  }
0x46: {  	_ =	shalt  }
0x47: {  	_ =	shalt  }
0x48: {  	_ =	shalt  }
0x49: {  	_ =	shalt  }
0x4a: {  	_ =	shalt  }
0x4b: {  	_ =	shalt  }
0x4c: {  	_ =	shalt  }
0x4d: {  	_ =	shalt  }
0x4e: {  	_ =	shalt  }
0x4f: {  	_ =	shalt  }
0x50: {  	_ =	shalt  }
0x51: {  	_ =	shalt  }
0x52: {  	_ =	shalt  }
0x53: {  	_ =	shalt  }
0x54: {  	_ =	shalt  }
0x55: {  	_ =	shalt  }
0x56: {  	_ =	shalt  }
0x57: {  	_ =	shalt  }
0x58: {  	_ =	shalt  }
0x59: {  	_ =	shalt  }
0x5a: {  	_ =	shalt  }
0x5b: {  	_ =	shalt  }
0x5c: {  	_ =	shalt  }
0x5d: {  	_ =	shalt  }
0x5e: {  	_ =	shalt  }
0x5f: {  	_ =	shalt  }
0x60: {  	_ =	shalt  }
0x61: {  	_ =	shalt  }
0x62: {  	_ =	shalt  }
0x63: {  	_ =	shalt  }
0x64: {  	_ =	shalt  }
0x65: {  	_ =	shalt  }
0x66: {  	_ =	shalt  }
0x67: {  	_ =	shalt  }
0x68: {  	_ =	shalt  }
0x69: {  	_ =	shalt  }
0x6a: {  	_ =	shalt  }
0x6b: {  	_ =	shalt  }
0x6c: {  	_ =	shalt  }
0x6d: {  	_ =	shalt  }
0x6e: {  	_ =	shalt  }
0x6f: {  	_ =	shalt  }
0x70: {  	_ =	shalt  }
0x71: {  	_ =	shalt  }
0x72: {  	_ =	shalt  }
0x73: {  	_ =	shalt  }
0x74: {  	_ =	shalt  }
0x75: {  	_ =	shalt  }
0x76: {  	_ =	shalt  }
0x77: {  	_ =	shalt  }
0x78: {  	_ =	shalt  }
0x79: {  	_ =	shalt  }
0x7a: {  	_ =	shalt  }
0x7b: {  	_ =	shalt  }
0x7c: {  	_ =	shalt  }
0x7d: {  	_ =	shalt  }
0x7e: {  	_ =	shalt  }
0x7f: {  	_ =	shalt  }
0x80: {  	_ =	shalt  }
0x81: {  	_ =	shalt  }
0x82: {  	_ =	shalt  }
0x83: {  	_ =	shalt  }
0x84: {  	_ =	shalt  }
0x85: {  	_ =	shalt  }
0x86: {  	_ =	shalt  }
0x87: {  	_ =	shalt  }
.Lfunc_end0:
.L_simem_size_0:
called_computation_lowered:
.L_overlay_start_0:
0x88: {  	s2 =	sld [smem:$0x3FD9]  }
0x89: {  	s3 =	sld [smem:$0x3FFE];
	_ =	sdelay $0x1  }
0x8a: {  	s1 =	srdreg.scid  }
0x8b: {  	s0 =	sand.u32 $0x1, s1  }
0x8c: {  	s16 =	sshll.u32 s0, $0xA;
	s2 =	sadd.s32 s3, s2  }
0x8d: {  	s2 =	sadd.s32 s2, s16  }
0x8e: {  	[smem:$0x3FC2] =	sst s2  }
0x8f: {  	_ = 	snop  }
0x90: {  	(tm) =	ssettm $0x1  }
0x91: {  	s17 =	sld [smem:$0x3FFB];
	_ =	sdelay $0x3  }
0x92: {  	_ =	strace s17  }
0x93: {  	s2 =	sld [smem:$0x3FFC];
	_ =	sdelay $0x3  }
0x94: {  	_ =	strace s2  }
0x95: {  	s2 =	sld [smem:$0x3FFD];
	_ =	sdelay $0x3  }
0x96: {  	_ =	strace s2  }
0x97: {  	_ =	strace $0x8FFFFFFF  }
0x98: {  	s18 =	sld [smem:$0x3FDB];
	_ =	sdelay $0x1  }
0x99: {  	s19 =	simm.s32 $_scs_section_size  }
0x9a: {  	s4 =	simm.s32 $_size__tile_overlayer_lowered;
	s5 =	simm.s32 $_tile_overlayer_lowered  }
0x9b: {  	s22 =	simm.s32 $0x1BFF;
	s21 =	sshll.u32 s5, $0x1;
	s2 =	sadd.s32 s19, s18  }
0x9c: {  	s6 =	simm.s32 $0x0;
	s20 =	sshll.u32 s4, $0x1;
	s4 =	sadd.s32 s21, s2  }
0x9d: {  	[timem:s6], [sflag:s22] =	dma.local [hbm:s4], s20  }
0x9e: {  	_ =	swait.ge [sflag:s22], s20  }
0x9f: {  	s3 =	ssub.s32 $0x0, s20;
	[sflag:s22] =	ssyncset.done $0x0  }
0xa0: {  	[sflag:s22] =	ssyncadd.s32 s3;
	_ =	sdelay $0x1  }
0xa1: {  	s23 =	simm.s32 $0x1B8B  }
0xa2: {  	_ =	swait.ge [sflag:s23], $0x1  }
0xa3: {  	[sflag:s23] =	ssyncset.done $0x0  }
0xa4: {  	s25 =	simm.s32 $0x1B8E;
	s24 =	sld [smem:$0x3FFE];
	[sflag:s23] =	ssyncadd.s32 $0xFFFFFFFF  }
0xa5: {  	s26 =	simm.s32 $execute0_lowered;
	[smem:$0x3FD2] =	sst s25  }
0xa6: {  	s4 =	sshll.u32 s26, $0x1;
	_ =	strace $0x80000046;
	[dreg:$0x1] =	wrdreg $0xFFFFFFFF  }
0xa7: {  	s28 =	simm.s32 $_size_execute0_lowered;
	s2 =	sadd.s32 s2, s4;
	[dreg:$0x0] =	wrdreg $0x0  }
0xa8: {  	s4 =	sshll.u32 s28, $0x1;
	[dreg:$0x2] =	wrdreg s2  }
0xa9: {  	[dreg:$0x3] =	wrdreg s4  }
0xaa: {  	[dreg:$0x4] =	wrdreg $0xC0  }
0xab: {  	_ =	task [dreg:s6], $0x5FFFF  }
0xac: {  	[dreg:$0x1] =	wrdreg $0xFFFFFFFF  }
0xad: {  	[dreg:$0x0] =	wrdreg $0x60  }
0xae: {  	[dreg:$0x2] =	wrdreg s24  }
0xaf: {  	[dreg:$0x3] =	wrdreg $0x0  }
0xb0: {  	[dreg:$0x4] =	wrdreg $0x9  }
0xb1: {  	_ =	task.clear_ibuf [dreg:s6], $0x5FFFF;
	_ =	strace $0x90000046  }
0xb2: {  	s29 =	simm.s32 $0x9;
	_ =	strace $0x80000048  }
0xb3: {  	_ =	swait.ge [sflag:s29], $0x1  }
0xb4: {  	[sflag:s29] =	ssyncadd.s32 $0xFFFFFFFF  }
0xb5: {  	_ =	strace $0x90000048  }
0xb6: {  	_ =	sfence  }
0xb7: {  	s30 =	sld [smem:$0x0];
	_ =	sdelay $0x2  }
0xb8: {  	s31 =	sshll.u32 s1, $0xD;
	s1 =	sshrl.u32 s1, $0x2  }
0xb9: {  	s3 =	sand.u32 $0x4000, s31;
	s1 =	sadd.s32 s1, s30  }
0xba: {  	s0 =	sor.u32 s3, s0;
	s1 =	sshll.u32 s1, $0x11  }
0xbb: {  	s0 =	sor.u32 s1, s0  }
0xbc: {  	s0 =	sadd.s32 $0x8F2B, s0  }
0xbd: {  	[sflag:s0] =	ssyncadd.remote.s32 $0x1  }
0xbe: {  	_ =	sfence.sel $0xFFFF  }
0xbf: {  	[dreg:$0x0] =	wrdreg $0xFFFFFFFF;
	(pc) =	sbr.abs _section_cstart, $3  }
0xc0: {  	[dreg:$0x1] =	wrdreg $0xFFFFFFFF  }
0xc1: {  	_ =	task.clear_ibuf [dreg:s6], $0x2FFFF;
	_ =	strace $0x9FFFFFFF  }
0xc2: {  	(tm) =	ssettm $0x7FFFFFFF  }
0xc3: {  	_ =	shalt  }
tec
execute0_lowered:
.L_overlay_start_1:
0x0: {  	(tag) =	ssettag $0x1  }
0x1: {  	s1 =	srdreg.scid;
	s4 =	rddreg [dreg:$0x0]  }
0x2: {  	s0 =	stileid.u32;
	s2 =	rddreg [dreg:$0x1];
	s3 =	simm.s32 $0x0  }
0x3: {  	s10 =	simm.s32 $0x2B00;
	s11 =	simm.s32 $0x80;
	s12 =	simm.s32 $0x2A80  }
0x4: {  	s13 =	simm.s32 $0x300;
	s14 =	simm.s32 $0x380;
	s15 =	simm.s32 $0x400  }
0x5: {  	s16 =	simm.s32 $0x1;
	s5 =	sand.u32 $0x1, s1;
	s1 =	rddreg [dreg:$0x2]  }
0x6: {  	s19 =	simm.s32 $0x0;
	s6 =	smul.u32 $0x280, s0;
	[smem:$0x7FF] =	sst s3  }
0x7: {  	s17 =	sshll.u32 s0, $0x6;
	s7 =	sshll.u32 s5, $0x4;
	s8 =	smul.u32 $0x2800, s5  }
0x8: {  	_ =	strace $0x80000047;
	s5 =	ssub.s32 $0x2, s5;
	s7 =	sor.u32 s0, s7  }
0x9: {  	s31 =	sshrl.u32 s5, $0x1;
	s7 =	smul.u32 $0x500, s7;
	s8 =	sadd.s32 s6, s8  }
0xa: {  	s17 =	sor.u32 $0x1C02, s17;
	s9 =	ssub.s32 s5, s31;
	s8 =	sshrl.u32 s8, $0x3  }
0xb: {  	s5 =	sadd.s32 s6, s2;
	s7 =	sadd.s32 s7, s4;
	s8 =	sadd.s32 s8, s4  }
0xc: {  	s18 =	sshrl.u32 s5, $0x3;
	s4 =	sadd.s32 $0x1200, s7;
	s6 =	sadd.s32 $0xB200, s8  }
0xd: {  	v0 =	vimm.f32 $1.000000000e+00;
	v1 =	vimm.f32 $0.0e+00;
	s7 =	smax.u32 s9, $0x1;
	s8 =	simm.s32 $0x280;
	s9 =	simm.s32 $0x2  }
.LBB2_1:
0xe: {  	[tilespmem:s8], [sflag:$0x2] =	stream.linear.gather [hbm4b:s4+s3], $0x2800, $0x38;
	[tilespmem:$0x2D80] =	vst v63  }
0xf: {  	_ =	swait.ge [sflag:s9], $0x2800  }
0x10: {  	[sflag:s9] =	ssyncset.done $0x0  }
0x11: {  	[sflag:s9] =	ssyncadd.s32 $0xFFFFD800  }
0x12: {  	[tilespmem:$0x2A80] =	vst v0  }
0x13: {  	[tilespmem:$0x2A90] =	vst v0  }
0x14: {  	[tilespmem:$0x2AA0] =	vst v0  }
0x15: {  	[tilespmem:$0x2AB0] =	vst v0  }
0x16: {  	[tilespmem:$0x2AC0] =	vst v0  }
0x17: {  	[tilespmem:$0x2AD0] =	vst v0  }
0x18: {  	[tilespmem:$0x2AE0] =	vst v0  }
0x19: {  	[tilespmem:$0x2AF0] =	vst v0  }
0x1a: {  	[tilespmem:$0x2B00] =	vst v1  }
0x1b: {  	[tilespmem:$0x2B10] =	vst v1  }
0x1c: {  	[tilespmem:$0x2B20] =	vst v1  }
0x1d: {  	[tilespmem:$0x2B30] =	vst v1  }
0x1e: {  	[tilespmem:$0x2B40] =	vst v1  }
0x1f: {  	[tilespmem:$0x2B50] =	vst v1  }
0x20: {  	[tilespmem:$0x2B60] =	vst v1  }
0x21: {  	[tilespmem:$0x2B70] =	vst v1  }
0x22: {  	[tilespmem:$0x2B80] =	vst v1  }
0x23: {  	[tilespmem:$0x2B90] =	vst v1  }
0x24: {  	[tilespmem:$0x2BA0] =	vst v1  }
0x25: {  	[tilespmem:$0x2BB0] =	vst v1  }
0x26: {  	[tilespmem:$0x2BC0] =	vst v1  }
0x27: {  	[tilespmem:$0x2BD0] =	vst v1  }
0x28: {  	[tilespmem:$0x2BE0] =	vst v1  }
0x29: {  	[tilespmem:$0x2BF0] =	vst v1  }
0x2a: {  	[tilespmem:$0x2C00] =	vst v1  }
0x2b: {  	[tilespmem:$0x2C10] =	vst v1  }
0x2c: {  	[tilespmem:$0x2C20] =	vst v1  }
0x2d: {  	[tilespmem:$0x2C30] =	vst v1  }
0x2e: {  	[tilespmem:$0x2C40] =	vst v1  }
0x2f: {  	[tilespmem:$0x2C50] =	vst v1  }
0x30: {  	[tilespmem:$0x2C60] =	vst v1  }
0x31: {  	[tilespmem:$0x2C70] =	vst v1  }
0x32: {  	[tilespmem:$0x2C80] =	vst v1  }
0x33: {  	[tilespmem:$0x2C90] =	vst v1  }
0x34: {  	[tilespmem:$0x2CA0] =	vst v1  }
0x35: {  	[tilespmem:$0x2CB0] =	vst v1  }
0x36: {  	[tilespmem:$0x2CC0] =	vst v1  }
0x37: {  	[tilespmem:$0x2CD0] =	vst v1  }
0x38: {  	[tilespmem:$0x2CE0] =	vst v1  }
0x39: {  	[tilespmem:$0x2CF0] =	vst v1  }
0x3a: {  	[tilespmem:$0x2D00] =	vst v1  }
0x3b: {  	[tilespmem:$0x2D10] =	vst v1  }
0x3c: {  	[tilespmem:$0x2D20] =	vst v1  }
0x3d: {  	[tilespmem:$0x2D30] =	vst v1  }
0x3e: {  	[tilespmem:$0x2D40] =	vst v1  }
0x3f: {  	[tilespmem:$0x2D50] =	vst v1  }
0x40: {  	[tilespmem:$0x2D60] =	vst v1  }
0x41: {  	[tilespmem:$0x2D70] =	vst v1  }
0x42: {  	[spmem:s5] =	stream.linear.scatter [tilespmem:s10], [sflag:$0x2], $0x280, $0x38;
	[tilespmem:$0x2D80] =	vst v63  }
0x43: {  	_ =	swait.ge [sflag:s9], $0x280  }
0x44: {  	[sflag:s9] =	ssyncset.done $0x0  }
0x45: {  	[sflag:s9] =	ssyncadd.s32 $0xFFFFFD80  }
0x46: {  	[bflag:$0x0] =	sbarrier.arrive $0xFFFF  }
0x47: {  	[spmem:s2] =	stream.indirect.scatter.add.f32 [tilespmem:s12], [sflag:$0x1], $0x1, s8, s11, $0xb8;
	[tilespmem:$0x2D80] =	vst v63  }
0x48: {  	_ = 	snop  }
0x49: {  	[spmem:s2] =	stream.indirect.scatter.add.f32 [tilespmem:s12], [sflag:$0x1], $0x1, s13, s11, $0xb8;
	[tilespmem:$0x2D80] =	vst v63  }
0x4a: {  	_ = 	snop  }
0x4b: {  	[spmem:s2] =	stream.indirect.scatter.add.f32 [tilespmem:s12], [sflag:$0x1], $0x1, s14, s11, $0xb8;
	[tilespmem:$0x2D80] =	vst v63  }
0x4c: {  	_ = 	snop  }
0x4d: {  	[spmem:s2] =	stream.indirect.scatter.add.f32 [tilespmem:s12], [sflag:$0x1], $0x1, s15, s11, $0xb8;
	[tilespmem:$0x2D80] =	vst v63  }
0x4e: {  	_ =	swait.ge [sflag:s16], $0x80  }
0x4f: {  	[sflag:s16] =	ssyncset.done $0x0  }
0x50: {  	s20 =	simm.s32 $0xA00;
	s21 =	simm.s32 $0x480;
	[sflag:s16] =	ssyncadd.s32 $0xFFFFFF80  }
.LBB2_2:
0x51: {  	[spmem:s2] =	stream.indirect.scatter.add.f32 [tilespmem:s12], [sflag:$0x1], $0x1, s21, s11, $0xb8;
	[tilespmem:$0x2D80] =	vst v63  }
0x52: {  	s21 =	smov.u32 s20;
	p0 =	sne.s32 s20, $0x9E00  }
.Ltmp0:
0x53: {  	s20 =	sadd.s32 $0x200, s20;
	(pc) =	sbr.rel @p0 .LBB2_2-.Ltmp0, $4  }
0x54: {  	_ = 	snop  }
0x55: {  	_ =	swait.ge [sflag:s16], $0x80  }
0x56: {  	s21 =	sshra.s32 s21, $0x2;
	[sflag:s16] =	ssyncset.done $0x0  }
0x57: {  	s21 =	sadd.s32 $0x280, s21;
	[sflag:s16] =	ssyncadd.s32 $0xFFFFFF80  }
0x58: {  	[spmem:s2] =	stream.indirect.scatter.add.f32 [tilespmem:s12], [sflag:$0x1], $0x1, s21, s11, $0xb8;
	[tilespmem:$0x2D80] =	vst v63  }
0x59: {  	_ =	swait.ge [sflag:s16], $0x80  }
0x5a: {  	[sflag:s16] =	ssyncset.done $0x0  }
0x5b: {  	[sflag:s16] =	ssyncadd.s32 $0xFFFFFF80  }
0x5c: {  	_ =	swait.ge [sflag:s16], $0x80  }
0x5d: {  	[sflag:s16] =	ssyncset.done $0x0  }
0x5e: {  	[sflag:s16] =	ssyncadd.s32 $0xFFFFFF80  }
0x5f: {  	_ =	swait.ge [sflag:s16], $0x80  }
0x60: {  	[sflag:s16] =	ssyncset.done $0x0  }
0x61: {  	[sflag:s16] =	ssyncadd.s32 $0xFFFFFF80  }
0x62: {  	_ =	swait.ge [sflag:s16], $0x80  }
0x63: {  	s19 =	sadd.s32 $0x1, s19;
	[sflag:s16] =	ssyncset.done $0x0  }
0x64: {  	p0 =	sne.s32 s19, s7;
	[sflag:s16] =	ssyncadd.s32 $0xFFFFFF80  }
.Ltmp1:
0x65: {  	[bflag:$0x0] =	sbarrier.arrive $0xFFFF;
	(pc) =	sbr.rel @p0 .LBB2_1-.Ltmp1, $4  }
0x66: {  	[hbm:s6], [sflag:s17] =	dma.local [spmem:s18], $0x50  }
0x67: {  	_ =	swait.ge [sflag:s9], $0x50  }
0x68: {  	[sflag:s9] =	ssyncset.done $0x0  }
0x69: {  	[sflag:s9] =	ssyncadd.s32 $0xFFFFFFB0  }
0x6a: {  	_ =	sfence.sel $0x180000  }
0x6b: {  	[bflag:$0x0] =	sbarrier.arrive $0xFFFF  }
0x6c: {  	p0 =	sne.s32 s0, $0x0;
	_ =	strace $0x90000047  }
0x6d: {  	s0 =	sadd.s32 @!p0 $0x100000, s1;
	[bflag:$0x2] =	sbarrier.arrive $0xFFFF  }
0x6e: {  	[sflag:s0] =	ssyncadd.tile.s32 @!p0 $0x1;
	_ =	shalt  }
.Lfunc_end2:
_tile_overlayer_lowered:
.L_overlay_start_2:
0x6f: {  	(tag) =	ssettag $0x2  }
0x70: {  	s0 =	rddreg [dreg:$0x0];
	s2 =	stileid.u32  }
0x71: {  	s1 =	rddreg [dreg:$0x1];
	p0 =	sne.s32 s2, $0x0  }
0x72: {  	s3 =	rddreg [dreg:$0x2];
	[bflag:$0x3] =	sbarrier.arrive $0xFFFF;
	s2 =	simm.s32 @!p0 $0x1C02  }
0x73: {  	[timem:s3], [sflag:s2] =	dma.local @!p0 [hbm:s0], s1  }
0x74: {  	s0 =	simm.s32 @!p0 $0x2  }
0x75: {  	_ =	swait.ge @!p0 [sflag:s0], s1  }
0x76: {  	s1 =	ssub.s32 @!p0 $0x0, s1;
	[sflag:s0] =	ssyncset.done @!p0 $0x0  }
0x77: {  	[sflag:s0] =	ssyncadd.s32 @!p0 s1  }
0x78: {  	[bflag:$0x3] =	sbarrier.arrive $0xFFFF  }
0x79: {  	_ =	shalt  }

</sc_bundles>
